<compile_context>
chip_gen: v7x
topology: tpu7x:2x2x1
jax: 0.10.2.dev20260603
libtpu: 0.0.44.dev20260713+nightly
codegen_flags: <defaults>
</compile_context>

<pallas_src>
import functools

import jax
import jax.numpy as jnp
from jax import lax
from jax.experimental import pallas as pl
from jax.experimental.pallas import tpu as pltpu
from jax.experimental.pallas import tpu_sc as plsc

N = 10000
E = 320000
F = 128
H = 128
C = 40
CP = 48
NC, NS = 2, 16
NW = NC * NS
EPW = E // NW
CHUNK = 125
CPW = EPW // CHUNK
NPAD = 10240
STRIPE = NPAD // NS
_STRIPE_CHUNKS = [(t * 80, 80) for t in range(STRIPE // 80)]

_mesh = plsc.VectorSubcoreMesh(core_axis_name="c", subcore_axis_name="s")


@functools.partial(
    pl.kernel,
    out_type=jax.ShapeDtypeStruct((NW, N), jnp.float32),
    mesh=_mesh,
    scratch_types=[
        pltpu.VMEM((N,), jnp.float32),
        pltpu.VMEM((EPW // 16, 16), jnp.int32),
    ],
    compiler_params=pltpu.CompilerParams(needs_layout_passes=False,
                                        use_tc_tiling_on_sc=False),
)
def _sc_degree(col_hbm, z_hbm, out_hbm, hist, colv):
    c = lax.axis_index("c")
    s = lax.axis_index("s")
    w = c * NS + s
    pltpu.sync_copy(z_hbm, hist)
    pltpu.sync_copy(col_hbm.at[w], colv)
    ones = jnp.full((16,), 1.0, jnp.float32)

    @pl.loop(0, EPW // 16)
    def _(j):
        plsc.addupdate_scatter(hist, [colv[j]], ones)

    pltpu.sync_copy(hist, out_hbm.at[w])


def _make_prop(d, tc_tiling, nep):
    cpe = CPW // nep

    @functools.partial(
        pl.kernel,
        out_type=jax.ShapeDtypeStruct((NC, NPAD, d), jnp.float32),
        mesh=_mesh,
        scratch_types=[
            pltpu.VMEM_SHARED((NPAD, d), jnp.float32),
            pltpu.VMEM((cpe, CHUNK), jnp.int32),
            pltpu.VMEM((cpe, CHUNK), jnp.int32),
            pltpu.VMEM((CHUNK, d), jnp.float32),
            pltpu.VMEM((CHUNK, d), jnp.float32),
            pltpu.SemaphoreType.DMA,
            pltpu.SemaphoreType.DMA,
        ],
        compiler_params=pltpu.CompilerParams(use_tc_tiling_on_sc=tc_tiling),
    )
    def prop(hs_hbm, row_hbm, col_hbm, z_hbm, out_hbm,
             acc, rowv, colv, buf0, buf1, sem0, sem1):
        c = lax.axis_index("c")
        s = lax.axis_index("s")
        w = c * NS + s
        base = s * STRIPE
        pltpu.sync_copy(z_hbm, buf0)
        for off, sz in _STRIPE_CHUNKS:
            pltpu.sync_copy(buf0.at[pl.ds(0, sz)],
                            acc.at[pl.ds(base + off, sz)])
        plsc.subcore_barrier()

        for ep in range(nep):
            pltpu.sync_copy(row_hbm.at[w, pl.ds(ep * cpe, cpe)], rowv)
            pltpu.sync_copy(col_hbm.at[w, pl.ds(ep * cpe, cpe)], colv)

            pltpu.async_copy(hs_hbm.at[rowv.at[0]], buf0, sem0)

            @pl.loop(0, cpe // 2)
            def _(g):
                j0 = 2 * g
                a1 = pltpu.async_copy(hs_hbm.at[rowv.at[j0 + 1]], buf1, sem1)
                pltpu.make_async_copy(hs_hbm.at[rowv.at[j0]], buf0, sem0).wait()
                pltpu.sync_copy(buf0, acc.at[colv.at[j0]], add=True)

                @pl.when(g + 1 < cpe // 2)
                def _():
                    pltpu.async_copy(hs_hbm.at[rowv.at[j0 + 2]], buf0, sem0)

                a1.wait()
                pltpu.sync_copy(buf1, acc.at[colv.at[j0 + 1]], add=True)

        plsc.subcore_barrier()
        for off, sz in _STRIPE_CHUNKS:
            pltpu.sync_copy(acc.at[pl.ds(base + off, sz)],
                            buf0.at[pl.ds(0, sz)])
            pltpu.sync_copy(buf0.at[pl.ds(0, sz)],
                            out_hbm.at[c, pl.ds(base + off, sz)])

    return prop


_prop_h = _make_prop(H, False, 2)
_prop_c = _make_prop(CP, False, 1)


def _tc0_body(e_ref, row_ref, col_ref):
    v = e_ref[...]
    row_ref[...] = v[0]
    col_ref[...] = v[1]


def _dis(deg_ref):
    return lax.rsqrt(jnp.sum(deg_ref[...], axis=0)[:, None] + 1.0)


def _tc1_body(x_ref, w_ref, deg_ref, o_ref):
    h = jnp.dot(x_ref[...], w_ref[...], preferred_element_type=jnp.float32)
    o_ref[...] = h * _dis(deg_ref)


def _tc2_body(p_ref, hs1_ref, deg_ref, b1_ref, w2_ref, o_ref):
    dis = _dis(deg_ref)
    p = p_ref[0, :N, :] + p_ref[1, :N, :] + hs1_ref[...]
    z = jnp.maximum(p * dis + b1_ref[...], 0.0)
    o_ref[...] = jnp.dot(z, w2_ref[...],
                         preferred_element_type=jnp.float32) * dis


def _tc3_body(q_ref, hs2_ref, deg_ref, b2_ref, o_ref):
    p2 = q_ref[0, :N, :] + q_ref[1, :N, :] + hs2_ref[...]
    o_ref[...] = (p2 * _dis(deg_ref))[:, :C] + b2_ref[...]


def kernel(x, edge_index, W1, b1, W2, b2):
    rowd, cold = pl.pallas_call(
        _tc0_body,
        out_shape=(jax.ShapeDtypeStruct((E,), jnp.int32),
                   jax.ShapeDtypeStruct((E,), jnp.int32)),
    )(edge_index)
    row3 = rowd.reshape(NW, CPW, CHUNK)
    col3 = cold.reshape(NW, CPW, CHUNK)
    col16 = cold.reshape(NW, EPW // 16, 16)
    w2p = jnp.pad(W2, ((0, 0), (0, CP - C)))
    b1r = b1.reshape(1, H)
    b2r = b2.reshape(1, C)
    zdeg = jnp.zeros((N,), jnp.float32)
    zh = jnp.zeros((CHUNK, H), jnp.float32)
    zc = jnp.zeros((CHUNK, CP), jnp.float32)

    degp = _sc_degree(col16, zdeg)

    hs1 = pl.pallas_call(
        _tc1_body,
        out_shape=jax.ShapeDtypeStruct((N, H), jnp.float32),
    )(x, W1, degp)

    P = _prop_h(hs1, row3, col3, zh)

    hs2 = pl.pallas_call(
        _tc2_body,
        out_shape=jax.ShapeDtypeStruct((N, CP), jnp.float32),
    )(P, hs1, degp, b1r, w2p)

    Q = _prop_c(hs2, row3, col3, zc)

    y = pl.pallas_call(
        _tc3_body,
        out_shape=jax.ShapeDtypeStruct((N, C), jnp.float32),
    )(Q, hs2, degp, b2r)

    return y

# --- scband reference (transcript-rebuilt; emitter-appended) ---
"""Pipeline reference for scband-train-net-1546188227168 (READ-ONLY COPY).

The authoritative reference and input builder live on the scoring server;
editing this copy changes nothing except your own understanding.
"""

import jax, jax.numpy as jnp
import numpy as np

N = 10000
E = 320000
NFEAT = 128
NHID = 128
NCLASS = 40


def setup_inputs(seed: int = 0) -> dict:
    key = jax.random.key(seed)
    k1, k2, k3, k4 = jax.random.split(key, 4)
    x = jax.random.normal(k1, (N, NFEAT), dtype=jnp.float32)
    edge_index = jax.random.randint(k2, (2, E), 0, N, dtype=jnp.int32)
    W1 = jax.random.normal(k3, (NFEAT, NHID), dtype=jnp.float32) * (1.0 / np.sqrt(NFEAT))
    b1 = jnp.zeros((NHID,), dtype=jnp.float32)
    W2 = jax.random.normal(k4, (NHID, NCLASS), dtype=jnp.float32) * (1.0 / np.sqrt(NHID))
    b2 = jnp.zeros((NCLASS,), dtype=jnp.float32)
    return {"x": x, "edge_index": edge_index, "W1": W1, "b1": b1, "W2": W2, "b2": b2}


def _gcn_layer(x, row, col, W, b, n_nodes):
    # GCNConv: h = x @ W, symmetric normalization with self-loops, scatter-add to dst
    h = x @ W
    ones = jnp.ones(row.shape[0], dtype=x.dtype)
    deg = jnp.zeros((n_nodes,), dtype=x.dtype).at[col].add(ones)
    deg_inv_sqrt = jnp.where(deg > 0, deg ** -0.5, 0.0)
    norm = deg_inv_sqrt[row] * deg_inv_sqrt[col]
    msg = h[row] * norm[:, None]
    out = jnp.zeros_like(h).at[col].add(msg)
    return out + b


def reference(x, edge_index, W1, b1, W2, b2):
    n_nodes = x.shape[0]
    loop = jnp.arange(n_nodes, dtype=edge_index.dtype)
    row = jnp.concatenate([edge_index[0], loop])
    col = jnp.concatenate([edge_index[1], loop])
    h = jax.nn.relu(_gcn_layer(x, row, col, W1, b1, n_nodes))
    # dropout is identity in eval mode
    out = _gcn_layer(h, row, col, W2, b2, n_nodes)
    return out

if __name__ == "__main__":
    import jax
    _d = setup_inputs()
    print(jax.jit(kernel)(*tuple(_d.values())))

</pallas_src>

<mosaic_0001>
#map = affine_map<(d0, d1) -> (0, 0)>
#map1 = affine_map<(d0, d1) -> (0, 0, 0)>
module attributes {stable_mosaic.version = 14 : i64} {
  func.func @prop(%arg0: i32, %arg1: i32, %arg2: memref<10000x48xf32, #tpu.memory_space<hbm>>, %arg3: memref<32x80x125xi32, #tpu.memory_space<hbm>>, %arg4: memref<32x80x125xi32, #tpu.memory_space<hbm>>, %arg5: memref<125x48xf32, #tpu.memory_space<hbm>>, %arg6: memref<2x10240x48xf32, #tpu.memory_space<hbm>>, %arg7: memref<10240x48xf32, #tpu.memory_space<vmem_shared>>, %arg8: memref<80x125xi32, #tpu.memory_space<vmem>>, %arg9: memref<80x125xi32, #tpu.memory_space<vmem>>, %arg10: memref<125x48xf32, #tpu.memory_space<vmem>>, %arg11: memref<125x48xf32, #tpu.memory_space<vmem>>, %arg12: memref<!tpu.dma_semaphore, #tpu.memory_space<semaphore_mem>>, %arg13: memref<!tpu.dma_semaphore, #tpu.memory_space<semaphore_mem>>) attributes {dimension_semantics = [#tpu.dimension_semantics<core_parallel>, #tpu.dimension_semantics<subcore_parallel>], iteration_bounds = array<i64: 2, 16>, scalar_prefetch = 0 : i64, scratch_operands = 7 : i64, tpu.core_type = #tpu.core_type<sc_vector_subcore>, window_params = [{transform_indices = #map}, {transform_indices = #map1}, {transform_indices = #map1}, {transform_indices = #map}, {transform_indices = #map1}]} {
    %mul3A = arith.constant 16 : i32
    %mul3A_0 = arith.muli %arg0, %mul3A : i32
    %add3A = arith.addi %mul3A_0, %arg1 : i32
    %mul3A_1 = arith.constant 640 : i32
    %mul3A_2 = arith.muli %arg1, %mul3A_1 : i32
    "tpu.region"() ({
      %run_scoped3A = tpu.sem_alloc : memref<!tpu.dma_semaphore, #tpu.memory_space<semaphore_mem>>
      tpu.enqueue_dma source(%arg5 : memref<125x48xf32, #tpu.memory_space<hbm>>) target(%arg10 : memref<125x48xf32, #tpu.memory_space<vmem>>) target_semaphore(%run_scoped3A : memref<!tpu.dma_semaphore, #tpu.memory_space<semaphore_mem>>)
      tpu.wait_dma2 semaphore(%run_scoped3A : memref<!tpu.dma_semaphore, #tpu.memory_space<semaphore_mem>>) src(%arg5 : memref<125x48xf32, #tpu.memory_space<hbm>>) dst(%arg10 : memref<125x48xf32, #tpu.memory_space<vmem>>)
      tpu.yield
    }) : () -> ()
    %add3A_3 = arith.constant 0 : i32
    %add3A_4 = arith.addi %mul3A_2, %add3A_3 : i32
    "tpu.region"() ({
      %run_scoped3A = tpu.sem_alloc : memref<!tpu.dma_semaphore, #tpu.memory_space<semaphore_mem>>
      %dma_start3A_62 = arith.constant 0 : i32
      %dma_start3A_63 = arith.constant 0 : i32
      %dma_start3A_64 = tpu.memref_slice %arg10[%dma_start3A_62, %dma_start3A_63] : memref<125x48xf32, #tpu.memory_space<vmem>> -> memref<80x48xf32, #tpu.memory_space<vmem>>
      %dma_start3A_65 = arith.constant 0 : i32
      %dma_start3A_66 = tpu.memref_slice %arg7[%add3A_4, %dma_start3A_65] : memref<10240x48xf32, #tpu.memory_space<vmem_shared>> -> memref<80x48xf32, #tpu.memory_space<vmem_shared>>
      %dma_start3A_67 = arith.constant 0 : i32
      %dma_start3A_68 = tpu.memref_slice %arg7[%add3A_4, %dma_start3A_67] : memref<10240x48xf32, #tpu.memory_space<vmem_shared>> -> memref<80x48xf32, #tpu.memory_space<vmem_shared>>
      %dma_start3A_69 = arith.constant 0 : i32
      %dma_start3A_70 = arith.constant 0 : i32
      %dma_start3A_71 = tpu.memref_slice %arg10[%dma_start3A_69, %dma_start3A_70] : memref<125x48xf32, #tpu.memory_space<vmem>> -> memref<80x48xf32, #tpu.memory_space<vmem>>
      tpu.enqueue_dma source(%dma_start3A_71 : memref<80x48xf32, #tpu.memory_space<vmem>>) target(%dma_start3A_68 : memref<80x48xf32, #tpu.memory_space<vmem_shared>>) target_semaphore(%run_scoped3A : memref<!tpu.dma_semaphore, #tpu.memory_space<semaphore_mem>>)
      %dma_wait3A = arith.constant 0 : i32
      %dma_wait3A_72 = arith.constant 0 : i32
      %dma_wait3A_73 = tpu.memref_slice %arg10[%dma_wait3A, %dma_wait3A_72] : memref<125x48xf32, #tpu.memory_space<vmem>> -> memref<80x48xf32, #tpu.memory_space<vmem>>
      %dma_wait3A_74 = arith.constant 0 : i32
      %dma_wait3A_75 = tpu.memref_slice %arg7[%add3A_4, %dma_wait3A_74] : memref<10240x48xf32, #tpu.memory_space<vmem_shared>> -> memref<80x48xf32, #tpu.memory_space<vmem_shared>>
      %dma_wait3A_76 = arith.constant 0 : i32
      %dma_wait3A_77 = tpu.memref_slice %arg7[%add3A_4, %dma_wait3A_76] : memref<10240x48xf32, #tpu.memory_space<vmem_shared>> -> memref<80x48xf32, #tpu.memory_space<vmem_shared>>
      %dma_wait3A_78 = arith.constant 0 : i32
      %dma_wait3A_79 = arith.constant 0 : i32
      %dma_wait3A_80 = tpu.memref_slice %arg10[%dma_wait3A_78, %dma_wait3A_79] : memref<125x48xf32, #tpu.memory_space<vmem>> -> memref<80x48xf32, #tpu.memory_space<vmem>>
      tpu.wait_dma2 semaphore(%run_scoped3A : memref<!tpu.dma_semaphore, #tpu.memory_space<semaphore_mem>>) src(%dma_wait3A_80 : memref<80x48xf32, #tpu.memory_space<vmem>>) dst(%dma_wait3A_77 : memref<80x48xf32, #tpu.memory_space<vmem_shared>>)
      tpu.yield
    }) : () -> ()
    %add3A_5 = arith.constant 80 : i32
    %add3A_6 = arith.addi %mul3A_2, %add3A_5 : i32
    "tpu.region"() ({
      %run_scoped3A = tpu.sem_alloc : memref<!tpu.dma_semaphore, #tpu.memory_space<semaphore_mem>>
      %dma_start3A_62 = arith.constant 0 : i32
      %dma_start3A_63 = arith.constant 0 : i32
      %dma_start3A_64 = tpu.memref_slice %arg10[%dma_start3A_62, %dma_start3A_63] : memref<125x48xf32, #tpu.memory_space<vmem>> -> memref<80x48xf32, #tpu.memory_space<vmem>>
      %dma_start3A_65 = arith.constant 0 : i32
      %dma_start3A_66 = tpu.memref_slice %arg7[%add3A_6, %dma_start3A_65] : memref<10240x48xf32, #tpu.memory_space<vmem_shared>> -> memref<80x48xf32, #tpu.memory_space<vmem_shared>>
      %dma_start3A_67 = arith.constant 0 : i32
      %dma_start3A_68 = tpu.memref_slice %arg7[%add3A_6, %dma_start3A_67] : memref<10240x48xf32, #tpu.memory_space<vmem_shared>> -> memref<80x48xf32, #tpu.memory_space<vmem_shared>>
      %dma_start3A_69 = arith.constant 0 : i32
      %dma_start3A_70 = arith.constant 0 : i32
      %dma_start3A_71 = tpu.memref_slice %arg10[%dma_start3A_69, %dma_start3A_70] : memref<125x48xf32, #tpu.memory_space<vmem>> -> memref<80x48xf32, #tpu.memory_space<vmem>>
      tpu.enqueue_dma source(%dma_start3A_71 : memref<80x48xf32, #tpu.memory_space<vmem>>) target(%dma_start3A_68 : memref<80x48xf32, #tpu.memory_space<vmem_shared>>) target_semaphore(%run_scoped3A : memref<!tpu.dma_semaphore, #tpu.memory_space<semaphore_mem>>)
      %dma_wait3A = arith.constant 0 : i32
      %dma_wait3A_72 = arith.constant 0 : i32
      %dma_wait3A_73 = tpu.memref_slice %arg10[%dma_wait3A, %dma_wait3A_72] : memref<125x48xf32, #tpu.memory_space<vmem>> -> memref<80x48xf32, #tpu.memory_space<vmem>>
      %dma_wait3A_74 = arith.constant 0 : i32
      %dma_wait3A_75 = tpu.memref_slice %arg7[%add3A_6, %dma_wait3A_74] : memref<10240x48xf32, #tpu.memory_space<vmem_shared>> -> memref<80x48xf32, #tpu.memory_space<vmem_shared>>
      %dma_wait3A_76 = arith.constant 0 : i32
      %dma_wait3A_77 = tpu.memref_slice %arg7[%add3A_6, %dma_wait3A_76] : memref<10240x48xf32, #tpu.memory_space<vmem_shared>> -> memref<80x48xf32, #tpu.memory_space<vmem_shared>>
      %dma_wait3A_78 = arith.constant 0 : i32
      %dma_wait3A_79 = arith.constant 0 : i32
      %dma_wait3A_80 = tpu.memref_slice %arg10[%dma_wait3A_78, %dma_wait3A_79] : memref<125x48xf32, #tpu.memory_space<vmem>> -> memref<80x48xf32, #tpu.memory_space<vmem>>
      tpu.wait_dma2 semaphore(%run_scoped3A : memref<!tpu.dma_semaphore, #tpu.memory_space<semaphore_mem>>) src(%dma_wait3A_80 : memref<80x48xf32, #tpu.memory_space<vmem>>) dst(%dma_wait3A_77 : memref<80x48xf32, #tpu.memory_space<vmem_shared>>)
      tpu.yield
    }) : () -> ()
    %add3A_7 = arith.constant 160 : i32
    %add3A_8 = arith.addi %mul3A_2, %add3A_7 : i32
    "tpu.region"() ({
      %run_scoped3A = tpu.sem_alloc : memref<!tpu.dma_semaphore, #tpu.memory_space<semaphore_mem>>
      %dma_start3A_62 = arith.constant 0 : i32
      %dma_start3A_63 = arith.constant 0 : i32
      %dma_start3A_64 = tpu.memref_slice %arg10[%dma_start3A_62, %dma_start3A_63] : memref<125x48xf32, #tpu.memory_space<vmem>> -> memref<80x48xf32, #tpu.memory_space<vmem>>
      %dma_start3A_65 = arith.constant 0 : i32
      %dma_start3A_66 = tpu.memref_slice %arg7[%add3A_8, %dma_start3A_65] : memref<10240x48xf32, #tpu.memory_space<vmem_shared>> -> memref<80x48xf32, #tpu.memory_space<vmem_shared>>
      %dma_start3A_67 = arith.constant 0 : i32
      %dma_start3A_68 = tpu.memref_slice %arg7[%add3A_8, %dma_start3A_67] : memref<10240x48xf32, #tpu.memory_space<vmem_shared>> -> memref<80x48xf32, #tpu.memory_space<vmem_shared>>
      %dma_start3A_69 = arith.constant 0 : i32
      %dma_start3A_70 = arith.constant 0 : i32
      %dma_start3A_71 = tpu.memref_slice %arg10[%dma_start3A_69, %dma_start3A_70] : memref<125x48xf32, #tpu.memory_space<vmem>> -> memref<80x48xf32, #tpu.memory_space<vmem>>
      tpu.enqueue_dma source(%dma_start3A_71 : memref<80x48xf32, #tpu.memory_space<vmem>>) target(%dma_start3A_68 : memref<80x48xf32, #tpu.memory_space<vmem_shared>>) target_semaphore(%run_scoped3A : memref<!tpu.dma_semaphore, #tpu.memory_space<semaphore_mem>>)
      %dma_wait3A = arith.constant 0 : i32
      %dma_wait3A_72 = arith.constant 0 : i32
      %dma_wait3A_73 = tpu.memref_slice %arg10[%dma_wait3A, %dma_wait3A_72] : memref<125x48xf32, #tpu.memory_space<vmem>> -> memref<80x48xf32, #tpu.memory_space<vmem>>
      %dma_wait3A_74 = arith.constant 0 : i32
      %dma_wait3A_75 = tpu.memref_slice %arg7[%add3A_8, %dma_wait3A_74] : memref<10240x48xf32, #tpu.memory_space<vmem_shared>> -> memref<80x48xf32, #tpu.memory_space<vmem_shared>>
      %dma_wait3A_76 = arith.constant 0 : i32
      %dma_wait3A_77 = tpu.memref_slice %arg7[%add3A_8, %dma_wait3A_76] : memref<10240x48xf32, #tpu.memory_space<vmem_shared>> -> memref<80x48xf32, #tpu.memory_space<vmem_shared>>
      %dma_wait3A_78 = arith.constant 0 : i32
      %dma_wait3A_79 = arith.constant 0 : i32
      %dma_wait3A_80 = tpu.memref_slice %arg10[%dma_wait3A_78, %dma_wait3A_79] : memref<125x48xf32, #tpu.memory_space<vmem>> -> memref<80x48xf32, #tpu.memory_space<vmem>>
      tpu.wait_dma2 semaphore(%run_scoped3A : memref<!tpu.dma_semaphore, #tpu.memory_space<semaphore_mem>>) src(%dma_wait3A_80 : memref<80x48xf32, #tpu.memory_space<vmem>>) dst(%dma_wait3A_77 : memref<80x48xf32, #tpu.memory_space<vmem_shared>>)
      tpu.yield
    }) : () -> ()
    %add3A_9 = arith.constant 240 : i32
    %add3A_10 = arith.addi %mul3A_2, %add3A_9 : i32
    "tpu.region"() ({
      %run_scoped3A = tpu.sem_alloc : memref<!tpu.dma_semaphore, #tpu.memory_space<semaphore_mem>>
      %dma_start3A_62 = arith.constant 0 : i32
      %dma_start3A_63 = arith.constant 0 : i32
      %dma_start3A_64 = tpu.memref_slice %arg10[%dma_start3A_62, %dma_start3A_63] : memref<125x48xf32, #tpu.memory_space<vmem>> -> memref<80x48xf32, #tpu.memory_space<vmem>>
      %dma_start3A_65 = arith.constant 0 : i32
      %dma_start3A_66 = tpu.memref_slice %arg7[%add3A_10, %dma_start3A_65] : memref<10240x48xf32, #tpu.memory_space<vmem_shared>> -> memref<80x48xf32, #tpu.memory_space<vmem_shared>>
      %dma_start3A_67 = arith.constant 0 : i32
      %dma_start3A_68 = tpu.memref_slice %arg7[%add3A_10, %dma_start3A_67] : memref<10240x48xf32, #tpu.memory_space<vmem_shared>> -> memref<80x48xf32, #tpu.memory_space<vmem_shared>>
      %dma_start3A_69 = arith.constant 0 : i32
      %dma_start3A_70 = arith.constant 0 : i32
      %dma_start3A_71 = tpu.memref_slice %arg10[%dma_start3A_69, %dma_start3A_70] : memref<125x48xf32, #tpu.memory_space<vmem>> -> memref<80x48xf32, #tpu.memory_space<vmem>>
      tpu.enqueue_dma source(%dma_start3A_71 : memref<80x48xf32, #tpu.memory_space<vmem>>) target(%dma_start3A_68 : memref<80x48xf32, #tpu.memory_space<vmem_shared>>) target_semaphore(%run_scoped3A : memref<!tpu.dma_semaphore, #tpu.memory_space<semaphore_mem>>)
      %dma_wait3A = arith.constant 0 : i32
      %dma_wait3A_72 = arith.constant 0 : i32
      %dma_wait3A_73 = tpu.memref_slice %arg10[%dma_wait3A, %dma_wait3A_72] : memref<125x48xf32, #tpu.memory_space<vmem>> -> memref<80x48xf32, #tpu.memory_space<vmem>>
      %dma_wait3A_74 = arith.constant 0 : i32
      %dma_wait3A_75 = tpu.memref_slice %arg7[%add3A_10, %dma_wait3A_74] : memref<10240x48xf32, #tpu.memory_space<vmem_shared>> -> memref<80x48xf32, #tpu.memory_space<vmem_shared>>
      %dma_wait3A_76 = arith.constant 0 : i32
      %dma_wait3A_77 = tpu.memref_slice %arg7[%add3A_10, %dma_wait3A_76] : memref<10240x48xf32, #tpu.memory_space<vmem_shared>> -> memref<80x48xf32, #tpu.memory_space<vmem_shared>>
      %dma_wait3A_78 = arith.constant 0 : i32
      %dma_wait3A_79 = arith.constant 0 : i32
      %dma_wait3A_80 = tpu.memref_slice %arg10[%dma_wait3A_78, %dma_wait3A_79] : memref<125x48xf32, #tpu.memory_space<vmem>> -> memref<80x48xf32, #tpu.memory_space<vmem>>
      tpu.wait_dma2 semaphore(%run_scoped3A : memref<!tpu.dma_semaphore, #tpu.memory_space<semaphore_mem>>) src(%dma_wait3A_80 : memref<80x48xf32, #tpu.memory_space<vmem>>) dst(%dma_wait3A_77 : memref<80x48xf32, #tpu.memory_space<vmem_shared>>)
      tpu.yield
    }) : () -> ()
    %add3A_11 = arith.constant 320 : i32
    %add3A_12 = arith.addi %mul3A_2, %add3A_11 : i32
    "tpu.region"() ({
      %run_scoped3A = tpu.sem_alloc : memref<!tpu.dma_semaphore, #tpu.memory_space<semaphore_mem>>
      %dma_start3A_62 = arith.constant 0 : i32
      %dma_start3A_63 = arith.constant 0 : i32
      %dma_start3A_64 = tpu.memref_slice %arg10[%dma_start3A_62, %dma_start3A_63] : memref<125x48xf32, #tpu.memory_space<vmem>> -> memref<80x48xf32, #tpu.memory_space<vmem>>
      %dma_start3A_65 = arith.constant 0 : i32
      %dma_start3A_66 = tpu.memref_slice %arg7[%add3A_12, %dma_start3A_65] : memref<10240x48xf32, #tpu.memory_space<vmem_shared>> -> memref<80x48xf32, #tpu.memory_space<vmem_shared>>
      %dma_start3A_67 = arith.constant 0 : i32
      %dma_start3A_68 = tpu.memref_slice %arg7[%add3A_12, %dma_start3A_67] : memref<10240x48xf32, #tpu.memory_space<vmem_shared>> -> memref<80x48xf32, #tpu.memory_space<vmem_shared>>
      %dma_start3A_69 = arith.constant 0 : i32
      %dma_start3A_70 = arith.constant 0 : i32
      %dma_start3A_71 = tpu.memref_slice %arg10[%dma_start3A_69, %dma_start3A_70] : memref<125x48xf32, #tpu.memory_space<vmem>> -> memref<80x48xf32, #tpu.memory_space<vmem>>
      tpu.enqueue_dma source(%dma_start3A_71 : memref<80x48xf32, #tpu.memory_space<vmem>>) target(%dma_start3A_68 : memref<80x48xf32, #tpu.memory_space<vmem_shared>>) target_semaphore(%run_scoped3A : memref<!tpu.dma_semaphore, #tpu.memory_space<semaphore_mem>>)
      %dma_wait3A = arith.constant 0 : i32
      %dma_wait3A_72 = arith.constant 0 : i32
      %dma_wait3A_73 = tpu.memref_slice %arg10[%dma_wait3A, %dma_wait3A_72] : memref<125x48xf32, #tpu.memory_space<vmem>> -> memref<80x48xf32, #tpu.memory_space<vmem>>
      %dma_wait3A_74 = arith.constant 0 : i32
      %dma_wait3A_75 = tpu.memref_slice %arg7[%add3A_12, %dma_wait3A_74] : memref<10240x48xf32, #tpu.memory_space<vmem_shared>> -> memref<80x48xf32, #tpu.memory_space<vmem_shared>>
      %dma_wait3A_76 = arith.constant 0 : i32
      %dma_wait3A_77 = tpu.memref_slice %arg7[%add3A_12, %dma_wait3A_76] : memref<10240x48xf32, #tpu.memory_space<vmem_shared>> -> memref<80x48xf32, #tpu.memory_space<vmem_shared>>
      %dma_wait3A_78 = arith.constant 0 : i32
      %dma_wait3A_79 = arith.constant 0 : i32
      %dma_wait3A_80 = tpu.memref_slice %arg10[%dma_wait3A_78, %dma_wait3A_79] : memref<125x48xf32, #tpu.memory_space<vmem>> -> memref<80x48xf32, #tpu.memory_space<vmem>>
      tpu.wait_dma2 semaphore(%run_scoped3A : memref<!tpu.dma_semaphore, #tpu.memory_space<semaphore_mem>>) src(%dma_wait3A_80 : memref<80x48xf32, #tpu.memory_space<vmem>>) dst(%dma_wait3A_77 : memref<80x48xf32, #tpu.memory_space<vmem_shared>>)
      tpu.yield
    }) : () -> ()
    %add3A_13 = arith.constant 400 : i32
    %add3A_14 = arith.addi %mul3A_2, %add3A_13 : i32
    "tpu.region"() ({
      %run_scoped3A = tpu.sem_alloc : memref<!tpu.dma_semaphore, #tpu.memory_space<semaphore_mem>>
      %dma_start3A_62 = arith.constant 0 : i32
      %dma_start3A_63 = arith.constant 0 : i32
      %dma_start3A_64 = tpu.memref_slice %arg10[%dma_start3A_62, %dma_start3A_63] : memref<125x48xf32, #tpu.memory_space<vmem>> -> memref<80x48xf32, #tpu.memory_space<vmem>>
      %dma_start3A_65 = arith.constant 0 : i32
      %dma_start3A_66 = tpu.memref_slice %arg7[%add3A_14, %dma_start3A_65] : memref<10240x48xf32, #tpu.memory_space<vmem_shared>> -> memref<80x48xf32, #tpu.memory_space<vmem_shared>>
      %dma_start3A_67 = arith.constant 0 : i32
      %dma_start3A_68 = tpu.memref_slice %arg7[%add3A_14, %dma_start3A_67] : memref<10240x48xf32, #tpu.memory_space<vmem_shared>> -> memref<80x48xf32, #tpu.memory_space<vmem_shared>>
      %dma_start3A_69 = arith.constant 0 : i32
      %dma_start3A_70 = arith.constant 0 : i32
      %dma_start3A_71 = tpu.memref_slice %arg10[%dma_start3A_69, %dma_start3A_70] : memref<125x48xf32, #tpu.memory_space<vmem>> -> memref<80x48xf32, #tpu.memory_space<vmem>>
      tpu.enqueue_dma source(%dma_start3A_71 : memref<80x48xf32, #tpu.memory_space<vmem>>) target(%dma_start3A_68 : memref<80x48xf32, #tpu.memory_space<vmem_shared>>) target_semaphore(%run_scoped3A : memref<!tpu.dma_semaphore, #tpu.memory_space<semaphore_mem>>)
      %dma_wait3A = arith.constant 0 : i32
      %dma_wait3A_72 = arith.constant 0 : i32
      %dma_wait3A_73 = tpu.memref_slice %arg10[%dma_wait3A, %dma_wait3A_72] : memref<125x48xf32, #tpu.memory_space<vmem>> -> memref<80x48xf32, #tpu.memory_space<vmem>>
      %dma_wait3A_74 = arith.constant 0 : i32
      %dma_wait3A_75 = tpu.memref_slice %arg7[%add3A_14, %dma_wait3A_74] : memref<10240x48xf32, #tpu.memory_space<vmem_shared>> -> memref<80x48xf32, #tpu.memory_space<vmem_shared>>
      %dma_wait3A_76 = arith.constant 0 : i32
      %dma_wait3A_77 = tpu.memref_slice %arg7[%add3A_14, %dma_wait3A_76] : memref<10240x48xf32, #tpu.memory_space<vmem_shared>> -> memref<80x48xf32, #tpu.memory_space<vmem_shared>>
      %dma_wait3A_78 = arith.constant 0 : i32
      %dma_wait3A_79 = arith.constant 0 : i32
      %dma_wait3A_80 = tpu.memref_slice %arg10[%dma_wait3A_78, %dma_wait3A_79] : memref<125x48xf32, #tpu.memory_space<vmem>> -> memref<80x48xf32, #tpu.memory_space<vmem>>
      tpu.wait_dma2 semaphore(%run_scoped3A : memref<!tpu.dma_semaphore, #tpu.memory_space<semaphore_mem>>) src(%dma_wait3A_80 : memref<80x48xf32, #tpu.memory_space<vmem>>) dst(%dma_wait3A_77 : memref<80x48xf32, #tpu.memory_space<vmem_shared>>)
      tpu.yield
    }) : () -> ()
    %add3A_15 = arith.constant 480 : i32
    %add3A_16 = arith.addi %mul3A_2, %add3A_15 : i32
    "tpu.region"() ({
      %run_scoped3A = tpu.sem_alloc : memref<!tpu.dma_semaphore, #tpu.memory_space<semaphore_mem>>
      %dma_start3A_62 = arith.constant 0 : i32
      %dma_start3A_63 = arith.constant 0 : i32
      %dma_start3A_64 = tpu.memref_slice %arg10[%dma_start3A_62, %dma_start3A_63] : memref<125x48xf32, #tpu.memory_space<vmem>> -> memref<80x48xf32, #tpu.memory_space<vmem>>
      %dma_start3A_65 = arith.constant 0 : i32
      %dma_start3A_66 = tpu.memref_slice %arg7[%add3A_16, %dma_start3A_65] : memref<10240x48xf32, #tpu.memory_space<vmem_shared>> -> memref<80x48xf32, #tpu.memory_space<vmem_shared>>
      %dma_start3A_67 = arith.constant 0 : i32
      %dma_start3A_68 = tpu.memref_slice %arg7[%add3A_16, %dma_start3A_67] : memref<10240x48xf32, #tpu.memory_space<vmem_shared>> -> memref<80x48xf32, #tpu.memory_space<vmem_shared>>
      %dma_start3A_69 = arith.constant 0 : i32
      %dma_start3A_70 = arith.constant 0 : i32
      %dma_start3A_71 = tpu.memref_slice %arg10[%dma_start3A_69, %dma_start3A_70] : memref<125x48xf32, #tpu.memory_space<vmem>> -> memref<80x48xf32, #tpu.memory_space<vmem>>
      tpu.enqueue_dma source(%dma_start3A_71 : memref<80x48xf32, #tpu.memory_space<vmem>>) target(%dma_start3A_68 : memref<80x48xf32, #tpu.memory_space<vmem_shared>>) target_semaphore(%run_scoped3A : memref<!tpu.dma_semaphore, #tpu.memory_space<semaphore_mem>>)
      %dma_wait3A = arith.constant 0 : i32
      %dma_wait3A_72 = arith.constant 0 : i32
      %dma_wait3A_73 = tpu.memref_slice %arg10[%dma_wait3A, %dma_wait3A_72] : memref<125x48xf32, #tpu.memory_space<vmem>> -> memref<80x48xf32, #tpu.memory_space<vmem>>
      %dma_wait3A_74 = arith.constant 0 : i32
      %dma_wait3A_75 = tpu.memref_slice %arg7[%add3A_16, %dma_wait3A_74] : memref<10240x48xf32, #tpu.memory_space<vmem_shared>> -> memref<80x48xf32, #tpu.memory_space<vmem_shared>>
      %dma_wait3A_76 = arith.constant 0 : i32
      %dma_wait3A_77 = tpu.memref_slice %arg7[%add3A_16, %dma_wait3A_76] : memref<10240x48xf32, #tpu.memory_space<vmem_shared>> -> memref<80x48xf32, #tpu.memory_space<vmem_shared>>
      %dma_wait3A_78 = arith.constant 0 : i32
      %dma_wait3A_79 = arith.constant 0 : i32
      %dma_wait3A_80 = tpu.memref_slice %arg10[%dma_wait3A_78, %dma_wait3A_79] : memref<125x48xf32, #tpu.memory_space<vmem>> -> memref<80x48xf32, #tpu.memory_space<vmem>>
      tpu.wait_dma2 semaphore(%run_scoped3A : memref<!tpu.dma_semaphore, #tpu.memory_space<semaphore_mem>>) src(%dma_wait3A_80 : memref<80x48xf32, #tpu.memory_space<vmem>>) dst(%dma_wait3A_77 : memref<80x48xf32, #tpu.memory_space<vmem_shared>>)
      tpu.yield
    }) : () -> ()
    %add3A_17 = arith.constant 560 : i32
    %add3A_18 = arith.addi %mul3A_2, %add3A_17 : i32
    "tpu.region"() ({
      %run_scoped3A = tpu.sem_alloc : memref<!tpu.dma_semaphore, #tpu.memory_space<semaphore_mem>>
      %dma_start3A_62 = arith.constant 0 : i32
      %dma_start3A_63 = arith.constant 0 : i32
      %dma_start3A_64 = tpu.memref_slice %arg10[%dma_start3A_62, %dma_start3A_63] : memref<125x48xf32, #tpu.memory_space<vmem>> -> memref<80x48xf32, #tpu.memory_space<vmem>>
      %dma_start3A_65 = arith.constant 0 : i32
      %dma_start3A_66 = tpu.memref_slice %arg7[%add3A_18, %dma_start3A_65] : memref<10240x48xf32, #tpu.memory_space<vmem_shared>> -> memref<80x48xf32, #tpu.memory_space<vmem_shared>>
      %dma_start3A_67 = arith.constant 0 : i32
      %dma_start3A_68 = tpu.memref_slice %arg7[%add3A_18, %dma_start3A_67] : memref<10240x48xf32, #tpu.memory_space<vmem_shared>> -> memref<80x48xf32, #tpu.memory_space<vmem_shared>>
      %dma_start3A_69 = arith.constant 0 : i32
      %dma_start3A_70 = arith.constant 0 : i32
      %dma_start3A_71 = tpu.memref_slice %arg10[%dma_start3A_69, %dma_start3A_70] : memref<125x48xf32, #tpu.memory_space<vmem>> -> memref<80x48xf32, #tpu.memory_space<vmem>>
      tpu.enqueue_dma source(%dma_start3A_71 : memref<80x48xf32, #tpu.memory_space<vmem>>) target(%dma_start3A_68 : memref<80x48xf32, #tpu.memory_space<vmem_shared>>) target_semaphore(%run_scoped3A : memref<!tpu.dma_semaphore, #tpu.memory_space<semaphore_mem>>)
      %dma_wait3A = arith.constant 0 : i32
      %dma_wait3A_72 = arith.constant 0 : i32
      %dma_wait3A_73 = tpu.memref_slice %arg10[%dma_wait3A, %dma_wait3A_72] : memref<125x48xf32, #tpu.memory_space<vmem>> -> memref<80x48xf32, #tpu.memory_space<vmem>>
      %dma_wait3A_74 = arith.constant 0 : i32
      %dma_wait3A_75 = tpu.memref_slice %arg7[%add3A_18, %dma_wait3A_74] : memref<10240x48xf32, #tpu.memory_space<vmem_shared>> -> memref<80x48xf32, #tpu.memory_space<vmem_shared>>
      %dma_wait3A_76 = arith.constant 0 : i32
      %dma_wait3A_77 = tpu.memref_slice %arg7[%add3A_18, %dma_wait3A_76] : memref<10240x48xf32, #tpu.memory_space<vmem_shared>> -> memref<80x48xf32, #tpu.memory_space<vmem_shared>>
      %dma_wait3A_78 = arith.constant 0 : i32
      %dma_wait3A_79 = arith.constant 0 : i32
      %dma_wait3A_80 = tpu.memref_slice %arg10[%dma_wait3A_78, %dma_wait3A_79] : memref<125x48xf32, #tpu.memory_space<vmem>> -> memref<80x48xf32, #tpu.memory_space<vmem>>
      tpu.wait_dma2 semaphore(%run_scoped3A : memref<!tpu.dma_semaphore, #tpu.memory_space<semaphore_mem>>) src(%dma_wait3A_80 : memref<80x48xf32, #tpu.memory_space<vmem>>) dst(%dma_wait3A_77 : memref<80x48xf32, #tpu.memory_space<vmem_shared>>)
      tpu.yield
    }) : () -> ()
    %barrier3A = arith.constant 0 : index
    tpu.barrier barrier_id(%barrier3A)
    "tpu.region"() ({
      %run_scoped3A = tpu.sem_alloc : memref<!tpu.dma_semaphore, #tpu.memory_space<semaphore_mem>>
      %dma_start3A_62 = arith.constant 0 : i32
      %dma_start3A_63 = arith.constant 0 : i32
      %dma_start3A_64 = tpu.memref_slice %arg3[%add3A, %dma_start3A_62, %dma_start3A_63] : memref<32x80x125xi32, #tpu.memory_space<hbm>> -> memref<1x80x125xi32, #tpu.memory_space<hbm>>
      %dma_start3A_65 = tpu.memref_squeeze %dma_start3A_64 : memref<1x80x125xi32, #tpu.memory_space<hbm>> -> memref<80x125xi32, #tpu.memory_space<hbm>>
      %dma_start3A_66 = arith.constant 0 : i32
      %dma_start3A_67 = arith.constant 0 : i32
      %dma_start3A_68 = tpu.memref_slice %arg3[%add3A, %dma_start3A_66, %dma_start3A_67] : memref<32x80x125xi32, #tpu.memory_space<hbm>> -> memref<1x80x125xi32, #tpu.memory_space<hbm>>
      %dma_start3A_69 = tpu.memref_squeeze %dma_start3A_68 : memref<1x80x125xi32, #tpu.memory_space<hbm>> -> memref<80x125xi32, #tpu.memory_space<hbm>>
      tpu.enqueue_dma source(%dma_start3A_69 : memref<80x125xi32, #tpu.memory_space<hbm>>) target(%arg8 : memref<80x125xi32, #tpu.memory_space<vmem>>) target_semaphore(%run_scoped3A : memref<!tpu.dma_semaphore, #tpu.memory_space<semaphore_mem>>)
      %dma_wait3A = arith.constant 0 : i32
      %dma_wait3A_70 = arith.constant 0 : i32
      %dma_wait3A_71 = tpu.memref_slice %arg3[%add3A, %dma_wait3A, %dma_wait3A_70] : memref<32x80x125xi32, #tpu.memory_space<hbm>> -> memref<1x80x125xi32, #tpu.memory_space<hbm>>
      %dma_wait3A_72 = tpu.memref_squeeze %dma_wait3A_71 : memref<1x80x125xi32, #tpu.memory_space<hbm>> -> memref<80x125xi32, #tpu.memory_space<hbm>>
      %dma_wait3A_73 = arith.constant 0 : i32
      %dma_wait3A_74 = arith.constant 0 : i32
      %dma_wait3A_75 = tpu.memref_slice %arg3[%add3A, %dma_wait3A_73, %dma_wait3A_74] : memref<32x80x125xi32, #tpu.memory_space<hbm>> -> memref<1x80x125xi32, #tpu.memory_space<hbm>>
      %dma_wait3A_76 = tpu.memref_squeeze %dma_wait3A_75 : memref<1x80x125xi32, #tpu.memory_space<hbm>> -> memref<80x125xi32, #tpu.memory_space<hbm>>
      tpu.wait_dma2 semaphore(%run_scoped3A : memref<!tpu.dma_semaphore, #tpu.memory_space<semaphore_mem>>) src(%dma_wait3A_76 : memref<80x125xi32, #tpu.memory_space<hbm>>) dst(%arg8 : memref<80x125xi32, #tpu.memory_space<vmem>>)
      tpu.yield
    }) : () -> ()
    "tpu.region"() ({
      %run_scoped3A = tpu.sem_alloc : memref<!tpu.dma_semaphore, #tpu.memory_space<semaphore_mem>>
      %dma_start3A_62 = arith.constant 0 : i32
      %dma_start3A_63 = arith.constant 0 : i32
      %dma_start3A_64 = tpu.memref_slice %arg4[%add3A, %dma_start3A_62, %dma_start3A_63] : memref<32x80x125xi32, #tpu.memory_space<hbm>> -> memref<1x80x125xi32, #tpu.memory_space<hbm>>
      %dma_start3A_65 = tpu.memref_squeeze %dma_start3A_64 : memref<1x80x125xi32, #tpu.memory_space<hbm>> -> memref<80x125xi32, #tpu.memory_space<hbm>>
      %dma_start3A_66 = arith.constant 0 : i32
      %dma_start3A_67 = arith.constant 0 : i32
      %dma_start3A_68 = tpu.memref_slice %arg4[%add3A, %dma_start3A_66, %dma_start3A_67] : memref<32x80x125xi32, #tpu.memory_space<hbm>> -> memref<1x80x125xi32, #tpu.memory_space<hbm>>
      %dma_start3A_69 = tpu.memref_squeeze %dma_start3A_68 : memref<1x80x125xi32, #tpu.memory_space<hbm>> -> memref<80x125xi32, #tpu.memory_space<hbm>>
      tpu.enqueue_dma source(%dma_start3A_69 : memref<80x125xi32, #tpu.memory_space<hbm>>) target(%arg9 : memref<80x125xi32, #tpu.memory_space<vmem>>) target_semaphore(%run_scoped3A : memref<!tpu.dma_semaphore, #tpu.memory_space<semaphore_mem>>)
      %dma_wait3A = arith.constant 0 : i32
      %dma_wait3A_70 = arith.constant 0 : i32
      %dma_wait3A_71 = tpu.memref_slice %arg4[%add3A, %dma_wait3A, %dma_wait3A_70] : memref<32x80x125xi32, #tpu.memory_space<hbm>> -> memref<1x80x125xi32, #tpu.memory_space<hbm>>
      %dma_wait3A_72 = tpu.memref_squeeze %dma_wait3A_71 : memref<1x80x125xi32, #tpu.memory_space<hbm>> -> memref<80x125xi32, #tpu.memory_space<hbm>>
      %dma_wait3A_73 = arith.constant 0 : i32
      %dma_wait3A_74 = arith.constant 0 : i32
      %dma_wait3A_75 = tpu.memref_slice %arg4[%add3A, %dma_wait3A_73, %dma_wait3A_74] : memref<32x80x125xi32, #tpu.memory_space<hbm>> -> memref<1x80x125xi32, #tpu.memory_space<hbm>>
      %dma_wait3A_76 = tpu.memref_squeeze %dma_wait3A_75 : memref<1x80x125xi32, #tpu.memory_space<hbm>> -> memref<80x125xi32, #tpu.memory_space<hbm>>
      tpu.wait_dma2 semaphore(%run_scoped3A : memref<!tpu.dma_semaphore, #tpu.memory_space<semaphore_mem>>) src(%dma_wait3A_76 : memref<80x125xi32, #tpu.memory_space<hbm>>) dst(%arg9 : memref<80x125xi32, #tpu.memory_space<vmem>>)
      tpu.yield
    }) : () -> ()
    %dma_start3A = arith.constant 0 : i32
    %dma_start3A_19 = arith.constant 0 : i32
    %dma_start3A_20 = tpu.memref_slice %arg8[%dma_start3A, %dma_start3A_19] : memref<80x125xi32, #tpu.memory_space<vmem>> -> memref<1x125xi32, #tpu.memory_space<vmem>>
    %dma_start3A_21 = tpu.memref_squeeze %dma_start3A_20 : memref<1x125xi32, #tpu.memory_space<vmem>> -> memref<125xi32, #tpu.memory_space<vmem>>
    %dma_start3A_22 = arith.constant 0 : i32
    %dma_start3A_23 = arith.constant 0 : i32
    %dma_start3A_24 = tpu.memref_slice %arg2[%dma_start3A_22, %dma_start3A_23] : memref<10000x48xf32, #tpu.memory_space<hbm>> -> memref<10000x48xf32, #tpu.memory_space<hbm>>
    tpu.enqueue_indirect_dma source(%dma_start3A_24 : memref<10000x48xf32, #tpu.memory_space<hbm>>) target(%arg10 : memref<125x48xf32, #tpu.memory_space<vmem>>) offsets(%dma_start3A_21 : memref<125xi32, #tpu.memory_space<vmem>>) semaphore(%arg12 : memref<!tpu.dma_semaphore, #tpu.memory_space<semaphore_mem>>)
    %scan3A = arith.constant 0 : i32
    %scan3A_25 = arith.constant 40 : i32
    %scan3A_26 = arith.addi %scan3A, %scan3A_25 : i32
    %scan3A_27 = arith.constant 1 : i32
    scf.for %scan3A_62 = %scan3A to %scan3A_26 step %scan3A_27  : i32 {
      %mul3A_63 = arith.constant 1 : i32
      %mul3A_64 = arith.muli %scan3A_62, %mul3A_63 : i32
      %add3A_65 = arith.constant 0 : i32
      %add3A_66 = arith.addi %add3A_65, %mul3A_64 : i32
      %mul3A_67 = arith.constant 2 : i32
      %mul3A_68 = arith.muli %mul3A_67, %add3A_66 : i32
      %add3A_69 = arith.constant 1 : i32
      %add3A_70 = arith.addi %mul3A_68, %add3A_69 : i32
      %dma_start3A_71 = arith.constant 0 : i32
      %dma_start3A_72 = tpu.memref_slice %arg8[%add3A_70, %dma_start3A_71] : memref<80x125xi32, #tpu.memory_space<vmem>> -> memref<1x125xi32, #tpu.memory_space<vmem>>
      %dma_start3A_73 = tpu.memref_squeeze %dma_start3A_72 : memref<1x125xi32, #tpu.memory_space<vmem>> -> memref<125xi32, #tpu.memory_space<vmem>>
      %dma_start3A_74 = arith.constant 0 : i32
      %dma_start3A_75 = arith.constant 0 : i32
      %dma_start3A_76 = tpu.memref_slice %arg2[%dma_start3A_74, %dma_start3A_75] : memref<10000x48xf32, #tpu.memory_space<hbm>> -> memref<10000x48xf32, #tpu.memory_space<hbm>>
      tpu.enqueue_indirect_dma source(%dma_start3A_76 : memref<10000x48xf32, #tpu.memory_space<hbm>>) target(%arg11 : memref<125x48xf32, #tpu.memory_space<vmem>>) offsets(%dma_start3A_73 : memref<125xi32, #tpu.memory_space<vmem>>) semaphore(%arg13 : memref<!tpu.dma_semaphore, #tpu.memory_space<semaphore_mem>>)
      %dma_wait3A = arith.constant 0 : i32
      %dma_wait3A_77 = tpu.memref_slice %arg8[%mul3A_68, %dma_wait3A] : memref<80x125xi32, #tpu.memory_space<vmem>> -> memref<1x125xi32, #tpu.memory_space<vmem>>
      %dma_wait3A_78 = tpu.memref_squeeze %dma_wait3A_77 : memref<1x125xi32, #tpu.memory_space<vmem>> -> memref<125xi32, #tpu.memory_space<vmem>>
      %dma_wait3A_79 = arith.constant 0 : i32
      %dma_wait3A_80 = arith.constant 0 : i32
      %dma_wait3A_81 = tpu.memref_slice %arg2[%dma_wait3A_79, %dma_wait3A_80] : memref<10000x48xf32, #tpu.memory_space<hbm>> -> memref<10000x48xf32, #tpu.memory_space<hbm>>
      tpu.wait_indirect_dma semaphore(%arg12 : memref<!tpu.dma_semaphore, #tpu.memory_space<semaphore_mem>>) src(%dma_wait3A_81 : memref<10000x48xf32, #tpu.memory_space<hbm>>) dst(%arg10 : memref<125x48xf32, #tpu.memory_space<vmem>>)
      "tpu.region"() ({
        %run_scoped3A = tpu.sem_alloc : memref<!tpu.dma_semaphore, #tpu.memory_space<semaphore_mem>>
        %dma_start3A_94 = arith.constant 0 : i32
        %dma_start3A_95 = tpu.memref_slice %arg9[%mul3A_68, %dma_start3A_94] : memref<80x125xi32, #tpu.memory_space<vmem>> -> memref<1x125xi32, #tpu.memory_space<vmem>>
        %dma_start3A_96 = tpu.memref_squeeze %dma_start3A_95 : memref<1x125xi32, #tpu.memory_space<vmem>> -> memref<125xi32, #tpu.memory_space<vmem>>
        %dma_start3A_97 = arith.constant 0 : i32
        %dma_start3A_98 = arith.constant 0 : i32
        %dma_start3A_99 = tpu.memref_slice %arg7[%dma_start3A_97, %dma_start3A_98] : memref<10240x48xf32, #tpu.memory_space<vmem_shared>> -> memref<10240x48xf32, #tpu.memory_space<vmem_shared>>
        tpu.enqueue_indirect_dma source(%arg10 : memref<125x48xf32, #tpu.memory_space<vmem>>) target(%dma_start3A_99 : memref<10240x48xf32, #tpu.memory_space<vmem_shared>>) offsets(%dma_start3A_96 : memref<125xi32, #tpu.memory_space<vmem>>) semaphore(%run_scoped3A : memref<!tpu.dma_semaphore, #tpu.memory_space<semaphore_mem>>) {add = true}
        %dma_wait3A_100 = arith.constant 0 : i32
        %dma_wait3A_101 = tpu.memref_slice %arg9[%mul3A_68, %dma_wait3A_100] : memref<80x125xi32, #tpu.memory_space<vmem>> -> memref<1x125xi32, #tpu.memory_space<vmem>>
        %dma_wait3A_102 = tpu.memref_squeeze %dma_wait3A_101 : memref<1x125xi32, #tpu.memory_space<vmem>> -> memref<125xi32, #tpu.memory_space<vmem>>
        %dma_wait3A_103 = arith.constant 0 : i32
        %dma_wait3A_104 = arith.constant 0 : i32
        %dma_wait3A_105 = tpu.memref_slice %arg7[%dma_wait3A_103, %dma_wait3A_104] : memref<10240x48xf32, #tpu.memory_space<vmem_shared>> -> memref<10240x48xf32, #tpu.memory_space<vmem_shared>>
        tpu.wait_indirect_dma semaphore(%run_scoped3A : memref<!tpu.dma_semaphore, #tpu.memory_space<semaphore_mem>>) src(%arg10 : memref<125x48xf32, #tpu.memory_space<vmem>>) dst(%dma_wait3A_105 : memref<10240x48xf32, #tpu.memory_space<vmem_shared>>)
        tpu.yield
      }) : () -> ()
      %add3A_82 = arith.constant 1 : i32
      %add3A_83 = arith.addi %add3A_66, %add3A_82 : i32
      %lt3A = arith.constant 40 : i32
      %lt3A_84 = arith.cmpi slt, %add3A_83, %lt3A : i32
      %convert_element_type3A = arith.extui %lt3A_84 : i1 to i32
      %cond3A = arith.constant 0 : i32
      %cond3A_85 = arith.cmpi ne, %convert_element_type3A, %cond3A : i32
      scf.if %cond3A_85 {
        %add3A_94 = arith.constant 2 : i32
        %add3A_95 = arith.addi %mul3A_68, %add3A_94 : i32
        %dma_start3A_96 = arith.constant 0 : i32
        %dma_start3A_97 = tpu.memref_slice %arg8[%add3A_95, %dma_start3A_96] : memref<80x125xi32, #tpu.memory_space<vmem>> -> memref<1x125xi32, #tpu.memory_space<vmem>>
        %dma_start3A_98 = tpu.memref_squeeze %dma_start3A_97 : memref<1x125xi32, #tpu.memory_space<vmem>> -> memref<125xi32, #tpu.memory_space<vmem>>
        %dma_start3A_99 = arith.constant 0 : i32
        %dma_start3A_100 = arith.constant 0 : i32
        %dma_start3A_101 = tpu.memref_slice %arg2[%dma_start3A_99, %dma_start3A_100] : memref<10000x48xf32, #tpu.memory_space<hbm>> -> memref<10000x48xf32, #tpu.memory_space<hbm>>
        tpu.enqueue_indirect_dma source(%dma_start3A_101 : memref<10000x48xf32, #tpu.memory_space<hbm>>) target(%arg10 : memref<125x48xf32, #tpu.memory_space<vmem>>) offsets(%dma_start3A_98 : memref<125xi32, #tpu.memory_space<vmem>>) semaphore(%arg12 : memref<!tpu.dma_semaphore, #tpu.memory_space<semaphore_mem>>)
      } else {
      }
      %dma_wait3A_86 = arith.constant 0 : i32
      %dma_wait3A_87 = tpu.memref_slice %arg8[%add3A_70, %dma_wait3A_86] : memref<80x125xi32, #tpu.memory_space<vmem>> -> memref<1x125xi32, #tpu.memory_space<vmem>>
      %dma_wait3A_88 = tpu.memref_squeeze %dma_wait3A_87 : memref<1x125xi32, #tpu.memory_space<vmem>> -> memref<125xi32, #tpu.memory_space<vmem>>
      %dma_wait3A_89 = arith.constant 0 : i32
      %dma_wait3A_90 = arith.constant 0 : i32
      %dma_wait3A_91 = tpu.memref_slice %arg2[%dma_wait3A_89, %dma_wait3A_90] : memref<10000x48xf32, #tpu.memory_space<hbm>> -> memref<10000x48xf32, #tpu.memory_space<hbm>>
      tpu.wait_indirect_dma semaphore(%arg13 : memref<!tpu.dma_semaphore, #tpu.memory_space<semaphore_mem>>) src(%dma_wait3A_91 : memref<10000x48xf32, #tpu.memory_space<hbm>>) dst(%arg11 : memref<125x48xf32, #tpu.memory_space<vmem>>)
      %add3A_92 = arith.constant 1 : i32
      %add3A_93 = arith.addi %mul3A_68, %add3A_92 : i32
      "tpu.region"() ({
        %run_scoped3A = tpu.sem_alloc : memref<!tpu.dma_semaphore, #tpu.memory_space<semaphore_mem>>
        %dma_start3A_94 = arith.constant 0 : i32
        %dma_start3A_95 = tpu.memref_slice %arg9[%add3A_93, %dma_start3A_94] : memref<80x125xi32, #tpu.memory_space<vmem>> -> memref<1x125xi32, #tpu.memory_space<vmem>>
        %dma_start3A_96 = tpu.memref_squeeze %dma_start3A_95 : memref<1x125xi32, #tpu.memory_space<vmem>> -> memref<125xi32, #tpu.memory_space<vmem>>
        %dma_start3A_97 = arith.constant 0 : i32
        %dma_start3A_98 = arith.constant 0 : i32
        %dma_start3A_99 = tpu.memref_slice %arg7[%dma_start3A_97, %dma_start3A_98] : memref<10240x48xf32, #tpu.memory_space<vmem_shared>> -> memref<10240x48xf32, #tpu.memory_space<vmem_shared>>
        tpu.enqueue_indirect_dma source(%arg11 : memref<125x48xf32, #tpu.memory_space<vmem>>) target(%dma_start3A_99 : memref<10240x48xf32, #tpu.memory_space<vmem_shared>>) offsets(%dma_start3A_96 : memref<125xi32, #tpu.memory_space<vmem>>) semaphore(%run_scoped3A : memref<!tpu.dma_semaphore, #tpu.memory_space<semaphore_mem>>) {add = true}
        %dma_wait3A_100 = arith.constant 0 : i32
        %dma_wait3A_101 = tpu.memref_slice %arg9[%add3A_93, %dma_wait3A_100] : memref<80x125xi32, #tpu.memory_space<vmem>> -> memref<1x125xi32, #tpu.memory_space<vmem>>
        %dma_wait3A_102 = tpu.memref_squeeze %dma_wait3A_101 : memref<1x125xi32, #tpu.memory_space<vmem>> -> memref<125xi32, #tpu.memory_space<vmem>>
        %dma_wait3A_103 = arith.constant 0 : i32
        %dma_wait3A_104 = arith.constant 0 : i32
        %dma_wait3A_105 = tpu.memref_slice %arg7[%dma_wait3A_103, %dma_wait3A_104] : memref<10240x48xf32, #tpu.memory_space<vmem_shared>> -> memref<10240x48xf32, #tpu.memory_space<vmem_shared>>
        tpu.wait_indirect_dma semaphore(%run_scoped3A : memref<!tpu.dma_semaphore, #tpu.memory_space<semaphore_mem>>) src(%arg11 : memref<125x48xf32, #tpu.memory_space<vmem>>) dst(%dma_wait3A_105 : memref<10240x48xf32, #tpu.memory_space<vmem_shared>>)
        tpu.yield
      }) : () -> ()
    }
    %scan3A_28 = arith.constant 40 : i32
    %barrier3A_29 = arith.constant 0 : index
    tpu.barrier barrier_id(%barrier3A_29)
    %add3A_30 = arith.constant 0 : i32
    %add3A_31 = arith.addi %mul3A_2, %add3A_30 : i32
    "tpu.region"() ({
      %run_scoped3A = tpu.sem_alloc : memref<!tpu.dma_semaphore, #tpu.memory_space<semaphore_mem>>
      %dma_start3A_62 = arith.constant 0 : i32
      %dma_start3A_63 = arith.constant 0 : i32
      %dma_start3A_64 = tpu.memref_slice %arg10[%dma_start3A_62, %dma_start3A_63] : memref<125x48xf32, #tpu.memory_space<vmem>> -> memref<80x48xf32, #tpu.memory_space<vmem>>
      %dma_start3A_65 = arith.constant 0 : i32
      %dma_start3A_66 = tpu.memref_slice %arg7[%add3A_31, %dma_start3A_65] : memref<10240x48xf32, #tpu.memory_space<vmem_shared>> -> memref<80x48xf32, #tpu.memory_space<vmem_shared>>
      %dma_start3A_67 = arith.constant 0 : i32
      %dma_start3A_68 = arith.constant 0 : i32
      %dma_start3A_69 = tpu.memref_slice %arg10[%dma_start3A_67, %dma_start3A_68] : memref<125x48xf32, #tpu.memory_space<vmem>> -> memref<80x48xf32, #tpu.memory_space<vmem>>
      %dma_start3A_70 = arith.constant 0 : i32
      %dma_start3A_71 = tpu.memref_slice %arg7[%add3A_31, %dma_start3A_70] : memref<10240x48xf32, #tpu.memory_space<vmem_shared>> -> memref<80x48xf32, #tpu.memory_space<vmem_shared>>
      tpu.enqueue_dma source(%dma_start3A_71 : memref<80x48xf32, #tpu.memory_space<vmem_shared>>) target(%dma_start3A_69 : memref<80x48xf32, #tpu.memory_space<vmem>>) target_semaphore(%run_scoped3A : memref<!tpu.dma_semaphore, #tpu.memory_space<semaphore_mem>>)
      %dma_wait3A = arith.constant 0 : i32
      %dma_wait3A_72 = arith.constant 0 : i32
      %dma_wait3A_73 = tpu.memref_slice %arg10[%dma_wait3A, %dma_wait3A_72] : memref<125x48xf32, #tpu.memory_space<vmem>> -> memref<80x48xf32, #tpu.memory_space<vmem>>
      %dma_wait3A_74 = arith.constant 0 : i32
      %dma_wait3A_75 = tpu.memref_slice %arg7[%add3A_31, %dma_wait3A_74] : memref<10240x48xf32, #tpu.memory_space<vmem_shared>> -> memref<80x48xf32, #tpu.memory_space<vmem_shared>>
      %dma_wait3A_76 = arith.constant 0 : i32
      %dma_wait3A_77 = arith.constant 0 : i32
      %dma_wait3A_78 = tpu.memref_slice %arg10[%dma_wait3A_76, %dma_wait3A_77] : memref<125x48xf32, #tpu.memory_space<vmem>> -> memref<80x48xf32, #tpu.memory_space<vmem>>
      %dma_wait3A_79 = arith.constant 0 : i32
      %dma_wait3A_80 = tpu.memref_slice %arg7[%add3A_31, %dma_wait3A_79] : memref<10240x48xf32, #tpu.memory_space<vmem_shared>> -> memref<80x48xf32, #tpu.memory_space<vmem_shared>>
      tpu.wait_dma2 semaphore(%run_scoped3A : memref<!tpu.dma_semaphore, #tpu.memory_space<semaphore_mem>>) src(%dma_wait3A_80 : memref<80x48xf32, #tpu.memory_space<vmem_shared>>) dst(%dma_wait3A_78 : memref<80x48xf32, #tpu.memory_space<vmem>>)
      tpu.yield
    }) : () -> ()
    %add3A_32 = arith.constant 0 : i32
    %add3A_33 = arith.addi %mul3A_2, %add3A_32 : i32
    "tpu.region"() ({
      %run_scoped3A = tpu.sem_alloc : memref<!tpu.dma_semaphore, #tpu.memory_space<semaphore_mem>>
      %dma_start3A_62 = arith.constant 0 : i32
      %dma_start3A_63 = arith.constant 0 : i32
      %dma_start3A_64 = tpu.memref_slice %arg10[%dma_start3A_62, %dma_start3A_63] : memref<125x48xf32, #tpu.memory_space<vmem>> -> memref<80x48xf32, #tpu.memory_space<vmem>>
      %dma_start3A_65 = arith.constant 0 : i32
      %dma_start3A_66 = tpu.memref_slice %arg6[%arg0, %add3A_33, %dma_start3A_65] : memref<2x10240x48xf32, #tpu.memory_space<hbm>> -> memref<1x80x48xf32, #tpu.memory_space<hbm>>
      %dma_start3A_67 = tpu.memref_squeeze %dma_start3A_66 : memref<1x80x48xf32, #tpu.memory_space<hbm>> -> memref<80x48xf32, #tpu.memory_space<hbm>>
      %dma_start3A_68 = arith.constant 0 : i32
      %dma_start3A_69 = tpu.memref_slice %arg6[%arg0, %add3A_33, %dma_start3A_68] : memref<2x10240x48xf32, #tpu.memory_space<hbm>> -> memref<1x80x48xf32, #tpu.memory_space<hbm>>
      %dma_start3A_70 = tpu.memref_squeeze %dma_start3A_69 : memref<1x80x48xf32, #tpu.memory_space<hbm>> -> memref<80x48xf32, #tpu.memory_space<hbm>>
      %dma_start3A_71 = arith.constant 0 : i32
      %dma_start3A_72 = arith.constant 0 : i32
      %dma_start3A_73 = tpu.memref_slice %arg10[%dma_start3A_71, %dma_start3A_72] : memref<125x48xf32, #tpu.memory_space<vmem>> -> memref<80x48xf32, #tpu.memory_space<vmem>>
      tpu.enqueue_dma source(%dma_start3A_73 : memref<80x48xf32, #tpu.memory_space<vmem>>) target(%dma_start3A_70 : memref<80x48xf32, #tpu.memory_space<hbm>>) target_semaphore(%run_scoped3A : memref<!tpu.dma_semaphore, #tpu.memory_space<semaphore_mem>>)
      %dma_wait3A = arith.constant 0 : i32
      %dma_wait3A_74 = arith.constant 0 : i32
      %dma_wait3A_75 = tpu.memref_slice %arg10[%dma_wait3A, %dma_wait3A_74] : memref<125x48xf32, #tpu.memory_space<vmem>> -> memref<80x48xf32, #tpu.memory_space<vmem>>
      %dma_wait3A_76 = arith.constant 0 : i32
      %dma_wait3A_77 = tpu.memref_slice %arg6[%arg0, %add3A_33, %dma_wait3A_76] : memref<2x10240x48xf32, #tpu.memory_space<hbm>> -> memref<1x80x48xf32, #tpu.memory_space<hbm>>
      %dma_wait3A_78 = tpu.memref_squeeze %dma_wait3A_77 : memref<1x80x48xf32, #tpu.memory_space<hbm>> -> memref<80x48xf32, #tpu.memory_space<hbm>>
      %dma_wait3A_79 = arith.constant 0 : i32
      %dma_wait3A_80 = tpu.memref_slice %arg6[%arg0, %add3A_33, %dma_wait3A_79] : memref<2x10240x48xf32, #tpu.memory_space<hbm>> -> memref<1x80x48xf32, #tpu.memory_space<hbm>>
      %dma_wait3A_81 = tpu.memref_squeeze %dma_wait3A_80 : memref<1x80x48xf32, #tpu.memory_space<hbm>> -> memref<80x48xf32, #tpu.memory_space<hbm>>
      %dma_wait3A_82 = arith.constant 0 : i32
      %dma_wait3A_83 = arith.constant 0 : i32
      %dma_wait3A_84 = tpu.memref_slice %arg10[%dma_wait3A_82, %dma_wait3A_83] : memref<125x48xf32, #tpu.memory_space<vmem>> -> memref<80x48xf32, #tpu.memory_space<vmem>>
      tpu.wait_dma2 semaphore(%run_scoped3A : memref<!tpu.dma_semaphore, #tpu.memory_space<semaphore_mem>>) src(%dma_wait3A_84 : memref<80x48xf32, #tpu.memory_space<vmem>>) dst(%dma_wait3A_81 : memref<80x48xf32, #tpu.memory_space<hbm>>)
      tpu.yield
    }) : () -> ()
    %add3A_34 = arith.constant 80 : i32
    %add3A_35 = arith.addi %mul3A_2, %add3A_34 : i32
    "tpu.region"() ({
      %run_scoped3A = tpu.sem_alloc : memref<!tpu.dma_semaphore, #tpu.memory_space<semaphore_mem>>
      %dma_start3A_62 = arith.constant 0 : i32
      %dma_start3A_63 = arith.constant 0 : i32
      %dma_start3A_64 = tpu.memref_slice %arg10[%dma_start3A_62, %dma_start3A_63] : memref<125x48xf32, #tpu.memory_space<vmem>> -> memref<80x48xf32, #tpu.memory_space<vmem>>
      %dma_start3A_65 = arith.constant 0 : i32
      %dma_start3A_66 = tpu.memref_slice %arg7[%add3A_35, %dma_start3A_65] : memref<10240x48xf32, #tpu.memory_space<vmem_shared>> -> memref<80x48xf32, #tpu.memory_space<vmem_shared>>
      %dma_start3A_67 = arith.constant 0 : i32
      %dma_start3A_68 = arith.constant 0 : i32
      %dma_start3A_69 = tpu.memref_slice %arg10[%dma_start3A_67, %dma_start3A_68] : memref<125x48xf32, #tpu.memory_space<vmem>> -> memref<80x48xf32, #tpu.memory_space<vmem>>
      %dma_start3A_70 = arith.constant 0 : i32
      %dma_start3A_71 = tpu.memref_slice %arg7[%add3A_35, %dma_start3A_70] : memref<10240x48xf32, #tpu.memory_space<vmem_shared>> -> memref<80x48xf32, #tpu.memory_space<vmem_shared>>
      tpu.enqueue_dma source(%dma_start3A_71 : memref<80x48xf32, #tpu.memory_space<vmem_shared>>) target(%dma_start3A_69 : memref<80x48xf32, #tpu.memory_space<vmem>>) target_semaphore(%run_scoped3A : memref<!tpu.dma_semaphore, #tpu.memory_space<semaphore_mem>>)
      %dma_wait3A = arith.constant 0 : i32
      %dma_wait3A_72 = arith.constant 0 : i32
      %dma_wait3A_73 = tpu.memref_slice %arg10[%dma_wait3A, %dma_wait3A_72] : memref<125x48xf32, #tpu.memory_space<vmem>> -> memref<80x48xf32, #tpu.memory_space<vmem>>
      %dma_wait3A_74 = arith.constant 0 : i32
      %dma_wait3A_75 = tpu.memref_slice %arg7[%add3A_35, %dma_wait3A_74] : memref<10240x48xf32, #tpu.memory_space<vmem_shared>> -> memref<80x48xf32, #tpu.memory_space<vmem_shared>>
      %dma_wait3A_76 = arith.constant 0 : i32
      %dma_wait3A_77 = arith.constant 0 : i32
      %dma_wait3A_78 = tpu.memref_slice %arg10[%dma_wait3A_76, %dma_wait3A_77] : memref<125x48xf32, #tpu.memory_space<vmem>> -> memref<80x48xf32, #tpu.memory_space<vmem>>
      %dma_wait3A_79 = arith.constant 0 : i32
      %dma_wait3A_80 = tpu.memref_slice %arg7[%add3A_35, %dma_wait3A_79] : memref<10240x48xf32, #tpu.memory_space<vmem_shared>> -> memref<80x48xf32, #tpu.memory_space<vmem_shared>>
      tpu.wait_dma2 semaphore(%run_scoped3A : memref<!tpu.dma_semaphore, #tpu.memory_space<semaphore_mem>>) src(%dma_wait3A_80 : memref<80x48xf32, #tpu.memory_space<vmem_shared>>) dst(%dma_wait3A_78 : memref<80x48xf32, #tpu.memory_space<vmem>>)
      tpu.yield
    }) : () -> ()
    %add3A_36 = arith.constant 80 : i32
    %add3A_37 = arith.addi %mul3A_2, %add3A_36 : i32
    "tpu.region"() ({
      %run_scoped3A = tpu.sem_alloc : memref<!tpu.dma_semaphore, #tpu.memory_space<semaphore_mem>>
      %dma_start3A_62 = arith.constant 0 : i32
      %dma_start3A_63 = arith.constant 0 : i32
      %dma_start3A_64 = tpu.memref_slice %arg10[%dma_start3A_62, %dma_start3A_63] : memref<125x48xf32, #tpu.memory_space<vmem>> -> memref<80x48xf32, #tpu.memory_space<vmem>>
      %dma_start3A_65 = arith.constant 0 : i32
      %dma_start3A_66 = tpu.memref_slice %arg6[%arg0, %add3A_37, %dma_start3A_65] : memref<2x10240x48xf32, #tpu.memory_space<hbm>> -> memref<1x80x48xf32, #tpu.memory_space<hbm>>
      %dma_start3A_67 = tpu.memref_squeeze %dma_start3A_66 : memref<1x80x48xf32, #tpu.memory_space<hbm>> -> memref<80x48xf32, #tpu.memory_space<hbm>>
      %dma_start3A_68 = arith.constant 0 : i32
      %dma_start3A_69 = tpu.memref_slice %arg6[%arg0, %add3A_37, %dma_start3A_68] : memref<2x10240x48xf32, #tpu.memory_space<hbm>> -> memref<1x80x48xf32, #tpu.memory_space<hbm>>
      %dma_start3A_70 = tpu.memref_squeeze %dma_start3A_69 : memref<1x80x48xf32, #tpu.memory_space<hbm>> -> memref<80x48xf32, #tpu.memory_space<hbm>>
      %dma_start3A_71 = arith.constant 0 : i32
      %dma_start3A_72 = arith.constant 0 : i32
      %dma_start3A_73 = tpu.memref_slice %arg10[%dma_start3A_71, %dma_start3A_72] : memref<125x48xf32, #tpu.memory_space<vmem>> -> memref<80x48xf32, #tpu.memory_space<vmem>>
      tpu.enqueue_dma source(%dma_start3A_73 : memref<80x48xf32, #tpu.memory_space<vmem>>) target(%dma_start3A_70 : memref<80x48xf32, #tpu.memory_space<hbm>>) target_semaphore(%run_scoped3A : memref<!tpu.dma_semaphore, #tpu.memory_space<semaphore_mem>>)
      %dma_wait3A = arith.constant 0 : i32
      %dma_wait3A_74 = arith.constant 0 : i32
      %dma_wait3A_75 = tpu.memref_slice %arg10[%dma_wait3A, %dma_wait3A_74] : memref<125x48xf32, #tpu.memory_space<vmem>> -> memref<80x48xf32, #tpu.memory_space<vmem>>
      %dma_wait3A_76 = arith.constant 0 : i32
      %dma_wait3A_77 = tpu.memref_slice %arg6[%arg0, %add3A_37, %dma_wait3A_76] : memref<2x10240x48xf32, #tpu.memory_space<hbm>> -> memref<1x80x48xf32, #tpu.memory_space<hbm>>
      %dma_wait3A_78 = tpu.memref_squeeze %dma_wait3A_77 : memref<1x80x48xf32, #tpu.memory_space<hbm>> -> memref<80x48xf32, #tpu.memory_space<hbm>>
      %dma_wait3A_79 = arith.constant 0 : i32
      %dma_wait3A_80 = tpu.memref_slice %arg6[%arg0, %add3A_37, %dma_wait3A_79] : memref<2x10240x48xf32, #tpu.memory_space<hbm>> -> memref<1x80x48xf32, #tpu.memory_space<hbm>>
      %dma_wait3A_81 = tpu.memref_squeeze %dma_wait3A_80 : memref<1x80x48xf32, #tpu.memory_space<hbm>> -> memref<80x48xf32, #tpu.memory_space<hbm>>
      %dma_wait3A_82 = arith.constant 0 : i32
      %dma_wait3A_83 = arith.constant 0 : i32
      %dma_wait3A_84 = tpu.memref_slice %arg10[%dma_wait3A_82, %dma_wait3A_83] : memref<125x48xf32, #tpu.memory_space<vmem>> -> memref<80x48xf32, #tpu.memory_space<vmem>>
      tpu.wait_dma2 semaphore(%run_scoped3A : memref<!tpu.dma_semaphore, #tpu.memory_space<semaphore_mem>>) src(%dma_wait3A_84 : memref<80x48xf32, #tpu.memory_space<vmem>>) dst(%dma_wait3A_81 : memref<80x48xf32, #tpu.memory_space<hbm>>)
      tpu.yield
    }) : () -> ()
    %add3A_38 = arith.constant 160 : i32
    %add3A_39 = arith.addi %mul3A_2, %add3A_38 : i32
    "tpu.region"() ({
      %run_scoped3A = tpu.sem_alloc : memref<!tpu.dma_semaphore, #tpu.memory_space<semaphore_mem>>
      %dma_start3A_62 = arith.constant 0 : i32
      %dma_start3A_63 = arith.constant 0 : i32
      %dma_start3A_64 = tpu.memref_slice %arg10[%dma_start3A_62, %dma_start3A_63] : memref<125x48xf32, #tpu.memory_space<vmem>> -> memref<80x48xf32, #tpu.memory_space<vmem>>
      %dma_start3A_65 = arith.constant 0 : i32
      %dma_start3A_66 = tpu.memref_slice %arg7[%add3A_39, %dma_start3A_65] : memref<10240x48xf32, #tpu.memory_space<vmem_shared>> -> memref<80x48xf32, #tpu.memory_space<vmem_shared>>
      %dma_start3A_67 = arith.constant 0 : i32
      %dma_start3A_68 = arith.constant 0 : i32
      %dma_start3A_69 = tpu.memref_slice %arg10[%dma_start3A_67, %dma_start3A_68] : memref<125x48xf32, #tpu.memory_space<vmem>> -> memref<80x48xf32, #tpu.memory_space<vmem>>
      %dma_start3A_70 = arith.constant 0 : i32
      %dma_start3A_71 = tpu.memref_slice %arg7[%add3A_39, %dma_start3A_70] : memref<10240x48xf32, #tpu.memory_space<vmem_shared>> -> memref<80x48xf32, #tpu.memory_space<vmem_shared>>
      tpu.enqueue_dma source(%dma_start3A_71 : memref<80x48xf32, #tpu.memory_space<vmem_shared>>) target(%dma_start3A_69 : memref<80x48xf32, #tpu.memory_space<vmem>>) target_semaphore(%run_scoped3A : memref<!tpu.dma_semaphore, #tpu.memory_space<semaphore_mem>>)
      %dma_wait3A = arith.constant 0 : i32
      %dma_wait3A_72 = arith.constant 0 : i32
      %dma_wait3A_73 = tpu.memref_slice %arg10[%dma_wait3A, %dma_wait3A_72] : memref<125x48xf32, #tpu.memory_space<vmem>> -> memref<80x48xf32, #tpu.memory_space<vmem>>
      %dma_wait3A_74 = arith.constant 0 : i32
      %dma_wait3A_75 = tpu.memref_slice %arg7[%add3A_39, %dma_wait3A_74] : memref<10240x48xf32, #tpu.memory_space<vmem_shared>> -> memref<80x48xf32, #tpu.memory_space<vmem_shared>>
      %dma_wait3A_76 = arith.constant 0 : i32
      %dma_wait3A_77 = arith.constant 0 : i32
      %dma_wait3A_78 = tpu.memref_slice %arg10[%dma_wait3A_76, %dma_wait3A_77] : memref<125x48xf32, #tpu.memory_space<vmem>> -> memref<80x48xf32, #tpu.memory_space<vmem>>
      %dma_wait3A_79 = arith.constant 0 : i32
      %dma_wait3A_80 = tpu.memref_slice %arg7[%add3A_39, %dma_wait3A_79] : memref<10240x48xf32, #tpu.memory_space<vmem_shared>> -> memref<80x48xf32, #tpu.memory_space<vmem_shared>>
      tpu.wait_dma2 semaphore(%run_scoped3A : memref<!tpu.dma_semaphore, #tpu.memory_space<semaphore_mem>>) src(%dma_wait3A_80 : memref<80x48xf32, #tpu.memory_space<vmem_shared>>) dst(%dma_wait3A_78 : memref<80x48xf32, #tpu.memory_space<vmem>>)
      tpu.yield
    }) : () -> ()
    %add3A_40 = arith.constant 160 : i32
    %add3A_41 = arith.addi %mul3A_2, %add3A_40 : i32
    "tpu.region"() ({
      %run_scoped3A = tpu.sem_alloc : memref<!tpu.dma_semaphore, #tpu.memory_space<semaphore_mem>>
      %dma_start3A_62 = arith.constant 0 : i32
      %dma_start3A_63 = arith.constant 0 : i32
      %dma_start3A_64 = tpu.memref_slice %arg10[%dma_start3A_62, %dma_start3A_63] : memref<125x48xf32, #tpu.memory_space<vmem>> -> memref<80x48xf32, #tpu.memory_space<vmem>>
      %dma_start3A_65 = arith.constant 0 : i32
      %dma_start3A_66 = tpu.memref_slice %arg6[%arg0, %add3A_41, %dma_start3A_65] : memref<2x10240x48xf32, #tpu.memory_space<hbm>> -> memref<1x80x48xf32, #tpu.memory_space<hbm>>
      %dma_start3A_67 = tpu.memref_squeeze %dma_start3A_66 : memref<1x80x48xf32, #tpu.memory_space<hbm>> -> memref<80x48xf32, #tpu.memory_space<hbm>>
      %dma_start3A_68 = arith.constant 0 : i32
      %dma_start3A_69 = tpu.memref_slice %arg6[%arg0, %add3A_41, %dma_start3A_68] : memref<2x10240x48xf32, #tpu.memory_space<hbm>> -> memref<1x80x48xf32, #tpu.memory_space<hbm>>
      %dma_start3A_70 = tpu.memref_squeeze %dma_start3A_69 : memref<1x80x48xf32, #tpu.memory_space<hbm>> -> memref<80x48xf32, #tpu.memory_space<hbm>>
      %dma_start3A_71 = arith.constant 0 : i32
      %dma_start3A_72 = arith.constant 0 : i32
      %dma_start3A_73 = tpu.memref_slice %arg10[%dma_start3A_71, %dma_start3A_72] : memref<125x48xf32, #tpu.memory_space<vmem>> -> memref<80x48xf32, #tpu.memory_space<vmem>>
      tpu.enqueue_dma source(%dma_start3A_73 : memref<80x48xf32, #tpu.memory_space<vmem>>) target(%dma_start3A_70 : memref<80x48xf32, #tpu.memory_space<hbm>>) target_semaphore(%run_scoped3A : memref<!tpu.dma_semaphore, #tpu.memory_space<semaphore_mem>>)
      %dma_wait3A = arith.constant 0 : i32
      %dma_wait3A_74 = arith.constant 0 : i32
      %dma_wait3A_75 = tpu.memref_slice %arg10[%dma_wait3A, %dma_wait3A_74] : memref<125x48xf32, #tpu.memory_space<vmem>> -> memref<80x48xf32, #tpu.memory_space<vmem>>
      %dma_wait3A_76 = arith.constant 0 : i32
      %dma_wait3A_77 = tpu.memref_slice %arg6[%arg0, %add3A_41, %dma_wait3A_76] : memref<2x10240x48xf32, #tpu.memory_space<hbm>> -> memref<1x80x48xf32, #tpu.memory_space<hbm>>
      %dma_wait3A_78 = tpu.memref_squeeze %dma_wait3A_77 : memref<1x80x48xf32, #tpu.memory_space<hbm>> -> memref<80x48xf32, #tpu.memory_space<hbm>>
      %dma_wait3A_79 = arith.constant 0 : i32
      %dma_wait3A_80 = tpu.memref_slice %arg6[%arg0, %add3A_41, %dma_wait3A_79] : memref<2x10240x48xf32, #tpu.memory_space<hbm>> -> memref<1x80x48xf32, #tpu.memory_space<hbm>>
      %dma_wait3A_81 = tpu.memref_squeeze %dma_wait3A_80 : memref<1x80x48xf32, #tpu.memory_space<hbm>> -> memref<80x48xf32, #tpu.memory_space<hbm>>
      %dma_wait3A_82 = arith.constant 0 : i32
      %dma_wait3A_83 = arith.constant 0 : i32
      %dma_wait3A_84 = tpu.memref_slice %arg10[%dma_wait3A_82, %dma_wait3A_83] : memref<125x48xf32, #tpu.memory_space<vmem>> -> memref<80x48xf32, #tpu.memory_space<vmem>>
      tpu.wait_dma2 semaphore(%run_scoped3A : memref<!tpu.dma_semaphore, #tpu.memory_space<semaphore_mem>>) src(%dma_wait3A_84 : memref<80x48xf32, #tpu.memory_space<vmem>>) dst(%dma_wait3A_81 : memref<80x48xf32, #tpu.memory_space<hbm>>)
      tpu.yield
    }) : () -> ()
    %add3A_42 = arith.constant 240 : i32
    %add3A_43 = arith.addi %mul3A_2, %add3A_42 : i32
    "tpu.region"() ({
      %run_scoped3A = tpu.sem_alloc : memref<!tpu.dma_semaphore, #tpu.memory_space<semaphore_mem>>
      %dma_start3A_62 = arith.constant 0 : i32
      %dma_start3A_63 = arith.constant 0 : i32
      %dma_start3A_64 = tpu.memref_slice %arg10[%dma_start3A_62, %dma_start3A_63] : memref<125x48xf32, #tpu.memory_space<vmem>> -> memref<80x48xf32, #tpu.memory_space<vmem>>
      %dma_start3A_65 = arith.constant 0 : i32
      %dma_start3A_66 = tpu.memref_slice %arg7[%add3A_43, %dma_start3A_65] : memref<10240x48xf32, #tpu.memory_space<vmem_shared>> -> memref<80x48xf32, #tpu.memory_space<vmem_shared>>
      %dma_start3A_67 = arith.constant 0 : i32
      %dma_start3A_68 = arith.constant 0 : i32
      %dma_start3A_69 = tpu.memref_slice %arg10[%dma_start3A_67, %dma_start3A_68] : memref<125x48xf32, #tpu.memory_space<vmem>> -> memref<80x48xf32, #tpu.memory_space<vmem>>
      %dma_start3A_70 = arith.constant 0 : i32
      %dma_start3A_71 = tpu.memref_slice %arg7[%add3A_43, %dma_start3A_70] : memref<10240x48xf32, #tpu.memory_space<vmem_shared>> -> memref<80x48xf32, #tpu.memory_space<vmem_shared>>
      tpu.enqueue_dma source(%dma_start3A_71 : memref<80x48xf32, #tpu.memory_space<vmem_shared>>) target(%dma_start3A_69 : memref<80x48xf32, #tpu.memory_space<vmem>>) target_semaphore(%run_scoped3A : memref<!tpu.dma_semaphore, #tpu.memory_space<semaphore_mem>>)
      %dma_wait3A = arith.constant 0 : i32
      %dma_wait3A_72 = arith.constant 0 : i32
      %dma_wait3A_73 = tpu.memref_slice %arg10[%dma_wait3A, %dma_wait3A_72] : memref<125x48xf32, #tpu.memory_space<vmem>> -> memref<80x48xf32, #tpu.memory_space<vmem>>
      %dma_wait3A_74 = arith.constant 0 : i32
      %dma_wait3A_75 = tpu.memref_slice %arg7[%add3A_43, %dma_wait3A_74] : memref<10240x48xf32, #tpu.memory_space<vmem_shared>> -> memref<80x48xf32, #tpu.memory_space<vmem_shared>>
      %dma_wait3A_76 = arith.constant 0 : i32
      %dma_wait3A_77 = arith.constant 0 : i32
      %dma_wait3A_78 = tpu.memref_slice %arg10[%dma_wait3A_76, %dma_wait3A_77] : memref<125x48xf32, #tpu.memory_space<vmem>> -> memref<80x48xf32, #tpu.memory_space<vmem>>
      %dma_wait3A_79 = arith.constant 0 : i32
      %dma_wait3A_80 = tpu.memref_slice %arg7[%add3A_43, %dma_wait3A_79] : memref<10240x48xf32, #tpu.memory_space<vmem_shared>> -> memref<80x48xf32, #tpu.memory_space<vmem_shared>>
      tpu.wait_dma2 semaphore(%run_scoped3A : memref<!tpu.dma_semaphore, #tpu.memory_space<semaphore_mem>>) src(%dma_wait3A_80 : memref<80x48xf32, #tpu.memory_space<vmem_shared>>) dst(%dma_wait3A_78 : memref<80x48xf32, #tpu.memory_space<vmem>>)
      tpu.yield
    }) : () -> ()
    %add3A_44 = arith.constant 240 : i32
    %add3A_45 = arith.addi %mul3A_2, %add3A_44 : i32
    "tpu.region"() ({
      %run_scoped3A = tpu.sem_alloc : memref<!tpu.dma_semaphore, #tpu.memory_space<semaphore_mem>>
      %dma_start3A_62 = arith.constant 0 : i32
      %dma_start3A_63 = arith.constant 0 : i32
      %dma_start3A_64 = tpu.memref_slice %arg10[%dma_start3A_62, %dma_start3A_63] : memref<125x48xf32, #tpu.memory_space<vmem>> -> memref<80x48xf32, #tpu.memory_space<vmem>>
      %dma_start3A_65 = arith.constant 0 : i32
      %dma_start3A_66 = tpu.memref_slice %arg6[%arg0, %add3A_45, %dma_start3A_65] : memref<2x10240x48xf32, #tpu.memory_space<hbm>> -> memref<1x80x48xf32, #tpu.memory_space<hbm>>
      %dma_start3A_67 = tpu.memref_squeeze %dma_start3A_66 : memref<1x80x48xf32, #tpu.memory_space<hbm>> -> memref<80x48xf32, #tpu.memory_space<hbm>>
      %dma_start3A_68 = arith.constant 0 : i32
      %dma_start3A_69 = tpu.memref_slice %arg6[%arg0, %add3A_45, %dma_start3A_68] : memref<2x10240x48xf32, #tpu.memory_space<hbm>> -> memref<1x80x48xf32, #tpu.memory_space<hbm>>
      %dma_start3A_70 = tpu.memref_squeeze %dma_start3A_69 : memref<1x80x48xf32, #tpu.memory_space<hbm>> -> memref<80x48xf32, #tpu.memory_space<hbm>>
      %dma_start3A_71 = arith.constant 0 : i32
      %dma_start3A_72 = arith.constant 0 : i32
      %dma_start3A_73 = tpu.memref_slice %arg10[%dma_start3A_71, %dma_start3A_72] : memref<125x48xf32, #tpu.memory_space<vmem>> -> memref<80x48xf32, #tpu.memory_space<vmem>>
      tpu.enqueue_dma source(%dma_start3A_73 : memref<80x48xf32, #tpu.memory_space<vmem>>) target(%dma_start3A_70 : memref<80x48xf32, #tpu.memory_space<hbm>>) target_semaphore(%run_scoped3A : memref<!tpu.dma_semaphore, #tpu.memory_space<semaphore_mem>>)
      %dma_wait3A = arith.constant 0 : i32
      %dma_wait3A_74 = arith.constant 0 : i32
      %dma_wait3A_75 = tpu.memref_slice %arg10[%dma_wait3A, %dma_wait3A_74] : memref<125x48xf32, #tpu.memory_space<vmem>> -> memref<80x48xf32, #tpu.memory_space<vmem>>
      %dma_wait3A_76 = arith.constant 0 : i32
      %dma_wait3A_77 = tpu.memref_slice %arg6[%arg0, %add3A_45, %dma_wait3A_76] : memref<2x10240x48xf32, #tpu.memory_space<hbm>> -> memref<1x80x48xf32, #tpu.memory_space<hbm>>
      %dma_wait3A_78 = tpu.memref_squeeze %dma_wait3A_77 : memref<1x80x48xf32, #tpu.memory_space<hbm>> -> memref<80x48xf32, #tpu.memory_space<hbm>>
      %dma_wait3A_79 = arith.constant 0 : i32
      %dma_wait3A_80 = tpu.memref_slice %arg6[%arg0, %add3A_45, %dma_wait3A_79] : memref<2x10240x48xf32, #tpu.memory_space<hbm>> -> memref<1x80x48xf32, #tpu.memory_space<hbm>>
      %dma_wait3A_81 = tpu.memref_squeeze %dma_wait3A_80 : memref<1x80x48xf32, #tpu.memory_space<hbm>> -> memref<80x48xf32, #tpu.memory_space<hbm>>
      %dma_wait3A_82 = arith.constant 0 : i32
      %dma_wait3A_83 = arith.constant 0 : i32
      %dma_wait3A_84 = tpu.memref_slice %arg10[%dma_wait3A_82, %dma_wait3A_83] : memref<125x48xf32, #tpu.memory_space<vmem>> -> memref<80x48xf32, #tpu.memory_space<vmem>>
      tpu.wait_dma2 semaphore(%run_scoped3A : memref<!tpu.dma_semaphore, #tpu.memory_space<semaphore_mem>>) src(%dma_wait3A_84 : memref<80x48xf32, #tpu.memory_space<vmem>>) dst(%dma_wait3A_81 : memref<80x48xf32, #tpu.memory_space<hbm>>)
      tpu.yield
    }) : () -> ()
    %add3A_46 = arith.constant 320 : i32
    %add3A_47 = arith.addi %mul3A_2, %add3A_46 : i32
    "tpu.region"() ({
      %run_scoped3A = tpu.sem_alloc : memref<!tpu.dma_semaphore, #tpu.memory_space<semaphore_mem>>
      %dma_start3A_62 = arith.constant 0 : i32
      %dma_start3A_63 = arith.constant 0 : i32
      %dma_start3A_64 = tpu.memref_slice %arg10[%dma_start3A_62, %dma_start3A_63] : memref<125x48xf32, #tpu.memory_space<vmem>> -> memref<80x48xf32, #tpu.memory_space<vmem>>
      %dma_start3A_65 = arith.constant 0 : i32
      %dma_start3A_66 = tpu.memref_slice %arg7[%add3A_47, %dma_start3A_65] : memref<10240x48xf32, #tpu.memory_space<vmem_shared>> -> memref<80x48xf32, #tpu.memory_space<vmem_shared>>
      %dma_start3A_67 = arith.constant 0 : i32
      %dma_start3A_68 = arith.constant 0 : i32
      %dma_start3A_69 = tpu.memref_slice %arg10[%dma_start3A_67, %dma_start3A_68] : memref<125x48xf32, #tpu.memory_space<vmem>> -> memref<80x48xf32, #tpu.memory_space<vmem>>
      %dma_start3A_70 = arith.constant 0 : i32
      %dma_start3A_71 = tpu.memref_slice %arg7[%add3A_47, %dma_start3A_70] : memref<10240x48xf32, #tpu.memory_space<vmem_shared>> -> memref<80x48xf32, #tpu.memory_space<vmem_shared>>
      tpu.enqueue_dma source(%dma_start3A_71 : memref<80x48xf32, #tpu.memory_space<vmem_shared>>) target(%dma_start3A_69 : memref<80x48xf32, #tpu.memory_space<vmem>>) target_semaphore(%run_scoped3A : memref<!tpu.dma_semaphore, #tpu.memory_space<semaphore_mem>>)
      %dma_wait3A = arith.constant 0 : i32
      %dma_wait3A_72 = arith.constant 0 : i32
      %dma_wait3A_73 = tpu.memref_slice %arg10[%dma_wait3A, %dma_wait3A_72] : memref<125x48xf32, #tpu.memory_space<vmem>> -> memref<80x48xf32, #tpu.memory_space<vmem>>
      %dma_wait3A_74 = arith.constant 0 : i32
      %dma_wait3A_75 = tpu.memref_slice %arg7[%add3A_47, %dma_wait3A_74] : memref<10240x48xf32, #tpu.memory_space<vmem_shared>> -> memref<80x48xf32, #tpu.memory_space<vmem_shared>>
      %dma_wait3A_76 = arith.constant 0 : i32
      %dma_wait3A_77 = arith.constant 0 : i32
      %dma_wait3A_78 = tpu.memref_slice %arg10[%dma_wait3A_76, %dma_wait3A_77] : memref<125x48xf32, #tpu.memory_space<vmem>> -> memref<80x48xf32, #tpu.memory_space<vmem>>
      %dma_wait3A_79 = arith.constant 0 : i32
      %dma_wait3A_80 = tpu.memref_slice %arg7[%add3A_47, %dma_wait3A_79] : memref<10240x48xf32, #tpu.memory_space<vmem_shared>> -> memref<80x48xf32, #tpu.memory_space<vmem_shared>>
      tpu.wait_dma2 semaphore(%run_scoped3A : memref<!tpu.dma_semaphore, #tpu.memory_space<semaphore_mem>>) src(%dma_wait3A_80 : memref<80x48xf32, #tpu.memory_space<vmem_shared>>) dst(%dma_wait3A_78 : memref<80x48xf32, #tpu.memory_space<vmem>>)
      tpu.yield
    }) : () -> ()
    %add3A_48 = arith.constant 320 : i32
    %add3A_49 = arith.addi %mul3A_2, %add3A_48 : i32
    "tpu.region"() ({
      %run_scoped3A = tpu.sem_alloc : memref<!tpu.dma_semaphore, #tpu.memory_space<semaphore_mem>>
      %dma_start3A_62 = arith.constant 0 : i32
      %dma_start3A_63 = arith.constant 0 : i32
      %dma_start3A_64 = tpu.memref_slice %arg10[%dma_start3A_62, %dma_start3A_63] : memref<125x48xf32, #tpu.memory_space<vmem>> -> memref<80x48xf32, #tpu.memory_space<vmem>>
      %dma_start3A_65 = arith.constant 0 : i32
      %dma_start3A_66 = tpu.memref_slice %arg6[%arg0, %add3A_49, %dma_start3A_65] : memref<2x10240x48xf32, #tpu.memory_space<hbm>> -> memref<1x80x48xf32, #tpu.memory_space<hbm>>
      %dma_start3A_67 = tpu.memref_squeeze %dma_start3A_66 : memref<1x80x48xf32, #tpu.memory_space<hbm>> -> memref<80x48xf32, #tpu.memory_space<hbm>>
      %dma_start3A_68 = arith.constant 0 : i32
      %dma_start3A_69 = tpu.memref_slice %arg6[%arg0, %add3A_49, %dma_start3A_68] : memref<2x10240x48xf32, #tpu.memory_space<hbm>> -> memref<1x80x48xf32, #tpu.memory_space<hbm>>
      %dma_start3A_70 = tpu.memref_squeeze %dma_start3A_69 : memref<1x80x48xf32, #tpu.memory_space<hbm>> -> memref<80x48xf32, #tpu.memory_space<hbm>>
      %dma_start3A_71 = arith.constant 0 : i32
      %dma_start3A_72 = arith.constant 0 : i32
      %dma_start3A_73 = tpu.memref_slice %arg10[%dma_start3A_71, %dma_start3A_72] : memref<125x48xf32, #tpu.memory_space<vmem>> -> memref<80x48xf32, #tpu.memory_space<vmem>>
      tpu.enqueue_dma source(%dma_start3A_73 : memref<80x48xf32, #tpu.memory_space<vmem>>) target(%dma_start3A_70 : memref<80x48xf32, #tpu.memory_space<hbm>>) target_semaphore(%run_scoped3A : memref<!tpu.dma_semaphore, #tpu.memory_space<semaphore_mem>>)
      %dma_wait3A = arith.constant 0 : i32
      %dma_wait3A_74 = arith.constant 0 : i32
      %dma_wait3A_75 = tpu.memref_slice %arg10[%dma_wait3A, %dma_wait3A_74] : memref<125x48xf32, #tpu.memory_space<vmem>> -> memref<80x48xf32, #tpu.memory_space<vmem>>
      %dma_wait3A_76 = arith.constant 0 : i32
      %dma_wait3A_77 = tpu.memref_slice %arg6[%arg0, %add3A_49, %dma_wait3A_76] : memref<2x10240x48xf32, #tpu.memory_space<hbm>> -> memref<1x80x48xf32, #tpu.memory_space<hbm>>
      %dma_wait3A_78 = tpu.memref_squeeze %dma_wait3A_77 : memref<1x80x48xf32, #tpu.memory_space<hbm>> -> memref<80x48xf32, #tpu.memory_space<hbm>>
      %dma_wait3A_79 = arith.constant 0 : i32
      %dma_wait3A_80 = tpu.memref_slice %arg6[%arg0, %add3A_49, %dma_wait3A_79] : memref<2x10240x48xf32, #tpu.memory_space<hbm>> -> memref<1x80x48xf32, #tpu.memory_space<hbm>>
      %dma_wait3A_81 = tpu.memref_squeeze %dma_wait3A_80 : memref<1x80x48xf32, #tpu.memory_space<hbm>> -> memref<80x48xf32, #tpu.memory_space<hbm>>
      %dma_wait3A_82 = arith.constant 0 : i32
      %dma_wait3A_83 = arith.constant 0 : i32
      %dma_wait3A_84 = tpu.memref_slice %arg10[%dma_wait3A_82, %dma_wait3A_83] : memref<125x48xf32, #tpu.memory_space<vmem>> -> memref<80x48xf32, #tpu.memory_space<vmem>>
      tpu.wait_dma2 semaphore(%run_scoped3A : memref<!tpu.dma_semaphore, #tpu.memory_space<semaphore_mem>>) src(%dma_wait3A_84 : memref<80x48xf32, #tpu.memory_space<vmem>>) dst(%dma_wait3A_81 : memref<80x48xf32, #tpu.memory_space<hbm>>)
      tpu.yield
    }) : () -> ()
    %add3A_50 = arith.constant 400 : i32
    %add3A_51 = arith.addi %mul3A_2, %add3A_50 : i32
    "tpu.region"() ({
      %run_scoped3A = tpu.sem_alloc : memref<!tpu.dma_semaphore, #tpu.memory_space<semaphore_mem>>
      %dma_start3A_62 = arith.constant 0 : i32
      %dma_start3A_63 = arith.constant 0 : i32
      %dma_start3A_64 = tpu.memref_slice %arg10[%dma_start3A_62, %dma_start3A_63] : memref<125x48xf32, #tpu.memory_space<vmem>> -> memref<80x48xf32, #tpu.memory_space<vmem>>
      %dma_start3A_65 = arith.constant 0 : i32
      %dma_start3A_66 = tpu.memref_slice %arg7[%add3A_51, %dma_start3A_65] : memref<10240x48xf32, #tpu.memory_space<vmem_shared>> -> memref<80x48xf32, #tpu.memory_space<vmem_shared>>
      %dma_start3A_67 = arith.constant 0 : i32
      %dma_start3A_68 = arith.constant 0 : i32
      %dma_start3A_69 = tpu.memref_slice %arg10[%dma_start3A_67, %dma_start3A_68] : memref<125x48xf32, #tpu.memory_space<vmem>> -> memref<80x48xf32, #tpu.memory_space<vmem>>
      %dma_start3A_70 = arith.constant 0 : i32
      %dma_start3A_71 = tpu.memref_slice %arg7[%add3A_51, %dma_start3A_70] : memref<10240x48xf32, #tpu.memory_space<vmem_shared>> -> memref<80x48xf32, #tpu.memory_space<vmem_shared>>
      tpu.enqueue_dma source(%dma_start3A_71 : memref<80x48xf32, #tpu.memory_space<vmem_shared>>) target(%dma_start3A_69 : memref<80x48xf32, #tpu.memory_space<vmem>>) target_semaphore(%run_scoped3A : memref<!tpu.dma_semaphore, #tpu.memory_space<semaphore_mem>>)
      %dma_wait3A = arith.constant 0 : i32
      %dma_wait3A_72 = arith.constant 0 : i32
      %dma_wait3A_73 = tpu.memref_slice %arg10[%dma_wait3A, %dma_wait3A_72] : memref<125x48xf32, #tpu.memory_space<vmem>> -> memref<80x48xf32, #tpu.memory_space<vmem>>
      %dma_wait3A_74 = arith.constant 0 : i32
      %dma_wait3A_75 = tpu.memref_slice %arg7[%add3A_51, %dma_wait3A_74] : memref<10240x48xf32, #tpu.memory_space<vmem_shared>> -> memref<80x48xf32, #tpu.memory_space<vmem_shared>>
      %dma_wait3A_76 = arith.constant 0 : i32
      %dma_wait3A_77 = arith.constant 0 : i32
      %dma_wait3A_78 = tpu.memref_slice %arg10[%dma_wait3A_76, %dma_wait3A_77] : memref<125x48xf32, #tpu.memory_space<vmem>> -> memref<80x48xf32, #tpu.memory_space<vmem>>
      %dma_wait3A_79 = arith.constant 0 : i32
      %dma_wait3A_80 = tpu.memref_slice %arg7[%add3A_51, %dma_wait3A_79] : memref<10240x48xf32, #tpu.memory_space<vmem_shared>> -> memref<80x48xf32, #tpu.memory_space<vmem_shared>>
      tpu.wait_dma2 semaphore(%run_scoped3A : memref<!tpu.dma_semaphore, #tpu.memory_space<semaphore_mem>>) src(%dma_wait3A_80 : memref<80x48xf32, #tpu.memory_space<vmem_shared>>) dst(%dma_wait3A_78 : memref<80x48xf32, #tpu.memory_space<vmem>>)
      tpu.yield
    }) : () -> ()
    %add3A_52 = arith.constant 400 : i32
    %add3A_53 = arith.addi %mul3A_2, %add3A_52 : i32
    "tpu.region"() ({
      %run_scoped3A = tpu.sem_alloc : memref<!tpu.dma_semaphore, #tpu.memory_space<semaphore_mem>>
      %dma_start3A_62 = arith.constant 0 : i32
      %dma_start3A_63 = arith.constant 0 : i32
      %dma_start3A_64 = tpu.memref_slice %arg10[%dma_start3A_62, %dma_start3A_63] : memref<125x48xf32, #tpu.memory_space<vmem>> -> memref<80x48xf32, #tpu.memory_space<vmem>>
      %dma_start3A_65 = arith.constant 0 : i32
      %dma_start3A_66 = tpu.memref_slice %arg6[%arg0, %add3A_53, %dma_start3A_65] : memref<2x10240x48xf32, #tpu.memory_space<hbm>> -> memref<1x80x48xf32, #tpu.memory_space<hbm>>
      %dma_start3A_67 = tpu.memref_squeeze %dma_start3A_66 : memref<1x80x48xf32, #tpu.memory_space<hbm>> -> memref<80x48xf32, #tpu.memory_space<hbm>>
      %dma_start3A_68 = arith.constant 0 : i32
      %dma_start3A_69 = tpu.memref_slice %arg6[%arg0, %add3A_53, %dma_start3A_68] : memref<2x10240x48xf32, #tpu.memory_space<hbm>> -> memref<1x80x48xf32, #tpu.memory_space<hbm>>
      %dma_start3A_70 = tpu.memref_squeeze %dma_start3A_69 : memref<1x80x48xf32, #tpu.memory_space<hbm>> -> memref<80x48xf32, #tpu.memory_space<hbm>>
      %dma_start3A_71 = arith.constant 0 : i32
      %dma_start3A_72 = arith.constant 0 : i32
      %dma_start3A_73 = tpu.memref_slice %arg10[%dma_start3A_71, %dma_start3A_72] : memref<125x48xf32, #tpu.memory_space<vmem>> -> memref<80x48xf32, #tpu.memory_space<vmem>>
      tpu.enqueue_dma source(%dma_start3A_73 : memref<80x48xf32, #tpu.memory_space<vmem>>) target(%dma_start3A_70 : memref<80x48xf32, #tpu.memory_space<hbm>>) target_semaphore(%run_scoped3A : memref<!tpu.dma_semaphore, #tpu.memory_space<semaphore_mem>>)
      %dma_wait3A = arith.constant 0 : i32
      %dma_wait3A_74 = arith.constant 0 : i32
      %dma_wait3A_75 = tpu.memref_slice %arg10[%dma_wait3A, %dma_wait3A_74] : memref<125x48xf32, #tpu.memory_space<vmem>> -> memref<80x48xf32, #tpu.memory_space<vmem>>
      %dma_wait3A_76 = arith.constant 0 : i32
      %dma_wait3A_77 = tpu.memref_slice %arg6[%arg0, %add3A_53, %dma_wait3A_76] : memref<2x10240x48xf32, #tpu.memory_space<hbm>> -> memref<1x80x48xf32, #tpu.memory_space<hbm>>
      %dma_wait3A_78 = tpu.memref_squeeze %dma_wait3A_77 : memref<1x80x48xf32, #tpu.memory_space<hbm>> -> memref<80x48xf32, #tpu.memory_space<hbm>>
      %dma_wait3A_79 = arith.constant 0 : i32
      %dma_wait3A_80 = tpu.memref_slice %arg6[%arg0, %add3A_53, %dma_wait3A_79] : memref<2x10240x48xf32, #tpu.memory_space<hbm>> -> memref<1x80x48xf32, #tpu.memory_space<hbm>>
      %dma_wait3A_81 = tpu.memref_squeeze %dma_wait3A_80 : memref<1x80x48xf32, #tpu.memory_space<hbm>> -> memref<80x48xf32, #tpu.memory_space<hbm>>
      %dma_wait3A_82 = arith.constant 0 : i32
      %dma_wait3A_83 = arith.constant 0 : i32
      %dma_wait3A_84 = tpu.memref_slice %arg10[%dma_wait3A_82, %dma_wait3A_83] : memref<125x48xf32, #tpu.memory_space<vmem>> -> memref<80x48xf32, #tpu.memory_space<vmem>>
      tpu.wait_dma2 semaphore(%run_scoped3A : memref<!tpu.dma_semaphore, #tpu.memory_space<semaphore_mem>>) src(%dma_wait3A_84 : memref<80x48xf32, #tpu.memory_space<vmem>>) dst(%dma_wait3A_81 : memref<80x48xf32, #tpu.memory_space<hbm>>)
      tpu.yield
    }) : () -> ()
    %add3A_54 = arith.constant 480 : i32
    %add3A_55 = arith.addi %mul3A_2, %add3A_54 : i32
    "tpu.region"() ({
      %run_scoped3A = tpu.sem_alloc : memref<!tpu.dma_semaphore, #tpu.memory_space<semaphore_mem>>
      %dma_start3A_62 = arith.constant 0 : i32
      %dma_start3A_63 = arith.constant 0 : i32
      %dma_start3A_64 = tpu.memref_slice %arg10[%dma_start3A_62, %dma_start3A_63] : memref<125x48xf32, #tpu.memory_space<vmem>> -> memref<80x48xf32, #tpu.memory_space<vmem>>
      %dma_start3A_65 = arith.constant 0 : i32
      %dma_start3A_66 = tpu.memref_slice %arg7[%add3A_55, %dma_start3A_65] : memref<10240x48xf32, #tpu.memory_space<vmem_shared>> -> memref<80x48xf32, #tpu.memory_space<vmem_shared>>
      %dma_start3A_67 = arith.constant 0 : i32
      %dma_start3A_68 = arith.constant 0 : i32
      %dma_start3A_69 = tpu.memref_slice %arg10[%dma_start3A_67, %dma_start3A_68] : memref<125x48xf32, #tpu.memory_space<vmem>> -> memref<80x48xf32, #tpu.memory_space<vmem>>
      %dma_start3A_70 = arith.constant 0 : i32
      %dma_start3A_71 = tpu.memref_slice %arg7[%add3A_55, %dma_start3A_70] : memref<10240x48xf32, #tpu.memory_space<vmem_shared>> -> memref<80x48xf32, #tpu.memory_space<vmem_shared>>
      tpu.enqueue_dma source(%dma_start3A_71 : memref<80x48xf32, #tpu.memory_space<vmem_shared>>) target(%dma_start3A_69 : memref<80x48xf32, #tpu.memory_space<vmem>>) target_semaphore(%run_scoped3A : memref<!tpu.dma_semaphore, #tpu.memory_space<semaphore_mem>>)
      %dma_wait3A = arith.constant 0 : i32
      %dma_wait3A_72 = arith.constant 0 : i32
      %dma_wait3A_73 = tpu.memref_slice %arg10[%dma_wait3A, %dma_wait3A_72] : memref<125x48xf32, #tpu.memory_space<vmem>> -> memref<80x48xf32, #tpu.memory_space<vmem>>
      %dma_wait3A_74 = arith.constant 0 : i32
      %dma_wait3A_75 = tpu.memref_slice %arg7[%add3A_55, %dma_wait3A_74] : memref<10240x48xf32, #tpu.memory_space<vmem_shared>> -> memref<80x48xf32, #tpu.memory_space<vmem_shared>>
      %dma_wait3A_76 = arith.constant 0 : i32
      %dma_wait3A_77 = arith.constant 0 : i32
      %dma_wait3A_78 = tpu.memref_slice %arg10[%dma_wait3A_76, %dma_wait3A_77] : memref<125x48xf32, #tpu.memory_space<vmem>> -> memref<80x48xf32, #tpu.memory_space<vmem>>
      %dma_wait3A_79 = arith.constant 0 : i32
      %dma_wait3A_80 = tpu.memref_slice %arg7[%add3A_55, %dma_wait3A_79] : memref<10240x48xf32, #tpu.memory_space<vmem_shared>> -> memref<80x48xf32, #tpu.memory_space<vmem_shared>>
      tpu.wait_dma2 semaphore(%run_scoped3A : memref<!tpu.dma_semaphore, #tpu.memory_space<semaphore_mem>>) src(%dma_wait3A_80 : memref<80x48xf32, #tpu.memory_space<vmem_shared>>) dst(%dma_wait3A_78 : memref<80x48xf32, #tpu.memory_space<vmem>>)
      tpu.yield
    }) : () -> ()
    %add3A_56 = arith.constant 480 : i32
    %add3A_57 = arith.addi %mul3A_2, %add3A_56 : i32
    "tpu.region"() ({
      %run_scoped3A = tpu.sem_alloc : memref<!tpu.dma_semaphore, #tpu.memory_space<semaphore_mem>>
      %dma_start3A_62 = arith.constant 0 : i32
      %dma_start3A_63 = arith.constant 0 : i32
      %dma_start3A_64 = tpu.memref_slice %arg10[%dma_start3A_62, %dma_start3A_63] : memref<125x48xf32, #tpu.memory_space<vmem>> -> memref<80x48xf32, #tpu.memory_space<vmem>>
      %dma_start3A_65 = arith.constant 0 : i32
      %dma_start3A_66 = tpu.memref_slice %arg6[%arg0, %add3A_57, %dma_start3A_65] : memref<2x10240x48xf32, #tpu.memory_space<hbm>> -> memref<1x80x48xf32, #tpu.memory_space<hbm>>
      %dma_start3A_67 = tpu.memref_squeeze %dma_start3A_66 : memref<1x80x48xf32, #tpu.memory_space<hbm>> -> memref<80x48xf32, #tpu.memory_space<hbm>>
      %dma_start3A_68 = arith.constant 0 : i32
      %dma_start3A_69 = tpu.memref_slice %arg6[%arg0, %add3A_57, %dma_start3A_68] : memref<2x10240x48xf32, #tpu.memory_space<hbm>> -> memref<1x80x48xf32, #tpu.memory_space<hbm>>
      %dma_start3A_70 = tpu.memref_squeeze %dma_start3A_69 : memref<1x80x48xf32, #tpu.memory_space<hbm>> -> memref<80x48xf32, #tpu.memory_space<hbm>>
      %dma_start3A_71 = arith.constant 0 : i32
      %dma_start3A_72 = arith.constant 0 : i32
      %dma_start3A_73 = tpu.memref_slice %arg10[%dma_start3A_71, %dma_start3A_72] : memref<125x48xf32, #tpu.memory_space<vmem>> -> memref<80x48xf32, #tpu.memory_space<vmem>>
      tpu.enqueue_dma source(%dma_start3A_73 : memref<80x48xf32, #tpu.memory_space<vmem>>) target(%dma_start3A_70 : memref<80x48xf32, #tpu.memory_space<hbm>>) target_semaphore(%run_scoped3A : memref<!tpu.dma_semaphore, #tpu.memory_space<semaphore_mem>>)
      %dma_wait3A = arith.constant 0 : i32
      %dma_wait3A_74 = arith.constant 0 : i32
      %dma_wait3A_75 = tpu.memref_slice %arg10[%dma_wait3A, %dma_wait3A_74] : memref<125x48xf32, #tpu.memory_space<vmem>> -> memref<80x48xf32, #tpu.memory_space<vmem>>
      %dma_wait3A_76 = arith.constant 0 : i32
      %dma_wait3A_77 = tpu.memref_slice %arg6[%arg0, %add3A_57, %dma_wait3A_76] : memref<2x10240x48xf32, #tpu.memory_space<hbm>> -> memref<1x80x48xf32, #tpu.memory_space<hbm>>
      %dma_wait3A_78 = tpu.memref_squeeze %dma_wait3A_77 : memref<1x80x48xf32, #tpu.memory_space<hbm>> -> memref<80x48xf32, #tpu.memory_space<hbm>>
      %dma_wait3A_79 = arith.constant 0 : i32
      %dma_wait3A_80 = tpu.memref_slice %arg6[%arg0, %add3A_57, %dma_wait3A_79] : memref<2x10240x48xf32, #tpu.memory_space<hbm>> -> memref<1x80x48xf32, #tpu.memory_space<hbm>>
      %dma_wait3A_81 = tpu.memref_squeeze %dma_wait3A_80 : memref<1x80x48xf32, #tpu.memory_space<hbm>> -> memref<80x48xf32, #tpu.memory_space<hbm>>
      %dma_wait3A_82 = arith.constant 0 : i32
      %dma_wait3A_83 = arith.constant 0 : i32
      %dma_wait3A_84 = tpu.memref_slice %arg10[%dma_wait3A_82, %dma_wait3A_83] : memref<125x48xf32, #tpu.memory_space<vmem>> -> memref<80x48xf32, #tpu.memory_space<vmem>>
      tpu.wait_dma2 semaphore(%run_scoped3A : memref<!tpu.dma_semaphore, #tpu.memory_space<semaphore_mem>>) src(%dma_wait3A_84 : memref<80x48xf32, #tpu.memory_space<vmem>>) dst(%dma_wait3A_81 : memref<80x48xf32, #tpu.memory_space<hbm>>)
      tpu.yield
    }) : () -> ()
    %add3A_58 = arith.constant 560 : i32
    %add3A_59 = arith.addi %mul3A_2, %add3A_58 : i32
    "tpu.region"() ({
      %run_scoped3A = tpu.sem_alloc : memref<!tpu.dma_semaphore, #tpu.memory_space<semaphore_mem>>
      %dma_start3A_62 = arith.constant 0 : i32
      %dma_start3A_63 = arith.constant 0 : i32
      %dma_start3A_64 = tpu.memref_slice %arg10[%dma_start3A_62, %dma_start3A_63] : memref<125x48xf32, #tpu.memory_space<vmem>> -> memref<80x48xf32, #tpu.memory_space<vmem>>
      %dma_start3A_65 = arith.constant 0 : i32
      %dma_start3A_66 = tpu.memref_slice %arg7[%add3A_59, %dma_start3A_65] : memref<10240x48xf32, #tpu.memory_space<vmem_shared>> -> memref<80x48xf32, #tpu.memory_space<vmem_shared>>
      %dma_start3A_67 = arith.constant 0 : i32
      %dma_start3A_68 = arith.constant 0 : i32
      %dma_start3A_69 = tpu.memref_slice %arg10[%dma_start3A_67, %dma_start3A_68] : memref<125x48xf32, #tpu.memory_space<vmem>> -> memref<80x48xf32, #tpu.memory_space<vmem>>
      %dma_start3A_70 = arith.constant 0 : i32
      %dma_start3A_71 = tpu.memref_slice %arg7[%add3A_59, %dma_start3A_70] : memref<10240x48xf32, #tpu.memory_space<vmem_shared>> -> memref<80x48xf32, #tpu.memory_space<vmem_shared>>
      tpu.enqueue_dma source(%dma_start3A_71 : memref<80x48xf32, #tpu.memory_space<vmem_shared>>) target(%dma_start3A_69 : memref<80x48xf32, #tpu.memory_space<vmem>>) target_semaphore(%run_scoped3A : memref<!tpu.dma_semaphore, #tpu.memory_space<semaphore_mem>>)
      %dma_wait3A = arith.constant 0 : i32
      %dma_wait3A_72 = arith.constant 0 : i32
      %dma_wait3A_73 = tpu.memref_slice %arg10[%dma_wait3A, %dma_wait3A_72] : memref<125x48xf32, #tpu.memory_space<vmem>> -> memref<80x48xf32, #tpu.memory_space<vmem>>
      %dma_wait3A_74 = arith.constant 0 : i32
      %dma_wait3A_75 = tpu.memref_slice %arg7[%add3A_59, %dma_wait3A_74] : memref<10240x48xf32, #tpu.memory_space<vmem_shared>> -> memref<80x48xf32, #tpu.memory_space<vmem_shared>>
      %dma_wait3A_76 = arith.constant 0 : i32
      %dma_wait3A_77 = arith.constant 0 : i32
      %dma_wait3A_78 = tpu.memref_slice %arg10[%dma_wait3A_76, %dma_wait3A_77] : memref<125x48xf32, #tpu.memory_space<vmem>> -> memref<80x48xf32, #tpu.memory_space<vmem>>
      %dma_wait3A_79 = arith.constant 0 : i32
      %dma_wait3A_80 = tpu.memref_slice %arg7[%add3A_59, %dma_wait3A_79] : memref<10240x48xf32, #tpu.memory_space<vmem_shared>> -> memref<80x48xf32, #tpu.memory_space<vmem_shared>>
      tpu.wait_dma2 semaphore(%run_scoped3A : memref<!tpu.dma_semaphore, #tpu.memory_space<semaphore_mem>>) src(%dma_wait3A_80 : memref<80x48xf32, #tpu.memory_space<vmem_shared>>) dst(%dma_wait3A_78 : memref<80x48xf32, #tpu.memory_space<vmem>>)
      tpu.yield
    }) : () -> ()
    %add3A_60 = arith.constant 560 : i32
    %add3A_61 = arith.addi %mul3A_2, %add3A_60 : i32
    "tpu.region"() ({
      %run_scoped3A = tpu.sem_alloc : memref<!tpu.dma_semaphore, #tpu.memory_space<semaphore_mem>>
      %dma_start3A_62 = arith.constant 0 : i32
      %dma_start3A_63 = arith.constant 0 : i32
      %dma_start3A_64 = tpu.memref_slice %arg10[%dma_start3A_62, %dma_start3A_63] : memref<125x48xf32, #tpu.memory_space<vmem>> -> memref<80x48xf32, #tpu.memory_space<vmem>>
      %dma_start3A_65 = arith.constant 0 : i32
      %dma_start3A_66 = tpu.memref_slice %arg6[%arg0, %add3A_61, %dma_start3A_65] : memref<2x10240x48xf32, #tpu.memory_space<hbm>> -> memref<1x80x48xf32, #tpu.memory_space<hbm>>
      %dma_start3A_67 = tpu.memref_squeeze %dma_start3A_66 : memref<1x80x48xf32, #tpu.memory_space<hbm>> -> memref<80x48xf32, #tpu.memory_space<hbm>>
      %dma_start3A_68 = arith.constant 0 : i32
      %dma_start3A_69 = tpu.memref_slice %arg6[%arg0, %add3A_61, %dma_start3A_68] : memref<2x10240x48xf32, #tpu.memory_space<hbm>> -> memref<1x80x48xf32, #tpu.memory_space<hbm>>
      %dma_start3A_70 = tpu.memref_squeeze %dma_start3A_69 : memref<1x80x48xf32, #tpu.memory_space<hbm>> -> memref<80x48xf32, #tpu.memory_space<hbm>>
      %dma_start3A_71 = arith.constant 0 : i32
      %dma_start3A_72 = arith.constant 0 : i32
      %dma_start3A_73 = tpu.memref_slice %arg10[%dma_start3A_71, %dma_start3A_72] : memref<125x48xf32, #tpu.memory_space<vmem>> -> memref<80x48xf32, #tpu.memory_space<vmem>>
      tpu.enqueue_dma source(%dma_start3A_73 : memref<80x48xf32, #tpu.memory_space<vmem>>) target(%dma_start3A_70 : memref<80x48xf32, #tpu.memory_space<hbm>>) target_semaphore(%run_scoped3A : memref<!tpu.dma_semaphore, #tpu.memory_space<semaphore_mem>>)
      %dma_wait3A = arith.constant 0 : i32
      %dma_wait3A_74 = arith.constant 0 : i32
      %dma_wait3A_75 = tpu.memref_slice %arg10[%dma_wait3A, %dma_wait3A_74] : memref<125x48xf32, #tpu.memory_space<vmem>> -> memref<80x48xf32, #tpu.memory_space<vmem>>
      %dma_wait3A_76 = arith.constant 0 : i32
      %dma_wait3A_77 = tpu.memref_slice %arg6[%arg0, %add3A_61, %dma_wait3A_76] : memref<2x10240x48xf32, #tpu.memory_space<hbm>> -> memref<1x80x48xf32, #tpu.memory_space<hbm>>
      %dma_wait3A_78 = tpu.memref_squeeze %dma_wait3A_77 : memref<1x80x48xf32, #tpu.memory_space<hbm>> -> memref<80x48xf32, #tpu.memory_space<hbm>>
      %dma_wait3A_79 = arith.constant 0 : i32
      %dma_wait3A_80 = tpu.memref_slice %arg6[%arg0, %add3A_61, %dma_wait3A_79] : memref<2x10240x48xf32, #tpu.memory_space<hbm>> -> memref<1x80x48xf32, #tpu.memory_space<hbm>>
      %dma_wait3A_81 = tpu.memref_squeeze %dma_wait3A_80 : memref<1x80x48xf32, #tpu.memory_space<hbm>> -> memref<80x48xf32, #tpu.memory_space<hbm>>
      %dma_wait3A_82 = arith.constant 0 : i32
      %dma_wait3A_83 = arith.constant 0 : i32
      %dma_wait3A_84 = tpu.memref_slice %arg10[%dma_wait3A_82, %dma_wait3A_83] : memref<125x48xf32, #tpu.memory_space<vmem>> -> memref<80x48xf32, #tpu.memory_space<vmem>>
      tpu.wait_dma2 semaphore(%run_scoped3A : memref<!tpu.dma_semaphore, #tpu.memory_space<semaphore_mem>>) src(%dma_wait3A_84 : memref<80x48xf32, #tpu.memory_space<vmem>>) dst(%dma_wait3A_81 : memref<80x48xf32, #tpu.memory_space<hbm>>)
      tpu.yield
    }) : () -> ()
    return
  }
}

#map = affine_map<(d0, d1) -> (0, 0, 0)>
#map1 = affine_map<(d0, d1) -> (0)>
#map2 = affine_map<(d0, d1) -> (0, 0)>
module attributes {stable_mosaic.version = 14 : i64} {
  func.func @_sc_degree(%arg0: i32, %arg1: i32, %arg2: memref<32x625x16xi32, #tpu.memory_space<hbm>>, %arg3: memref<10000xf32, #tpu.memory_space<hbm>>, %arg4: memref<32x10000xf32, #tpu.memory_space<hbm>>, %arg5: memref<10000xf32, #tpu.memory_space<vmem>>, %arg6: memref<625x16xi32, #tpu.memory_space<vmem>>) attributes {dimension_semantics = [#tpu.dimension_semantics<core_parallel>, #tpu.dimension_semantics<subcore_parallel>], iteration_bounds = array<i64: 2, 16>, scalar_prefetch = 0 : i64, scratch_operands = 2 : i64, tpu.core_type = #tpu.core_type<sc_vector_subcore>, window_params = [{transform_indices = #map}, {transform_indices = #map1}, {transform_indices = #map2}]} {
    %mul3A = arith.constant 16 : i32
    %mul3A_0 = arith.muli %arg0, %mul3A : i32
    %add3A = arith.addi %mul3A_0, %arg1 : i32
    "tpu.region"() ({
      %run_scoped3A = tpu.sem_alloc : memref<!tpu.dma_semaphore, #tpu.memory_space<semaphore_mem>>
      tpu.enqueue_dma source(%arg3 : memref<10000xf32, #tpu.memory_space<hbm>>) target(%arg5 : memref<10000xf32, #tpu.memory_space<vmem>>) target_semaphore(%run_scoped3A : memref<!tpu.dma_semaphore, #tpu.memory_space<semaphore_mem>>)
      tpu.wait_dma2 semaphore(%run_scoped3A : memref<!tpu.dma_semaphore, #tpu.memory_space<semaphore_mem>>) src(%arg3 : memref<10000xf32, #tpu.memory_space<hbm>>) dst(%arg5 : memref<10000xf32, #tpu.memory_space<vmem>>)
      tpu.yield
    }) : () -> ()
    "tpu.region"() ({
      %run_scoped3A = tpu.sem_alloc : memref<!tpu.dma_semaphore, #tpu.memory_space<semaphore_mem>>
      %dma_start3A = arith.constant 0 : i32
      %dma_start3A_6 = arith.constant 0 : i32
      %dma_start3A_7 = tpu.memref_slice %arg2[%add3A, %dma_start3A, %dma_start3A_6] : memref<32x625x16xi32, #tpu.memory_space<hbm>> -> memref<1x625x16xi32, #tpu.memory_space<hbm>>
      %dma_start3A_8 = tpu.memref_squeeze %dma_start3A_7 : memref<1x625x16xi32, #tpu.memory_space<hbm>> -> memref<625x16xi32, #tpu.memory_space<hbm>>
      %dma_start3A_9 = arith.constant 0 : i32
      %dma_start3A_10 = arith.constant 0 : i32
      %dma_start3A_11 = tpu.memref_slice %arg2[%add3A, %dma_start3A_9, %dma_start3A_10] : memref<32x625x16xi32, #tpu.memory_space<hbm>> -> memref<1x625x16xi32, #tpu.memory_space<hbm>>
      %dma_start3A_12 = tpu.memref_squeeze %dma_start3A_11 : memref<1x625x16xi32, #tpu.memory_space<hbm>> -> memref<625x16xi32, #tpu.memory_space<hbm>>
      tpu.enqueue_dma source(%dma_start3A_12 : memref<625x16xi32, #tpu.memory_space<hbm>>) target(%arg6 : memref<625x16xi32, #tpu.memory_space<vmem>>) target_semaphore(%run_scoped3A : memref<!tpu.dma_semaphore, #tpu.memory_space<semaphore_mem>>)
      %dma_wait3A = arith.constant 0 : i32
      %dma_wait3A_13 = arith.constant 0 : i32
      %dma_wait3A_14 = tpu.memref_slice %arg2[%add3A, %dma_wait3A, %dma_wait3A_13] : memref<32x625x16xi32, #tpu.memory_space<hbm>> -> memref<1x625x16xi32, #tpu.memory_space<hbm>>
      %dma_wait3A_15 = tpu.memref_squeeze %dma_wait3A_14 : memref<1x625x16xi32, #tpu.memory_space<hbm>> -> memref<625x16xi32, #tpu.memory_space<hbm>>
      %dma_wait3A_16 = arith.constant 0 : i32
      %dma_wait3A_17 = arith.constant 0 : i32
      %dma_wait3A_18 = tpu.memref_slice %arg2[%add3A, %dma_wait3A_16, %dma_wait3A_17] : memref<32x625x16xi32, #tpu.memory_space<hbm>> -> memref<1x625x16xi32, #tpu.memory_space<hbm>>
      %dma_wait3A_19 = tpu.memref_squeeze %dma_wait3A_18 : memref<1x625x16xi32, #tpu.memory_space<hbm>> -> memref<625x16xi32, #tpu.memory_space<hbm>>
      tpu.wait_dma2 semaphore(%run_scoped3A : memref<!tpu.dma_semaphore, #tpu.memory_space<semaphore_mem>>) src(%dma_wait3A_19 : memref<625x16xi32, #tpu.memory_space<hbm>>) dst(%arg6 : memref<625x16xi32, #tpu.memory_space<vmem>>)
      tpu.yield
    }) : () -> ()
    %broadcast_in_dim3A = arith.constant 1.000000e+00 : f32
    %broadcast_in_dim3A_1 = vector.broadcast %broadcast_in_dim3A : f32 to vector<16xf32>
    %scan3A = arith.constant 0 : i32
    %scan3A_2 = arith.constant 625 : i32
    %scan3A_3 = arith.addi %scan3A, %scan3A_2 : i32
    %scan3A_4 = arith.constant 1 : i32
    scf.for %scan3A_6 = %scan3A to %scan3A_3 step %scan3A_4  : i32 {
      %mul3A_7 = arith.constant 1 : i32
      %mul3A_8 = arith.muli %scan3A_6, %mul3A_7 : i32
      %add3A_9 = arith.constant 0 : i32
      %add3A_10 = arith.addi %add3A_9, %mul3A_8 : i32
      %get3A = arith.index_cast %add3A_10 : i32 to index
      %get3A_11 = arith.constant 0 : index
      %get3A_12 = tpu.vector_load %arg6[%get3A, %get3A_11] {strides = array<i32>} : memref<625x16xi32, #tpu.memory_space<vmem>>, vector<16xi32>,
      tpu.vector_store_idx %arg5[%get3A_12], %broadcast_in_dim3A_1 {add = true} : memref<10000xf32, #tpu.memory_space<vmem>>[vector<16xi32>], vector<16xf32>,
    }
    %scan3A_5 = arith.constant 625 : i32
    "tpu.region"() ({
      %run_scoped3A = tpu.sem_alloc : memref<!tpu.dma_semaphore, #tpu.memory_space<semaphore_mem>>
      %dma_start3A = arith.constant 0 : i32
      %dma_start3A_6 = tpu.memref_slice %arg4[%add3A, %dma_start3A] : memref<32x10000xf32, #tpu.memory_space<hbm>> -> memref<1x10000xf32, #tpu.memory_space<hbm>>
      %dma_start3A_7 = tpu.memref_squeeze %dma_start3A_6 : memref<1x10000xf32, #tpu.memory_space<hbm>> -> memref<10000xf32, #tpu.memory_space<hbm>>
      %dma_start3A_8 = arith.constant 0 : i32
      %dma_start3A_9 = tpu.memref_slice %arg4[%add3A, %dma_start3A_8] : memref<32x10000xf32, #tpu.memory_space<hbm>> -> memref<1x10000xf32, #tpu.memory_space<hbm>>
      %dma_start3A_10 = tpu.memref_squeeze %dma_start3A_9 : memref<1x10000xf32, #tpu.memory_space<hbm>> -> memref<10000xf32, #tpu.memory_space<hbm>>
      tpu.enqueue_dma source(%arg5 : memref<10000xf32, #tpu.memory_space<vmem>>) target(%dma_start3A_10 : memref<10000xf32, #tpu.memory_space<hbm>>) target_semaphore(%run_scoped3A : memref<!tpu.dma_semaphore, #tpu.memory_space<semaphore_mem>>)
      %dma_wait3A = arith.constant 0 : i32
      %dma_wait3A_11 = tpu.memref_slice %arg4[%add3A, %dma_wait3A] : memref<32x10000xf32, #tpu.memory_space<hbm>> -> memref<1x10000xf32, #tpu.memory_space<hbm>>
      %dma_wait3A_12 = tpu.memref_squeeze %dma_wait3A_11 : memref<1x10000xf32, #tpu.memory_space<hbm>> -> memref<10000xf32, #tpu.memory_space<hbm>>
      %dma_wait3A_13 = arith.constant 0 : i32
      %dma_wait3A_14 = tpu.memref_slice %arg4[%add3A, %dma_wait3A_13] : memref<32x10000xf32, #tpu.memory_space<hbm>> -> memref<1x10000xf32, #tpu.memory_space<hbm>>
      %dma_wait3A_15 = tpu.memref_squeeze %dma_wait3A_14 : memref<1x10000xf32, #tpu.memory_space<hbm>> -> memref<10000xf32, #tpu.memory_space<hbm>>
      tpu.wait_dma2 semaphore(%run_scoped3A : memref<!tpu.dma_semaphore, #tpu.memory_space<semaphore_mem>>) src(%arg5 : memref<10000xf32, #tpu.memory_space<vmem>>) dst(%dma_wait3A_15 : memref<10000xf32, #tpu.memory_space<hbm>>)
      tpu.yield
    }) : () -> ()
    return
  }
}

#map = affine_map<(d0, d1) -> (0, 0)>
#map1 = affine_map<(d0, d1) -> (0, 0, 0)>
module attributes {stable_mosaic.version = 14 : i64} {
  func.func @prop(%arg0: i32, %arg1: i32, %arg2: memref<10000x128xf32, #tpu.memory_space<hbm>>, %arg3: memref<32x80x125xi32, #tpu.memory_space<hbm>>, %arg4: memref<32x80x125xi32, #tpu.memory_space<hbm>>, %arg5: memref<125x128xf32, #tpu.memory_space<hbm>>, %arg6: memref<2x10240x128xf32, #tpu.memory_space<hbm>>, %arg7: memref<10240x128xf32, #tpu.memory_space<vmem_shared>>, %arg8: memref<40x125xi32, #tpu.memory_space<vmem>>, %arg9: memref<40x125xi32, #tpu.memory_space<vmem>>, %arg10: memref<125x128xf32, #tpu.memory_space<vmem>>, %arg11: memref<125x128xf32, #tpu.memory_space<vmem>>, %arg12: memref<!tpu.dma_semaphore, #tpu.memory_space<semaphore_mem>>, %arg13: memref<!tpu.dma_semaphore, #tpu.memory_space<semaphore_mem>>) attributes {dimension_semantics = [#tpu.dimension_semantics<core_parallel>, #tpu.dimension_semantics<subcore_parallel>], iteration_bounds = array<i64: 2, 16>, scalar_prefetch = 0 : i64, scratch_operands = 7 : i64, tpu.core_type = #tpu.core_type<sc_vector_subcore>, window_params = [{transform_indices = #map}, {transform_indices = #map1}, {transform_indices = #map1}, {transform_indices = #map}, {transform_indices = #map1}]} {
    %mul3A = arith.constant 16 : i32
    %mul3A_0 = arith.muli %arg0, %mul3A : i32
    %add3A = arith.addi %mul3A_0, %arg1 : i32
    %mul3A_1 = arith.constant 640 : i32
    %mul3A_2 = arith.muli %arg1, %mul3A_1 : i32
    "tpu.region"() ({
      %run_scoped3A = tpu.sem_alloc : memref<!tpu.dma_semaphore, #tpu.memory_space<semaphore_mem>>
      tpu.enqueue_dma source(%arg5 : memref<125x128xf32, #tpu.memory_space<hbm>>) target(%arg10 : memref<125x128xf32, #tpu.memory_space<vmem>>) target_semaphore(%run_scoped3A : memref<!tpu.dma_semaphore, #tpu.memory_space<semaphore_mem>>)
      tpu.wait_dma2 semaphore(%run_scoped3A : memref<!tpu.dma_semaphore, #tpu.memory_space<semaphore_mem>>) src(%arg5 : memref<125x128xf32, #tpu.memory_space<hbm>>) dst(%arg10 : memref<125x128xf32, #tpu.memory_space<vmem>>)
      tpu.yield
    }) : () -> ()
    %add3A_3 = arith.constant 0 : i32
    %add3A_4 = arith.addi %mul3A_2, %add3A_3 : i32
    "tpu.region"() ({
      %run_scoped3A = tpu.sem_alloc : memref<!tpu.dma_semaphore, #tpu.memory_space<semaphore_mem>>
      %dma_start3A_74 = arith.constant 0 : i32
      %dma_start3A_75 = arith.constant 0 : i32
      %dma_start3A_76 = tpu.memref_slice %arg10[%dma_start3A_74, %dma_start3A_75] : memref<125x128xf32, #tpu.memory_space<vmem>> -> memref<80x128xf32, #tpu.memory_space<vmem>>
      %dma_start3A_77 = arith.constant 0 : i32
      %dma_start3A_78 = tpu.memref_slice %arg7[%add3A_4, %dma_start3A_77] : memref<10240x128xf32, #tpu.memory_space<vmem_shared>> -> memref<80x128xf32, #tpu.memory_space<vmem_shared>>
      %dma_start3A_79 = arith.constant 0 : i32
      %dma_start3A_80 = tpu.memref_slice %arg7[%add3A_4, %dma_start3A_79] : memref<10240x128xf32, #tpu.memory_space<vmem_shared>> -> memref<80x128xf32, #tpu.memory_space<vmem_shared>>
      %dma_start3A_81 = arith.constant 0 : i32
      %dma_start3A_82 = arith.constant 0 : i32
      %dma_start3A_83 = tpu.memref_slice %arg10[%dma_start3A_81, %dma_start3A_82] : memref<125x128xf32, #tpu.memory_space<vmem>> -> memref<80x128xf32, #tpu.memory_space<vmem>>
      tpu.enqueue_dma source(%dma_start3A_83 : memref<80x128xf32, #tpu.memory_space<vmem>>) target(%dma_start3A_80 : memref<80x128xf32, #tpu.memory_space<vmem_shared>>) target_semaphore(%run_scoped3A : memref<!tpu.dma_semaphore, #tpu.memory_space<semaphore_mem>>)
      %dma_wait3A = arith.constant 0 : i32
      %dma_wait3A_84 = arith.constant 0 : i32
      %dma_wait3A_85 = tpu.memref_slice %arg10[%dma_wait3A, %dma_wait3A_84] : memref<125x128xf32, #tpu.memory_space<vmem>> -> memref<80x128xf32, #tpu.memory_space<vmem>>
      %dma_wait3A_86 = arith.constant 0 : i32
      %dma_wait3A_87 = tpu.memref_slice %arg7[%add3A_4, %dma_wait3A_86] : memref<10240x128xf32, #tpu.memory_space<vmem_shared>> -> memref<80x128xf32, #tpu.memory_space<vmem_shared>>
      %dma_wait3A_88 = arith.constant 0 : i32
      %dma_wait3A_89 = tpu.memref_slice %arg7[%add3A_4, %dma_wait3A_88] : memref<10240x128xf32, #tpu.memory_space<vmem_shared>> -> memref<80x128xf32, #tpu.memory_space<vmem_shared>>
      %dma_wait3A_90 = arith.constant 0 : i32
      %dma_wait3A_91 = arith.constant 0 : i32
      %dma_wait3A_92 = tpu.memref_slice %arg10[%dma_wait3A_90, %dma_wait3A_91] : memref<125x128xf32, #tpu.memory_space<vmem>> -> memref<80x128xf32, #tpu.memory_space<vmem>>
      tpu.wait_dma2 semaphore(%run_scoped3A : memref<!tpu.dma_semaphore, #tpu.memory_space<semaphore_mem>>) src(%dma_wait3A_92 : memref<80x128xf32, #tpu.memory_space<vmem>>) dst(%dma_wait3A_89 : memref<80x128xf32, #tpu.memory_space<vmem_shared>>)
      tpu.yield
    }) : () -> ()
    %add3A_5 = arith.constant 80 : i32
    %add3A_6 = arith.addi %mul3A_2, %add3A_5 : i32
    "tpu.region"() ({
      %run_scoped3A = tpu.sem_alloc : memref<!tpu.dma_semaphore, #tpu.memory_space<semaphore_mem>>
      %dma_start3A_74 = arith.constant 0 : i32
      %dma_start3A_75 = arith.constant 0 : i32
      %dma_start3A_76 = tpu.memref_slice %arg10[%dma_start3A_74, %dma_start3A_75] : memref<125x128xf32, #tpu.memory_space<vmem>> -> memref<80x128xf32, #tpu.memory_space<vmem>>
      %dma_start3A_77 = arith.constant 0 : i32
      %dma_start3A_78 = tpu.memref_slice %arg7[%add3A_6, %dma_start3A_77] : memref<10240x128xf32, #tpu.memory_space<vmem_shared>> -> memref<80x128xf32, #tpu.memory_space<vmem_shared>>
      %dma_start3A_79 = arith.constant 0 : i32
      %dma_start3A_80 = tpu.memref_slice %arg7[%add3A_6, %dma_start3A_79] : memref<10240x128xf32, #tpu.memory_space<vmem_shared>> -> memref<80x128xf32, #tpu.memory_space<vmem_shared>>
      %dma_start3A_81 = arith.constant 0 : i32
      %dma_start3A_82 = arith.constant 0 : i32
      %dma_start3A_83 = tpu.memref_slice %arg10[%dma_start3A_81, %dma_start3A_82] : memref<125x128xf32, #tpu.memory_space<vmem>> -> memref<80x128xf32, #tpu.memory_space<vmem>>
      tpu.enqueue_dma source(%dma_start3A_83 : memref<80x128xf32, #tpu.memory_space<vmem>>) target(%dma_start3A_80 : memref<80x128xf32, #tpu.memory_space<vmem_shared>>) target_semaphore(%run_scoped3A : memref<!tpu.dma_semaphore, #tpu.memory_space<semaphore_mem>>)
      %dma_wait3A = arith.constant 0 : i32
      %dma_wait3A_84 = arith.constant 0 : i32
      %dma_wait3A_85 = tpu.memref_slice %arg10[%dma_wait3A, %dma_wait3A_84] : memref<125x128xf32, #tpu.memory_space<vmem>> -> memref<80x128xf32, #tpu.memory_space<vmem>>
      %dma_wait3A_86 = arith.constant 0 : i32
      %dma_wait3A_87 = tpu.memref_slice %arg7[%add3A_6, %dma_wait3A_86] : memref<10240x128xf32, #tpu.memory_space<vmem_shared>> -> memref<80x128xf32, #tpu.memory_space<vmem_shared>>
      %dma_wait3A_88 = arith.constant 0 : i32
      %dma_wait3A_89 = tpu.memref_slice %arg7[%add3A_6, %dma_wait3A_88] : memref<10240x128xf32, #tpu.memory_space<vmem_shared>> -> memref<80x128xf32, #tpu.memory_space<vmem_shared>>
      %dma_wait3A_90 = arith.constant 0 : i32
      %dma_wait3A_91 = arith.constant 0 : i32
      %dma_wait3A_92 = tpu.memref_slice %arg10[%dma_wait3A_90, %dma_wait3A_91] : memref<125x128xf32, #tpu.memory_space<vmem>> -> memref<80x128xf32, #tpu.memory_space<vmem>>
      tpu.wait_dma2 semaphore(%run_scoped3A : memref<!tpu.dma_semaphore, #tpu.memory_space<semaphore_mem>>) src(%dma_wait3A_92 : memref<80x128xf32, #tpu.memory_space<vmem>>) dst(%dma_wait3A_89 : memref<80x128xf32, #tpu.memory_space<vmem_shared>>)
      tpu.yield
    }) : () -> ()
    %add3A_7 = arith.constant 160 : i32
    %add3A_8 = arith.addi %mul3A_2, %add3A_7 : i32
    "tpu.region"() ({
      %run_scoped3A = tpu.sem_alloc : memref<!tpu.dma_semaphore, #tpu.memory_space<semaphore_mem>>
      %dma_start3A_74 = arith.constant 0 : i32
      %dma_start3A_75 = arith.constant 0 : i32
      %dma_start3A_76 = tpu.memref_slice %arg10[%dma_start3A_74, %dma_start3A_75] : memref<125x128xf32, #tpu.memory_space<vmem>> -> memref<80x128xf32, #tpu.memory_space<vmem>>
      %dma_start3A_77 = arith.constant 0 : i32
      %dma_start3A_78 = tpu.memref_slice %arg7[%add3A_8, %dma_start3A_77] : memref<10240x128xf32, #tpu.memory_space<vmem_shared>> -> memref<80x128xf32, #tpu.memory_space<vmem_shared>>
      %dma_start3A_79 = arith.constant 0 : i32
      %dma_start3A_80 = tpu.memref_slice %arg7[%add3A_8, %dma_start3A_79] : memref<10240x128xf32, #tpu.memory_space<vmem_shared>> -> memref<80x128xf32, #tpu.memory_space<vmem_shared>>
      %dma_start3A_81 = arith.constant 0 : i32
      %dma_start3A_82 = arith.constant 0 : i32
      %dma_start3A_83 = tpu.memref_slice %arg10[%dma_start3A_81, %dma_start3A_82] : memref<125x128xf32, #tpu.memory_space<vmem>> -> memref<80x128xf32, #tpu.memory_space<vmem>>
      tpu.enqueue_dma source(%dma_start3A_83 : memref<80x128xf32, #tpu.memory_space<vmem>>) target(%dma_start3A_80 : memref<80x128xf32, #tpu.memory_space<vmem_shared>>) target_semaphore(%run_scoped3A : memref<!tpu.dma_semaphore, #tpu.memory_space<semaphore_mem>>)
      %dma_wait3A = arith.constant 0 : i32
      %dma_wait3A_84 = arith.constant 0 : i32
      %dma_wait3A_85 = tpu.memref_slice %arg10[%dma_wait3A, %dma_wait3A_84] : memref<125x128xf32, #tpu.memory_space<vmem>> -> memref<80x128xf32, #tpu.memory_space<vmem>>
      %dma_wait3A_86 = arith.constant 0 : i32
      %dma_wait3A_87 = tpu.memref_slice %arg7[%add3A_8, %dma_wait3A_86] : memref<10240x128xf32, #tpu.memory_space<vmem_shared>> -> memref<80x128xf32, #tpu.memory_space<vmem_shared>>
      %dma_wait3A_88 = arith.constant 0 : i32
      %dma_wait3A_89 = tpu.memref_slice %arg7[%add3A_8, %dma_wait3A_88] : memref<10240x128xf32, #tpu.memory_space<vmem_shared>> -> memref<80x128xf32, #tpu.memory_space<vmem_shared>>
      %dma_wait3A_90 = arith.constant 0 : i32
      %dma_wait3A_91 = arith.constant 0 : i32
      %dma_wait3A_92 = tpu.memref_slice %arg10[%dma_wait3A_90, %dma_wait3A_91] : memref<125x128xf32, #tpu.memory_space<vmem>> -> memref<80x128xf32, #tpu.memory_space<vmem>>
      tpu.wait_dma2 semaphore(%run_scoped3A : memref<!tpu.dma_semaphore, #tpu.memory_space<semaphore_mem>>) src(%dma_wait3A_92 : memref<80x128xf32, #tpu.memory_space<vmem>>) dst(%dma_wait3A_89 : memref<80x128xf32, #tpu.memory_space<vmem_shared>>)
      tpu.yield
    }) : () -> ()
    %add3A_9 = arith.constant 240 : i32
    %add3A_10 = arith.addi %mul3A_2, %add3A_9 : i32
    "tpu.region"() ({
      %run_scoped3A = tpu.sem_alloc : memref<!tpu.dma_semaphore, #tpu.memory_space<semaphore_mem>>
      %dma_start3A_74 = arith.constant 0 : i32
      %dma_start3A_75 = arith.constant 0 : i32
      %dma_start3A_76 = tpu.memref_slice %arg10[%dma_start3A_74, %dma_start3A_75] : memref<125x128xf32, #tpu.memory_space<vmem>> -> memref<80x128xf32, #tpu.memory_space<vmem>>
      %dma_start3A_77 = arith.constant 0 : i32
      %dma_start3A_78 = tpu.memref_slice %arg7[%add3A_10, %dma_start3A_77] : memref<10240x128xf32, #tpu.memory_space<vmem_shared>> -> memref<80x128xf32, #tpu.memory_space<vmem_shared>>
      %dma_start3A_79 = arith.constant 0 : i32
      %dma_start3A_80 = tpu.memref_slice %arg7[%add3A_10, %dma_start3A_79] : memref<10240x128xf32, #tpu.memory_space<vmem_shared>> -> memref<80x128xf32, #tpu.memory_space<vmem_shared>>
      %dma_start3A_81 = arith.constant 0 : i32
      %dma_start3A_82 = arith.constant 0 : i32
      %dma_start3A_83 = tpu.memref_slice %arg10[%dma_start3A_81, %dma_start3A_82] : memref<125x128xf32, #tpu.memory_space<vmem>> -> memref<80x128xf32, #tpu.memory_space<vmem>>
      tpu.enqueue_dma source(%dma_start3A_83 : memref<80x128xf32, #tpu.memory_space<vmem>>) target(%dma_start3A_80 : memref<80x128xf32, #tpu.memory_space<vmem_shared>>) target_semaphore(%run_scoped3A : memref<!tpu.dma_semaphore, #tpu.memory_space<semaphore_mem>>)
      %dma_wait3A = arith.constant 0 : i32
      %dma_wait3A_84 = arith.constant 0 : i32
      %dma_wait3A_85 = tpu.memref_slice %arg10[%dma_wait3A, %dma_wait3A_84] : memref<125x128xf32, #tpu.memory_space<vmem>> -> memref<80x128xf32, #tpu.memory_space<vmem>>
      %dma_wait3A_86 = arith.constant 0 : i32
      %dma_wait3A_87 = tpu.memref_slice %arg7[%add3A_10, %dma_wait3A_86] : memref<10240x128xf32, #tpu.memory_space<vmem_shared>> -> memref<80x128xf32, #tpu.memory_space<vmem_shared>>
      %dma_wait3A_88 = arith.constant 0 : i32
      %dma_wait3A_89 = tpu.memref_slice %arg7[%add3A_10, %dma_wait3A_88] : memref<10240x128xf32, #tpu.memory_space<vmem_shared>> -> memref<80x128xf32, #tpu.memory_space<vmem_shared>>
      %dma_wait3A_90 = arith.constant 0 : i32
      %dma_wait3A_91 = arith.constant 0 : i32
      %dma_wait3A_92 = tpu.memref_slice %arg10[%dma_wait3A_90, %dma_wait3A_91] : memref<125x128xf32, #tpu.memory_space<vmem>> -> memref<80x128xf32, #tpu.memory_space<vmem>>
      tpu.wait_dma2 semaphore(%run_scoped3A : memref<!tpu.dma_semaphore, #tpu.memory_space<semaphore_mem>>) src(%dma_wait3A_92 : memref<80x128xf32, #tpu.memory_space<vmem>>) dst(%dma_wait3A_89 : memref<80x128xf32, #tpu.memory_space<vmem_shared>>)
      tpu.yield
    }) : () -> ()
    %add3A_11 = arith.constant 320 : i32
    %add3A_12 = arith.addi %mul3A_2, %add3A_11 : i32
    "tpu.region"() ({
      %run_scoped3A = tpu.sem_alloc : memref<!tpu.dma_semaphore, #tpu.memory_space<semaphore_mem>>
      %dma_start3A_74 = arith.constant 0 : i32
      %dma_start3A_75 = arith.constant 0 : i32
      %dma_start3A_76 = tpu.memref_slice %arg10[%dma_start3A_74, %dma_start3A_75] : memref<125x128xf32, #tpu.memory_space<vmem>> -> memref<80x128xf32, #tpu.memory_space<vmem>>
      %dma_start3A_77 = arith.constant 0 : i32
      %dma_start3A_78 = tpu.memref_slice %arg7[%add3A_12, %dma_start3A_77] : memref<10240x128xf32, #tpu.memory_space<vmem_shared>> -> memref<80x128xf32, #tpu.memory_space<vmem_shared>>
      %dma_start3A_79 = arith.constant 0 : i32
      %dma_start3A_80 = tpu.memref_slice %arg7[%add3A_12, %dma_start3A_79] : memref<10240x128xf32, #tpu.memory_space<vmem_shared>> -> memref<80x128xf32, #tpu.memory_space<vmem_shared>>
      %dma_start3A_81 = arith.constant 0 : i32
      %dma_start3A_82 = arith.constant 0 : i32
      %dma_start3A_83 = tpu.memref_slice %arg10[%dma_start3A_81, %dma_start3A_82] : memref<125x128xf32, #tpu.memory_space<vmem>> -> memref<80x128xf32, #tpu.memory_space<vmem>>
      tpu.enqueue_dma source(%dma_start3A_83 : memref<80x128xf32, #tpu.memory_space<vmem>>) target(%dma_start3A_80 : memref<80x128xf32, #tpu.memory_space<vmem_shared>>) target_semaphore(%run_scoped3A : memref<!tpu.dma_semaphore, #tpu.memory_space<semaphore_mem>>)
      %dma_wait3A = arith.constant 0 : i32
      %dma_wait3A_84 = arith.constant 0 : i32
      %dma_wait3A_85 = tpu.memref_slice %arg10[%dma_wait3A, %dma_wait3A_84] : memref<125x128xf32, #tpu.memory_space<vmem>> -> memref<80x128xf32, #tpu.memory_space<vmem>>
      %dma_wait3A_86 = arith.constant 0 : i32
      %dma_wait3A_87 = tpu.memref_slice %arg7[%add3A_12, %dma_wait3A_86] : memref<10240x128xf32, #tpu.memory_space<vmem_shared>> -> memref<80x128xf32, #tpu.memory_space<vmem_shared>>
      %dma_wait3A_88 = arith.constant 0 : i32
      %dma_wait3A_89 = tpu.memref_slice %arg7[%add3A_12, %dma_wait3A_88] : memref<10240x128xf32, #tpu.memory_space<vmem_shared>> -> memref<80x128xf32, #tpu.memory_space<vmem_shared>>
      %dma_wait3A_90 = arith.constant 0 : i32
      %dma_wait3A_91 = arith.constant 0 : i32
      %dma_wait3A_92 = tpu.memref_slice %arg10[%dma_wait3A_90, %dma_wait3A_91] : memref<125x128xf32, #tpu.memory_space<vmem>> -> memref<80x128xf32, #tpu.memory_space<vmem>>
      tpu.wait_dma2 semaphore(%run_scoped3A : memref<!tpu.dma_semaphore, #tpu.memory_space<semaphore_mem>>) src(%dma_wait3A_92 : memref<80x128xf32, #tpu.memory_space<vmem>>) dst(%dma_wait3A_89 : memref<80x128xf32, #tpu.memory_space<vmem_shared>>)
      tpu.yield
    }) : () -> ()
    %add3A_13 = arith.constant 400 : i32
    %add3A_14 = arith.addi %mul3A_2, %add3A_13 : i32
    "tpu.region"() ({
      %run_scoped3A = tpu.sem_alloc : memref<!tpu.dma_semaphore, #tpu.memory_space<semaphore_mem>>
      %dma_start3A_74 = arith.constant 0 : i32
      %dma_start3A_75 = arith.constant 0 : i32
      %dma_start3A_76 = tpu.memref_slice %arg10[%dma_start3A_74, %dma_start3A_75] : memref<125x128xf32, #tpu.memory_space<vmem>> -> memref<80x128xf32, #tpu.memory_space<vmem>>
      %dma_start3A_77 = arith.constant 0 : i32
      %dma_start3A_78 = tpu.memref_slice %arg7[%add3A_14, %dma_start3A_77] : memref<10240x128xf32, #tpu.memory_space<vmem_shared>> -> memref<80x128xf32, #tpu.memory_space<vmem_shared>>
      %dma_start3A_79 = arith.constant 0 : i32
      %dma_start3A_80 = tpu.memref_slice %arg7[%add3A_14, %dma_start3A_79] : memref<10240x128xf32, #tpu.memory_space<vmem_shared>> -> memref<80x128xf32, #tpu.memory_space<vmem_shared>>
      %dma_start3A_81 = arith.constant 0 : i32
      %dma_start3A_82 = arith.constant 0 : i32
      %dma_start3A_83 = tpu.memref_slice %arg10[%dma_start3A_81, %dma_start3A_82] : memref<125x128xf32, #tpu.memory_space<vmem>> -> memref<80x128xf32, #tpu.memory_space<vmem>>
      tpu.enqueue_dma source(%dma_start3A_83 : memref<80x128xf32, #tpu.memory_space<vmem>>) target(%dma_start3A_80 : memref<80x128xf32, #tpu.memory_space<vmem_shared>>) target_semaphore(%run_scoped3A : memref<!tpu.dma_semaphore, #tpu.memory_space<semaphore_mem>>)
      %dma_wait3A = arith.constant 0 : i32
      %dma_wait3A_84 = arith.constant 0 : i32
      %dma_wait3A_85 = tpu.memref_slice %arg10[%dma_wait3A, %dma_wait3A_84] : memref<125x128xf32, #tpu.memory_space<vmem>> -> memref<80x128xf32, #tpu.memory_space<vmem>>
      %dma_wait3A_86 = arith.constant 0 : i32
      %dma_wait3A_87 = tpu.memref_slice %arg7[%add3A_14, %dma_wait3A_86] : memref<10240x128xf32, #tpu.memory_space<vmem_shared>> -> memref<80x128xf32, #tpu.memory_space<vmem_shared>>
      %dma_wait3A_88 = arith.constant 0 : i32
      %dma_wait3A_89 = tpu.memref_slice %arg7[%add3A_14, %dma_wait3A_88] : memref<10240x128xf32, #tpu.memory_space<vmem_shared>> -> memref<80x128xf32, #tpu.memory_space<vmem_shared>>
      %dma_wait3A_90 = arith.constant 0 : i32
      %dma_wait3A_91 = arith.constant 0 : i32
      %dma_wait3A_92 = tpu.memref_slice %arg10[%dma_wait3A_90, %dma_wait3A_91] : memref<125x128xf32, #tpu.memory_space<vmem>> -> memref<80x128xf32, #tpu.memory_space<vmem>>
      tpu.wait_dma2 semaphore(%run_scoped3A : memref<!tpu.dma_semaphore, #tpu.memory_space<semaphore_mem>>) src(%dma_wait3A_92 : memref<80x128xf32, #tpu.memory_space<vmem>>) dst(%dma_wait3A_89 : memref<80x128xf32, #tpu.memory_space<vmem_shared>>)
      tpu.yield
    }) : () -> ()
    %add3A_15 = arith.constant 480 : i32
    %add3A_16 = arith.addi %mul3A_2, %add3A_15 : i32
    "tpu.region"() ({
      %run_scoped3A = tpu.sem_alloc : memref<!tpu.dma_semaphore, #tpu.memory_space<semaphore_mem>>
      %dma_start3A_74 = arith.constant 0 : i32
      %dma_start3A_75 = arith.constant 0 : i32
      %dma_start3A_76 = tpu.memref_slice %arg10[%dma_start3A_74, %dma_start3A_75] : memref<125x128xf32, #tpu.memory_space<vmem>> -> memref<80x128xf32, #tpu.memory_space<vmem>>
      %dma_start3A_77 = arith.constant 0 : i32
      %dma_start3A_78 = tpu.memref_slice %arg7[%add3A_16, %dma_start3A_77] : memref<10240x128xf32, #tpu.memory_space<vmem_shared>> -> memref<80x128xf32, #tpu.memory_space<vmem_shared>>
      %dma_start3A_79 = arith.constant 0 : i32
      %dma_start3A_80 = tpu.memref_slice %arg7[%add3A_16, %dma_start3A_79] : memref<10240x128xf32, #tpu.memory_space<vmem_shared>> -> memref<80x128xf32, #tpu.memory_space<vmem_shared>>
      %dma_start3A_81 = arith.constant 0 : i32
      %dma_start3A_82 = arith.constant 0 : i32
      %dma_start3A_83 = tpu.memref_slice %arg10[%dma_start3A_81, %dma_start3A_82] : memref<125x128xf32, #tpu.memory_space<vmem>> -> memref<80x128xf32, #tpu.memory_space<vmem>>
      tpu.enqueue_dma source(%dma_start3A_83 : memref<80x128xf32, #tpu.memory_space<vmem>>) target(%dma_start3A_80 : memref<80x128xf32, #tpu.memory_space<vmem_shared>>) target_semaphore(%run_scoped3A : memref<!tpu.dma_semaphore, #tpu.memory_space<semaphore_mem>>)
      %dma_wait3A = arith.constant 0 : i32
      %dma_wait3A_84 = arith.constant 0 : i32
      %dma_wait3A_85 = tpu.memref_slice %arg10[%dma_wait3A, %dma_wait3A_84] : memref<125x128xf32, #tpu.memory_space<vmem>> -> memref<80x128xf32, #tpu.memory_space<vmem>>
      %dma_wait3A_86 = arith.constant 0 : i32
      %dma_wait3A_87 = tpu.memref_slice %arg7[%add3A_16, %dma_wait3A_86] : memref<10240x128xf32, #tpu.memory_space<vmem_shared>> -> memref<80x128xf32, #tpu.memory_space<vmem_shared>>
      %dma_wait3A_88 = arith.constant 0 : i32
      %dma_wait3A_89 = tpu.memref_slice %arg7[%add3A_16, %dma_wait3A_88] : memref<10240x128xf32, #tpu.memory_space<vmem_shared>> -> memref<80x128xf32, #tpu.memory_space<vmem_shared>>
      %dma_wait3A_90 = arith.constant 0 : i32
      %dma_wait3A_91 = arith.constant 0 : i32
      %dma_wait3A_92 = tpu.memref_slice %arg10[%dma_wait3A_90, %dma_wait3A_91] : memref<125x128xf32, #tpu.memory_space<vmem>> -> memref<80x128xf32, #tpu.memory_space<vmem>>
      tpu.wait_dma2 semaphore(%run_scoped3A : memref<!tpu.dma_semaphore, #tpu.memory_space<semaphore_mem>>) src(%dma_wait3A_92 : memref<80x128xf32, #tpu.memory_space<vmem>>) dst(%dma_wait3A_89 : memref<80x128xf32, #tpu.memory_space<vmem_shared>>)
      tpu.yield
    }) : () -> ()
    %add3A_17 = arith.constant 560 : i32
    %add3A_18 = arith.addi %mul3A_2, %add3A_17 : i32
    "tpu.region"() ({
      %run_scoped3A = tpu.sem_alloc : memref<!tpu.dma_semaphore, #tpu.memory_space<semaphore_mem>>
      %dma_start3A_74 = arith.constant 0 : i32
      %dma_start3A_75 = arith.constant 0 : i32
      %dma_start3A_76 = tpu.memref_slice %arg10[%dma_start3A_74, %dma_start3A_75] : memref<125x128xf32, #tpu.memory_space<vmem>> -> memref<80x128xf32, #tpu.memory_space<vmem>>
      %dma_start3A_77 = arith.constant 0 : i32
      %dma_start3A_78 = tpu.memref_slice %arg7[%add3A_18, %dma_start3A_77] : memref<10240x128xf32, #tpu.memory_space<vmem_shared>> -> memref<80x128xf32, #tpu.memory_space<vmem_shared>>
      %dma_start3A_79 = arith.constant 0 : i32
      %dma_start3A_80 = tpu.memref_slice %arg7[%add3A_18, %dma_start3A_79] : memref<10240x128xf32, #tpu.memory_space<vmem_shared>> -> memref<80x128xf32, #tpu.memory_space<vmem_shared>>
      %dma_start3A_81 = arith.constant 0 : i32
      %dma_start3A_82 = arith.constant 0 : i32
      %dma_start3A_83 = tpu.memref_slice %arg10[%dma_start3A_81, %dma_start3A_82] : memref<125x128xf32, #tpu.memory_space<vmem>> -> memref<80x128xf32, #tpu.memory_space<vmem>>
      tpu.enqueue_dma source(%dma_start3A_83 : memref<80x128xf32, #tpu.memory_space<vmem>>) target(%dma_start3A_80 : memref<80x128xf32, #tpu.memory_space<vmem_shared>>) target_semaphore(%run_scoped3A : memref<!tpu.dma_semaphore, #tpu.memory_space<semaphore_mem>>)
      %dma_wait3A = arith.constant 0 : i32
      %dma_wait3A_84 = arith.constant 0 : i32
      %dma_wait3A_85 = tpu.memref_slice %arg10[%dma_wait3A, %dma_wait3A_84] : memref<125x128xf32, #tpu.memory_space<vmem>> -> memref<80x128xf32, #tpu.memory_space<vmem>>
      %dma_wait3A_86 = arith.constant 0 : i32
      %dma_wait3A_87 = tpu.memref_slice %arg7[%add3A_18, %dma_wait3A_86] : memref<10240x128xf32, #tpu.memory_space<vmem_shared>> -> memref<80x128xf32, #tpu.memory_space<vmem_shared>>
      %dma_wait3A_88 = arith.constant 0 : i32
      %dma_wait3A_89 = tpu.memref_slice %arg7[%add3A_18, %dma_wait3A_88] : memref<10240x128xf32, #tpu.memory_space<vmem_shared>> -> memref<80x128xf32, #tpu.memory_space<vmem_shared>>
      %dma_wait3A_90 = arith.constant 0 : i32
      %dma_wait3A_91 = arith.constant 0 : i32
      %dma_wait3A_92 = tpu.memref_slice %arg10[%dma_wait3A_90, %dma_wait3A_91] : memref<125x128xf32, #tpu.memory_space<vmem>> -> memref<80x128xf32, #tpu.memory_space<vmem>>
      tpu.wait_dma2 semaphore(%run_scoped3A : memref<!tpu.dma_semaphore, #tpu.memory_space<semaphore_mem>>) src(%dma_wait3A_92 : memref<80x128xf32, #tpu.memory_space<vmem>>) dst(%dma_wait3A_89 : memref<80x128xf32, #tpu.memory_space<vmem_shared>>)
      tpu.yield
    }) : () -> ()
    %barrier3A = arith.constant 0 : index
    tpu.barrier barrier_id(%barrier3A)
    "tpu.region"() ({
      %run_scoped3A = tpu.sem_alloc : memref<!tpu.dma_semaphore, #tpu.memory_space<semaphore_mem>>
      %dma_start3A_74 = arith.constant 0 : i32
      %dma_start3A_75 = arith.constant 0 : i32
      %dma_start3A_76 = tpu.memref_slice %arg3[%add3A, %dma_start3A_74, %dma_start3A_75] : memref<32x80x125xi32, #tpu.memory_space<hbm>> -> memref<1x40x125xi32, #tpu.memory_space<hbm>>
      %dma_start3A_77 = tpu.memref_squeeze %dma_start3A_76 : memref<1x40x125xi32, #tpu.memory_space<hbm>> -> memref<40x125xi32, #tpu.memory_space<hbm>>
      %dma_start3A_78 = arith.constant 0 : i32
      %dma_start3A_79 = arith.constant 0 : i32
      %dma_start3A_80 = tpu.memref_slice %arg3[%add3A, %dma_start3A_78, %dma_start3A_79] : memref<32x80x125xi32, #tpu.memory_space<hbm>> -> memref<1x40x125xi32, #tpu.memory_space<hbm>>
      %dma_start3A_81 = tpu.memref_squeeze %dma_start3A_80 : memref<1x40x125xi32, #tpu.memory_space<hbm>> -> memref<40x125xi32, #tpu.memory_space<hbm>>
      tpu.enqueue_dma source(%dma_start3A_81 : memref<40x125xi32, #tpu.memory_space<hbm>>) target(%arg8 : memref<40x125xi32, #tpu.memory_space<vmem>>) target_semaphore(%run_scoped3A : memref<!tpu.dma_semaphore, #tpu.memory_space<semaphore_mem>>)
      %dma_wait3A = arith.constant 0 : i32
      %dma_wait3A_82 = arith.constant 0 : i32
      %dma_wait3A_83 = tpu.memref_slice %arg3[%add3A, %dma_wait3A, %dma_wait3A_82] : memref<32x80x125xi32, #tpu.memory_space<hbm>> -> memref<1x40x125xi32, #tpu.memory_space<hbm>>
      %dma_wait3A_84 = tpu.memref_squeeze %dma_wait3A_83 : memref<1x40x125xi32, #tpu.memory_space<hbm>> -> memref<40x125xi32, #tpu.memory_space<hbm>>
      %dma_wait3A_85 = arith.constant 0 : i32
      %dma_wait3A_86 = arith.constant 0 : i32
      %dma_wait3A_87 = tpu.memref_slice %arg3[%add3A, %dma_wait3A_85, %dma_wait3A_86] : memref<32x80x125xi32, #tpu.memory_space<hbm>> -> memref<1x40x125xi32, #tpu.memory_space<hbm>>
      %dma_wait3A_88 = tpu.memref_squeeze %dma_wait3A_87 : memref<1x40x125xi32, #tpu.memory_space<hbm>> -> memref<40x125xi32, #tpu.memory_space<hbm>>
      tpu.wait_dma2 semaphore(%run_scoped3A : memref<!tpu.dma_semaphore, #tpu.memory_space<semaphore_mem>>) src(%dma_wait3A_88 : memref<40x125xi32, #tpu.memory_space<hbm>>) dst(%arg8 : memref<40x125xi32, #tpu.memory_space<vmem>>)
      tpu.yield
    }) : () -> ()
    "tpu.region"() ({
      %run_scoped3A = tpu.sem_alloc : memref<!tpu.dma_semaphore, #tpu.memory_space<semaphore_mem>>
      %dma_start3A_74 = arith.constant 0 : i32
      %dma_start3A_75 = arith.constant 0 : i32
      %dma_start3A_76 = tpu.memref_slice %arg4[%add3A, %dma_start3A_74, %dma_start3A_75] : memref<32x80x125xi32, #tpu.memory_space<hbm>> -> memref<1x40x125xi32, #tpu.memory_space<hbm>>
      %dma_start3A_77 = tpu.memref_squeeze %dma_start3A_76 : memref<1x40x125xi32, #tpu.memory_space<hbm>> -> memref<40x125xi32, #tpu.memory_space<hbm>>
      %dma_start3A_78 = arith.constant 0 : i32
      %dma_start3A_79 = arith.constant 0 : i32
      %dma_start3A_80 = tpu.memref_slice %arg4[%add3A, %dma_start3A_78, %dma_start3A_79] : memref<32x80x125xi32, #tpu.memory_space<hbm>> -> memref<1x40x125xi32, #tpu.memory_space<hbm>>
      %dma_start3A_81 = tpu.memref_squeeze %dma_start3A_80 : memref<1x40x125xi32, #tpu.memory_space<hbm>> -> memref<40x125xi32, #tpu.memory_space<hbm>>
      tpu.enqueue_dma source(%dma_start3A_81 : memref<40x125xi32, #tpu.memory_space<hbm>>) target(%arg9 : memref<40x125xi32, #tpu.memory_space<vmem>>) target_semaphore(%run_scoped3A : memref<!tpu.dma_semaphore, #tpu.memory_space<semaphore_mem>>)
      %dma_wait3A = arith.constant 0 : i32
      %dma_wait3A_82 = arith.constant 0 : i32
      %dma_wait3A_83 = tpu.memref_slice %arg4[%add3A, %dma_wait3A, %dma_wait3A_82] : memref<32x80x125xi32, #tpu.memory_space<hbm>> -> memref<1x40x125xi32, #tpu.memory_space<hbm>>
      %dma_wait3A_84 = tpu.memref_squeeze %dma_wait3A_83 : memref<1x40x125xi32, #tpu.memory_space<hbm>> -> memref<40x125xi32, #tpu.memory_space<hbm>>
      %dma_wait3A_85 = arith.constant 0 : i32
      %dma_wait3A_86 = arith.constant 0 : i32
      %dma_wait3A_87 = tpu.memref_slice %arg4[%add3A, %dma_wait3A_85, %dma_wait3A_86] : memref<32x80x125xi32, #tpu.memory_space<hbm>> -> memref<1x40x125xi32, #tpu.memory_space<hbm>>
      %dma_wait3A_88 = tpu.memref_squeeze %dma_wait3A_87 : memref<1x40x125xi32, #tpu.memory_space<hbm>> -> memref<40x125xi32, #tpu.memory_space<hbm>>
      tpu.wait_dma2 semaphore(%run_scoped3A : memref<!tpu.dma_semaphore, #tpu.memory_space<semaphore_mem>>) src(%dma_wait3A_88 : memref<40x125xi32, #tpu.memory_space<hbm>>) dst(%arg9 : memref<40x125xi32, #tpu.memory_space<vmem>>)
      tpu.yield
    }) : () -> ()
    %dma_start3A = arith.constant 0 : i32
    %dma_start3A_19 = arith.constant 0 : i32
    %dma_start3A_20 = tpu.memref_slice %arg8[%dma_start3A, %dma_start3A_19] : memref<40x125xi32, #tpu.memory_space<vmem>> -> memref<1x125xi32, #tpu.memory_space<vmem>>
    %dma_start3A_21 = tpu.memref_squeeze %dma_start3A_20 : memref<1x125xi32, #tpu.memory_space<vmem>> -> memref<125xi32, #tpu.memory_space<vmem>>
    %dma_start3A_22 = arith.constant 0 : i32
    %dma_start3A_23 = arith.constant 0 : i32
    %dma_start3A_24 = tpu.memref_slice %arg2[%dma_start3A_22, %dma_start3A_23] : memref<10000x128xf32, #tpu.memory_space<hbm>> -> memref<10000x128xf32, #tpu.memory_space<hbm>>
    tpu.enqueue_indirect_dma source(%dma_start3A_24 : memref<10000x128xf32, #tpu.memory_space<hbm>>) target(%arg10 : memref<125x128xf32, #tpu.memory_space<vmem>>) offsets(%dma_start3A_21 : memref<125xi32, #tpu.memory_space<vmem>>) semaphore(%arg12 : memref<!tpu.dma_semaphore, #tpu.memory_space<semaphore_mem>>)
    %scan3A = arith.constant 0 : i32
    %scan3A_25 = arith.constant 20 : i32
    %scan3A_26 = arith.addi %scan3A, %scan3A_25 : i32
    %scan3A_27 = arith.constant 1 : i32
    scf.for %scan3A_74 = %scan3A to %scan3A_26 step %scan3A_27  : i32 {
      %mul3A_75 = arith.constant 1 : i32
      %mul3A_76 = arith.muli %scan3A_74, %mul3A_75 : i32
      %add3A_77 = arith.constant 0 : i32
      %add3A_78 = arith.addi %add3A_77, %mul3A_76 : i32
      %mul3A_79 = arith.constant 2 : i32
      %mul3A_80 = arith.muli %mul3A_79, %add3A_78 : i32
      %add3A_81 = arith.constant 1 : i32
      %add3A_82 = arith.addi %mul3A_80, %add3A_81 : i32
      %dma_start3A_83 = arith.constant 0 : i32
      %dma_start3A_84 = tpu.memref_slice %arg8[%add3A_82, %dma_start3A_83] : memref<40x125xi32, #tpu.memory_space<vmem>> -> memref<1x125xi32, #tpu.memory_space<vmem>>
      %dma_start3A_85 = tpu.memref_squeeze %dma_start3A_84 : memref<1x125xi32, #tpu.memory_space<vmem>> -> memref<125xi32, #tpu.memory_space<vmem>>
      %dma_start3A_86 = arith.constant 0 : i32
      %dma_start3A_87 = arith.constant 0 : i32
      %dma_start3A_88 = tpu.memref_slice %arg2[%dma_start3A_86, %dma_start3A_87] : memref<10000x128xf32, #tpu.memory_space<hbm>> -> memref<10000x128xf32, #tpu.memory_space<hbm>>
      tpu.enqueue_indirect_dma source(%dma_start3A_88 : memref<10000x128xf32, #tpu.memory_space<hbm>>) target(%arg11 : memref<125x128xf32, #tpu.memory_space<vmem>>) offsets(%dma_start3A_85 : memref<125xi32, #tpu.memory_space<vmem>>) semaphore(%arg13 : memref<!tpu.dma_semaphore, #tpu.memory_space<semaphore_mem>>)
      %dma_wait3A = arith.constant 0 : i32
      %dma_wait3A_89 = tpu.memref_slice %arg8[%mul3A_80, %dma_wait3A] : memref<40x125xi32, #tpu.memory_space<vmem>> -> memref<1x125xi32, #tpu.memory_space<vmem>>
      %dma_wait3A_90 = tpu.memref_squeeze %dma_wait3A_89 : memref<1x125xi32, #tpu.memory_space<vmem>> -> memref<125xi32, #tpu.memory_space<vmem>>
      %dma_wait3A_91 = arith.constant 0 : i32
      %dma_wait3A_92 = arith.constant 0 : i32
      %dma_wait3A_93 = tpu.memref_slice %arg2[%dma_wait3A_91, %dma_wait3A_92] : memref<10000x128xf32, #tpu.memory_space<hbm>> -> memref<10000x128xf32, #tpu.memory_space<hbm>>
      tpu.wait_indirect_dma semaphore(%arg12 : memref<!tpu.dma_semaphore, #tpu.memory_space<semaphore_mem>>) src(%dma_wait3A_93 : memref<10000x128xf32, #tpu.memory_space<hbm>>) dst(%arg10 : memref<125x128xf32, #tpu.memory_space<vmem>>)
      "tpu.region"() ({
        %run_scoped3A = tpu.sem_alloc : memref<!tpu.dma_semaphore, #tpu.memory_space<semaphore_mem>>
        %dma_start3A_106 = arith.constant 0 : i32
        %dma_start3A_107 = tpu.memref_slice %arg9[%mul3A_80, %dma_start3A_106] : memref<40x125xi32, #tpu.memory_space<vmem>> -> memref<1x125xi32, #tpu.memory_space<vmem>>
        %dma_start3A_108 = tpu.memref_squeeze %dma_start3A_107 : memref<1x125xi32, #tpu.memory_space<vmem>> -> memref<125xi32, #tpu.memory_space<vmem>>
        %dma_start3A_109 = arith.constant 0 : i32
        %dma_start3A_110 = arith.constant 0 : i32
        %dma_start3A_111 = tpu.memref_slice %arg7[%dma_start3A_109, %dma_start3A_110] : memref<10240x128xf32, #tpu.memory_space<vmem_shared>> -> memref<10240x128xf32, #tpu.memory_space<vmem_shared>>
        tpu.enqueue_indirect_dma source(%arg10 : memref<125x128xf32, #tpu.memory_space<vmem>>) target(%dma_start3A_111 : memref<10240x128xf32, #tpu.memory_space<vmem_shared>>) offsets(%dma_start3A_108 : memref<125xi32, #tpu.memory_space<vmem>>) semaphore(%run_scoped3A : memref<!tpu.dma_semaphore, #tpu.memory_space<semaphore_mem>>) {add = true}
        %dma_wait3A_112 = arith.constant 0 : i32
        %dma_wait3A_113 = tpu.memref_slice %arg9[%mul3A_80, %dma_wait3A_112] : memref<40x125xi32, #tpu.memory_space<vmem>> -> memref<1x125xi32, #tpu.memory_space<vmem>>
        %dma_wait3A_114 = tpu.memref_squeeze %dma_wait3A_113 : memref<1x125xi32, #tpu.memory_space<vmem>> -> memref<125xi32, #tpu.memory_space<vmem>>
        %dma_wait3A_115 = arith.constant 0 : i32
        %dma_wait3A_116 = arith.constant 0 : i32
        %dma_wait3A_117 = tpu.memref_slice %arg7[%dma_wait3A_115, %dma_wait3A_116] : memref<10240x128xf32, #tpu.memory_space<vmem_shared>> -> memref<10240x128xf32, #tpu.memory_space<vmem_shared>>
        tpu.wait_indirect_dma semaphore(%run_scoped3A : memref<!tpu.dma_semaphore, #tpu.memory_space<semaphore_mem>>) src(%arg10 : memref<125x128xf32, #tpu.memory_space<vmem>>) dst(%dma_wait3A_117 : memref<10240x128xf32, #tpu.memory_space<vmem_shared>>)
        tpu.yield
      }) : () -> ()
      %add3A_94 = arith.constant 1 : i32
      %add3A_95 = arith.addi %add3A_78, %add3A_94 : i32
      %lt3A = arith.constant 20 : i32
      %lt3A_96 = arith.cmpi slt, %add3A_95, %lt3A : i32
      %convert_element_type3A = arith.extui %lt3A_96 : i1 to i32
      %cond3A = arith.constant 0 : i32
      %cond3A_97 = arith.cmpi ne, %convert_element_type3A, %cond3A : i32
      scf.if %cond3A_97 {
        %add3A_106 = arith.constant 2 : i32
        %add3A_107 = arith.addi %mul3A_80, %add3A_106 : i32
        %dma_start3A_108 = arith.constant 0 : i32
        %dma_start3A_109 = tpu.memref_slice %arg8[%add3A_107, %dma_start3A_108] : memref<40x125xi32, #tpu.memory_space<vmem>> -> memref<1x125xi32, #tpu.memory_space<vmem>>
        %dma_start3A_110 = tpu.memref_squeeze %dma_start3A_109 : memref<1x125xi32, #tpu.memory_space<vmem>> -> memref<125xi32, #tpu.memory_space<vmem>>
        %dma_start3A_111 = arith.constant 0 : i32
        %dma_start3A_112 = arith.constant 0 : i32
        %dma_start3A_113 = tpu.memref_slice %arg2[%dma_start3A_111, %dma_start3A_112] : memref<10000x128xf32, #tpu.memory_space<hbm>> -> memref<10000x128xf32, #tpu.memory_space<hbm>>
        tpu.enqueue_indirect_dma source(%dma_start3A_113 : memref<10000x128xf32, #tpu.memory_space<hbm>>) target(%arg10 : memref<125x128xf32, #tpu.memory_space<vmem>>) offsets(%dma_start3A_110 : memref<125xi32, #tpu.memory_space<vmem>>) semaphore(%arg12 : memref<!tpu.dma_semaphore, #tpu.memory_space<semaphore_mem>>)
      } else {
      }
      %dma_wait3A_98 = arith.constant 0 : i32
      %dma_wait3A_99 = tpu.memref_slice %arg8[%add3A_82, %dma_wait3A_98] : memref<40x125xi32, #tpu.memory_space<vmem>> -> memref<1x125xi32, #tpu.memory_space<vmem>>
      %dma_wait3A_100 = tpu.memref_squeeze %dma_wait3A_99 : memref<1x125xi32, #tpu.memory_space<vmem>> -> memref<125xi32, #tpu.memory_space<vmem>>
      %dma_wait3A_101 = arith.constant 0 : i32
      %dma_wait3A_102 = arith.constant 0 : i32
      %dma_wait3A_103 = tpu.memref_slice %arg2[%dma_wait3A_101, %dma_wait3A_102] : memref<10000x128xf32, #tpu.memory_space<hbm>> -> memref<10000x128xf32, #tpu.memory_space<hbm>>
      tpu.wait_indirect_dma semaphore(%arg13 : memref<!tpu.dma_semaphore, #tpu.memory_space<semaphore_mem>>) src(%dma_wait3A_103 : memref<10000x128xf32, #tpu.memory_space<hbm>>) dst(%arg11 : memref<125x128xf32, #tpu.memory_space<vmem>>)
      %add3A_104 = arith.constant 1 : i32
      %add3A_105 = arith.addi %mul3A_80, %add3A_104 : i32
      "tpu.region"() ({
        %run_scoped3A = tpu.sem_alloc : memref<!tpu.dma_semaphore, #tpu.memory_space<semaphore_mem>>
        %dma_start3A_106 = arith.constant 0 : i32
        %dma_start3A_107 = tpu.memref_slice %arg9[%add3A_105, %dma_start3A_106] : memref<40x125xi32, #tpu.memory_space<vmem>> -> memref<1x125xi32, #tpu.memory_space<vmem>>
        %dma_start3A_108 = tpu.memref_squeeze %dma_start3A_107 : memref<1x125xi32, #tpu.memory_space<vmem>> -> memref<125xi32, #tpu.memory_space<vmem>>
        %dma_start3A_109 = arith.constant 0 : i32
        %dma_start3A_110 = arith.constant 0 : i32
        %dma_start3A_111 = tpu.memref_slice %arg7[%dma_start3A_109, %dma_start3A_110] : memref<10240x128xf32, #tpu.memory_space<vmem_shared>> -> memref<10240x128xf32, #tpu.memory_space<vmem_shared>>
        tpu.enqueue_indirect_dma source(%arg11 : memref<125x128xf32, #tpu.memory_space<vmem>>) target(%dma_start3A_111 : memref<10240x128xf32, #tpu.memory_space<vmem_shared>>) offsets(%dma_start3A_108 : memref<125xi32, #tpu.memory_space<vmem>>) semaphore(%run_scoped3A : memref<!tpu.dma_semaphore, #tpu.memory_space<semaphore_mem>>) {add = true}
        %dma_wait3A_112 = arith.constant 0 : i32
        %dma_wait3A_113 = tpu.memref_slice %arg9[%add3A_105, %dma_wait3A_112] : memref<40x125xi32, #tpu.memory_space<vmem>> -> memref<1x125xi32, #tpu.memory_space<vmem>>
        %dma_wait3A_114 = tpu.memref_squeeze %dma_wait3A_113 : memref<1x125xi32, #tpu.memory_space<vmem>> -> memref<125xi32, #tpu.memory_space<vmem>>
        %dma_wait3A_115 = arith.constant 0 : i32
        %dma_wait3A_116 = arith.constant 0 : i32
        %dma_wait3A_117 = tpu.memref_slice %arg7[%dma_wait3A_115, %dma_wait3A_116] : memref<10240x128xf32, #tpu.memory_space<vmem_shared>> -> memref<10240x128xf32, #tpu.memory_space<vmem_shared>>
        tpu.wait_indirect_dma semaphore(%run_scoped3A : memref<!tpu.dma_semaphore, #tpu.memory_space<semaphore_mem>>) src(%arg11 : memref<125x128xf32, #tpu.memory_space<vmem>>) dst(%dma_wait3A_117 : memref<10240x128xf32, #tpu.memory_space<vmem_shared>>)
        tpu.yield
      }) : () -> ()
    }
    %scan3A_28 = arith.constant 20 : i32
    "tpu.region"() ({
      %run_scoped3A = tpu.sem_alloc : memref<!tpu.dma_semaphore, #tpu.memory_space<semaphore_mem>>
      %dma_start3A_74 = arith.constant 40 : i32
      %dma_start3A_75 = arith.constant 0 : i32
      %dma_start3A_76 = tpu.memref_slice %arg3[%add3A, %dma_start3A_74, %dma_start3A_75] : memref<32x80x125xi32, #tpu.memory_space<hbm>> -> memref<1x40x125xi32, #tpu.memory_space<hbm>>
      %dma_start3A_77 = tpu.memref_squeeze %dma_start3A_76 : memref<1x40x125xi32, #tpu.memory_space<hbm>> -> memref<40x125xi32, #tpu.memory_space<hbm>>
      %dma_start3A_78 = arith.constant 40 : i32
      %dma_start3A_79 = arith.constant 0 : i32
      %dma_start3A_80 = tpu.memref_slice %arg3[%add3A, %dma_start3A_78, %dma_start3A_79] : memref<32x80x125xi32, #tpu.memory_space<hbm>> -> memref<1x40x125xi32, #tpu.memory_space<hbm>>
      %dma_start3A_81 = tpu.memref_squeeze %dma_start3A_80 : memref<1x40x125xi32, #tpu.memory_space<hbm>> -> memref<40x125xi32, #tpu.memory_space<hbm>>
      tpu.enqueue_dma source(%dma_start3A_81 : memref<40x125xi32, #tpu.memory_space<hbm>>) target(%arg8 : memref<40x125xi32, #tpu.memory_space<vmem>>) target_semaphore(%run_scoped3A : memref<!tpu.dma_semaphore, #tpu.memory_space<semaphore_mem>>)
      %dma_wait3A = arith.constant 40 : i32
      %dma_wait3A_82 = arith.constant 0 : i32
      %dma_wait3A_83 = tpu.memref_slice %arg3[%add3A, %dma_wait3A, %dma_wait3A_82] : memref<32x80x125xi32, #tpu.memory_space<hbm>> -> memref<1x40x125xi32, #tpu.memory_space<hbm>>
      %dma_wait3A_84 = tpu.memref_squeeze %dma_wait3A_83 : memref<1x40x125xi32, #tpu.memory_space<hbm>> -> memref<40x125xi32, #tpu.memory_space<hbm>>
      %dma_wait3A_85 = arith.constant 40 : i32
      %dma_wait3A_86 = arith.constant 0 : i32
      %dma_wait3A_87 = tpu.memref_slice %arg3[%add3A, %dma_wait3A_85, %dma_wait3A_86] : memref<32x80x125xi32, #tpu.memory_space<hbm>> -> memref<1x40x125xi32, #tpu.memory_space<hbm>>
      %dma_wait3A_88 = tpu.memref_squeeze %dma_wait3A_87 : memref<1x40x125xi32, #tpu.memory_space<hbm>> -> memref<40x125xi32, #tpu.memory_space<hbm>>
      tpu.wait_dma2 semaphore(%run_scoped3A : memref<!tpu.dma_semaphore, #tpu.memory_space<semaphore_mem>>) src(%dma_wait3A_88 : memref<40x125xi32, #tpu.memory_space<hbm>>) dst(%arg8 : memref<40x125xi32, #tpu.memory_space<vmem>>)
      tpu.yield
    }) : () -> ()
    "tpu.region"() ({
      %run_scoped3A = tpu.sem_alloc : memref<!tpu.dma_semaphore, #tpu.memory_space<semaphore_mem>>
      %dma_start3A_74 = arith.constant 40 : i32
      %dma_start3A_75 = arith.constant 0 : i32
      %dma_start3A_76 = tpu.memref_slice %arg4[%add3A, %dma_start3A_74, %dma_start3A_75] : memref<32x80x125xi32, #tpu.memory_space<hbm>> -> memref<1x40x125xi32, #tpu.memory_space<hbm>>
      %dma_start3A_77 = tpu.memref_squeeze %dma_start3A_76 : memref<1x40x125xi32, #tpu.memory_space<hbm>> -> memref<40x125xi32, #tpu.memory_space<hbm>>
      %dma_start3A_78 = arith.constant 40 : i32
      %dma_start3A_79 = arith.constant 0 : i32
      %dma_start3A_80 = tpu.memref_slice %arg4[%add3A, %dma_start3A_78, %dma_start3A_79] : memref<32x80x125xi32, #tpu.memory_space<hbm>> -> memref<1x40x125xi32, #tpu.memory_space<hbm>>
      %dma_start3A_81 = tpu.memref_squeeze %dma_start3A_80 : memref<1x40x125xi32, #tpu.memory_space<hbm>> -> memref<40x125xi32, #tpu.memory_space<hbm>>
      tpu.enqueue_dma source(%dma_start3A_81 : memref<40x125xi32, #tpu.memory_space<hbm>>) target(%arg9 : memref<40x125xi32, #tpu.memory_space<vmem>>) target_semaphore(%run_scoped3A : memref<!tpu.dma_semaphore, #tpu.memory_space<semaphore_mem>>)
      %dma_wait3A = arith.constant 40 : i32
      %dma_wait3A_82 = arith.constant 0 : i32
      %dma_wait3A_83 = tpu.memref_slice %arg4[%add3A, %dma_wait3A, %dma_wait3A_82] : memref<32x80x125xi32, #tpu.memory_space<hbm>> -> memref<1x40x125xi32, #tpu.memory_space<hbm>>
      %dma_wait3A_84 = tpu.memref_squeeze %dma_wait3A_83 : memref<1x40x125xi32, #tpu.memory_space<hbm>> -> memref<40x125xi32, #tpu.memory_space<hbm>>
      %dma_wait3A_85 = arith.constant 40 : i32
      %dma_wait3A_86 = arith.constant 0 : i32
      %dma_wait3A_87 = tpu.memref_slice %arg4[%add3A, %dma_wait3A_85, %dma_wait3A_86] : memref<32x80x125xi32, #tpu.memory_space<hbm>> -> memref<1x40x125xi32, #tpu.memory_space<hbm>>
      %dma_wait3A_88 = tpu.memref_squeeze %dma_wait3A_87 : memref<1x40x125xi32, #tpu.memory_space<hbm>> -> memref<40x125xi32, #tpu.memory_space<hbm>>
      tpu.wait_dma2 semaphore(%run_scoped3A : memref<!tpu.dma_semaphore, #tpu.memory_space<semaphore_mem>>) src(%dma_wait3A_88 : memref<40x125xi32, #tpu.memory_space<hbm>>) dst(%arg9 : memref<40x125xi32, #tpu.memory_space<vmem>>)
      tpu.yield
    }) : () -> ()
    %dma_start3A_29 = arith.constant 0 : i32
    %dma_start3A_30 = arith.constant 0 : i32
    %dma_start3A_31 = tpu.memref_slice %arg8[%dma_start3A_29, %dma_start3A_30] : memref<40x125xi32, #tpu.memory_space<vmem>> -> memref<1x125xi32, #tpu.memory_space<vmem>>
    %dma_start3A_32 = tpu.memref_squeeze %dma_start3A_31 : memref<1x125xi32, #tpu.memory_space<vmem>> -> memref<125xi32, #tpu.memory_space<vmem>>
    %dma_start3A_33 = arith.constant 0 : i32
    %dma_start3A_34 = arith.constant 0 : i32
    %dma_start3A_35 = tpu.memref_slice %arg2[%dma_start3A_33, %dma_start3A_34] : memref<10000x128xf32, #tpu.memory_space<hbm>> -> memref<10000x128xf32, #tpu.memory_space<hbm>>
    tpu.enqueue_indirect_dma source(%dma_start3A_35 : memref<10000x128xf32, #tpu.memory_space<hbm>>) target(%arg10 : memref<125x128xf32, #tpu.memory_space<vmem>>) offsets(%dma_start3A_32 : memref<125xi32, #tpu.memory_space<vmem>>) semaphore(%arg12 : memref<!tpu.dma_semaphore, #tpu.memory_space<semaphore_mem>>)
    %scan3A_36 = arith.constant 0 : i32
    %scan3A_37 = arith.constant 20 : i32
    %scan3A_38 = arith.addi %scan3A_36, %scan3A_37 : i32
    %scan3A_39 = arith.constant 1 : i32
    scf.for %scan3A_74 = %scan3A_36 to %scan3A_38 step %scan3A_39  : i32 {
      %mul3A_75 = arith.constant 1 : i32
      %mul3A_76 = arith.muli %scan3A_74, %mul3A_75 : i32
      %add3A_77 = arith.constant 0 : i32
      %add3A_78 = arith.addi %add3A_77, %mul3A_76 : i32
      %mul3A_79 = arith.constant 2 : i32
      %mul3A_80 = arith.muli %mul3A_79, %add3A_78 : i32
      %add3A_81 = arith.constant 1 : i32
      %add3A_82 = arith.addi %mul3A_80, %add3A_81 : i32
      %dma_start3A_83 = arith.constant 0 : i32
      %dma_start3A_84 = tpu.memref_slice %arg8[%add3A_82, %dma_start3A_83] : memref<40x125xi32, #tpu.memory_space<vmem>> -> memref<1x125xi32, #tpu.memory_space<vmem>>
      %dma_start3A_85 = tpu.memref_squeeze %dma_start3A_84 : memref<1x125xi32, #tpu.memory_space<vmem>> -> memref<125xi32, #tpu.memory_space<vmem>>
      %dma_start3A_86 = arith.constant 0 : i32
      %dma_start3A_87 = arith.constant 0 : i32
      %dma_start3A_88 = tpu.memref_slice %arg2[%dma_start3A_86, %dma_start3A_87] : memref<10000x128xf32, #tpu.memory_space<hbm>> -> memref<10000x128xf32, #tpu.memory_space<hbm>>
      tpu.enqueue_indirect_dma source(%dma_start3A_88 : memref<10000x128xf32, #tpu.memory_space<hbm>>) target(%arg11 : memref<125x128xf32, #tpu.memory_space<vmem>>) offsets(%dma_start3A_85 : memref<125xi32, #tpu.memory_space<vmem>>) semaphore(%arg13 : memref<!tpu.dma_semaphore, #tpu.memory_space<semaphore_mem>>)
      %dma_wait3A = arith.constant 0 : i32
      %dma_wait3A_89 = tpu.memref_slice %arg8[%mul3A_80, %dma_wait3A] : memref<40x125xi32, #tpu.memory_space<vmem>> -> memref<1x125xi32, #tpu.memory_space<vmem>>
      %dma_wait3A_90 = tpu.memref_squeeze %dma_wait3A_89 : memref<1x125xi32, #tpu.memory_space<vmem>> -> memref<125xi32, #tpu.memory_space<vmem>>
      %dma_wait3A_91 = arith.constant 0 : i32
      %dma_wait3A_92 = arith.constant 0 : i32
      %dma_wait3A_93 = tpu.memref_slice %arg2[%dma_wait3A_91, %dma_wait3A_92] : memref<10000x128xf32, #tpu.memory_space<hbm>> -> memref<10000x128xf32, #tpu.memory_space<hbm>>
      tpu.wait_indirect_dma semaphore(%arg12 : memref<!tpu.dma_semaphore, #tpu.memory_space<semaphore_mem>>) src(%dma_wait3A_93 : memref<10000x128xf32, #tpu.memory_space<hbm>>) dst(%arg10 : memref<125x128xf32, #tpu.memory_space<vmem>>)
      "tpu.region"() ({
        %run_scoped3A = tpu.sem_alloc : memref<!tpu.dma_semaphore, #tpu.memory_space<semaphore_mem>>
        %dma_start3A_106 = arith.constant 0 : i32
        %dma_start3A_107 = tpu.memref_slice %arg9[%mul3A_80, %dma_start3A_106] : memref<40x125xi32, #tpu.memory_space<vmem>> -> memref<1x125xi32, #tpu.memory_space<vmem>>
        %dma_start3A_108 = tpu.memref_squeeze %dma_start3A_107 : memref<1x125xi32, #tpu.memory_space<vmem>> -> memref<125xi32, #tpu.memory_space<vmem>>
        %dma_start3A_109 = arith.constant 0 : i32
        %dma_start3A_110 = arith.constant 0 : i32
        %dma_start3A_111 = tpu.memref_slice %arg7[%dma_start3A_109, %dma_start3A_110] : memref<10240x128xf32, #tpu.memory_space<vmem_shared>> -> memref<10240x128xf32, #tpu.memory_space<vmem_shared>>
        tpu.enqueue_indirect_dma source(%arg10 : memref<125x128xf32, #tpu.memory_space<vmem>>) target(%dma_start3A_111 : memref<10240x128xf32, #tpu.memory_space<vmem_shared>>) offsets(%dma_start3A_108 : memref<125xi32, #tpu.memory_space<vmem>>) semaphore(%run_scoped3A : memref<!tpu.dma_semaphore, #tpu.memory_space<semaphore_mem>>) {add = true}
        %dma_wait3A_112 = arith.constant 0 : i32
        %dma_wait3A_113 = tpu.memref_slice %arg9[%mul3A_80, %dma_wait3A_112] : memref<40x125xi32, #tpu.memory_space<vmem>> -> memref<1x125xi32, #tpu.memory_space<vmem>>
        %dma_wait3A_114 = tpu.memref_squeeze %dma_wait3A_113 : memref<1x125xi32, #tpu.memory_space<vmem>> -> memref<125xi32, #tpu.memory_space<vmem>>
        %dma_wait3A_115 = arith.constant 0 : i32
        %dma_wait3A_116 = arith.constant 0 : i32
        %dma_wait3A_117 = tpu.memref_slice %arg7[%dma_wait3A_115, %dma_wait3A_116] : memref<10240x128xf32, #tpu.memory_space<vmem_shared>> -> memref<10240x128xf32, #tpu.memory_space<vmem_shared>>
        tpu.wait_indirect_dma semaphore(%run_scoped3A : memref<!tpu.dma_semaphore, #tpu.memory_space<semaphore_mem>>) src(%arg10 : memref<125x128xf32, #tpu.memory_space<vmem>>) dst(%dma_wait3A_117 : memref<10240x128xf32, #tpu.memory_space<vmem_shared>>)
        tpu.yield
      }) : () -> ()
      %add3A_94 = arith.constant 1 : i32
      %add3A_95 = arith.addi %add3A_78, %add3A_94 : i32
      %lt3A = arith.constant 20 : i32
      %lt3A_96 = arith.cmpi slt, %add3A_95, %lt3A : i32
      %convert_element_type3A = arith.extui %lt3A_96 : i1 to i32
      %cond3A = arith.constant 0 : i32
      %cond3A_97 = arith.cmpi ne, %convert_element_type3A, %cond3A : i32
      scf.if %cond3A_97 {
        %add3A_106 = arith.constant 2 : i32
        %add3A_107 = arith.addi %mul3A_80, %add3A_106 : i32
        %dma_start3A_108 = arith.constant 0 : i32
        %dma_start3A_109 = tpu.memref_slice %arg8[%add3A_107, %dma_start3A_108] : memref<40x125xi32, #tpu.memory_space<vmem>> -> memref<1x125xi32, #tpu.memory_space<vmem>>
        %dma_start3A_110 = tpu.memref_squeeze %dma_start3A_109 : memref<1x125xi32, #tpu.memory_space<vmem>> -> memref<125xi32, #tpu.memory_space<vmem>>
        %dma_start3A_111 = arith.constant 0 : i32
        %dma_start3A_112 = arith.constant 0 : i32
        %dma_start3A_113 = tpu.memref_slice %arg2[%dma_start3A_111, %dma_start3A_112] : memref<10000x128xf32, #tpu.memory_space<hbm>> -> memref<10000x128xf32, #tpu.memory_space<hbm>>
        tpu.enqueue_indirect_dma source(%dma_start3A_113 : memref<10000x128xf32, #tpu.memory_space<hbm>>) target(%arg10 : memref<125x128xf32, #tpu.memory_space<vmem>>) offsets(%dma_start3A_110 : memref<125xi32, #tpu.memory_space<vmem>>) semaphore(%arg12 : memref<!tpu.dma_semaphore, #tpu.memory_space<semaphore_mem>>)
      } else {
      }
      %dma_wait3A_98 = arith.constant 0 : i32
      %dma_wait3A_99 = tpu.memref_slice %arg8[%add3A_82, %dma_wait3A_98] : memref<40x125xi32, #tpu.memory_space<vmem>> -> memref<1x125xi32, #tpu.memory_space<vmem>>
      %dma_wait3A_100 = tpu.memref_squeeze %dma_wait3A_99 : memref<1x125xi32, #tpu.memory_space<vmem>> -> memref<125xi32, #tpu.memory_space<vmem>>
      %dma_wait3A_101 = arith.constant 0 : i32
      %dma_wait3A_102 = arith.constant 0 : i32
      %dma_wait3A_103 = tpu.memref_slice %arg2[%dma_wait3A_101, %dma_wait3A_102] : memref<10000x128xf32, #tpu.memory_space<hbm>> -> memref<10000x128xf32, #tpu.memory_space<hbm>>
      tpu.wait_indirect_dma semaphore(%arg13 : memref<!tpu.dma_semaphore, #tpu.memory_space<semaphore_mem>>) src(%dma_wait3A_103 : memref<10000x128xf32, #tpu.memory_space<hbm>>) dst(%arg11 : memref<125x128xf32, #tpu.memory_space<vmem>>)
      %add3A_104 = arith.constant 1 : i32
      %add3A_105 = arith.addi %mul3A_80, %add3A_104 : i32
      "tpu.region"() ({
        %run_scoped3A = tpu.sem_alloc : memref<!tpu.dma_semaphore, #tpu.memory_space<semaphore_mem>>
        %dma_start3A_106 = arith.constant 0 : i32
        %dma_start3A_107 = tpu.memref_slice %arg9[%add3A_105, %dma_start3A_106] : memref<40x125xi32, #tpu.memory_space<vmem>> -> memref<1x125xi32, #tpu.memory_space<vmem>>
        %dma_start3A_108 = tpu.memref_squeeze %dma_start3A_107 : memref<1x125xi32, #tpu.memory_space<vmem>> -> memref<125xi32, #tpu.memory_space<vmem>>
        %dma_start3A_109 = arith.constant 0 : i32
        %dma_start3A_110 = arith.constant 0 : i32
        %dma_start3A_111 = tpu.memref_slice %arg7[%dma_start3A_109, %dma_start3A_110] : memref<10240x128xf32, #tpu.memory_space<vmem_shared>> -> memref<10240x128xf32, #tpu.memory_space<vmem_shared>>
        tpu.enqueue_indirect_dma source(%arg11 : memref<125x128xf32, #tpu.memory_space<vmem>>) target(%dma_start3A_111 : memref<10240x128xf32, #tpu.memory_space<vmem_shared>>) offsets(%dma_start3A_108 : memref<125xi32, #tpu.memory_space<vmem>>) semaphore(%run_scoped3A : memref<!tpu.dma_semaphore, #tpu.memory_space<semaphore_mem>>) {add = true}
        %dma_wait3A_112 = arith.constant 0 : i32
        %dma_wait3A_113 = tpu.memref_slice %arg9[%add3A_105, %dma_wait3A_112] : memref<40x125xi32, #tpu.memory_space<vmem>> -> memref<1x125xi32, #tpu.memory_space<vmem>>
        %dma_wait3A_114 = tpu.memref_squeeze %dma_wait3A_113 : memref<1x125xi32, #tpu.memory_space<vmem>> -> memref<125xi32, #tpu.memory_space<vmem>>
        %dma_wait3A_115 = arith.constant 0 : i32
        %dma_wait3A_116 = arith.constant 0 : i32
        %dma_wait3A_117 = tpu.memref_slice %arg7[%dma_wait3A_115, %dma_wait3A_116] : memref<10240x128xf32, #tpu.memory_space<vmem_shared>> -> memref<10240x128xf32, #tpu.memory_space<vmem_shared>>
        tpu.wait_indirect_dma semaphore(%run_scoped3A : memref<!tpu.dma_semaphore, #tpu.memory_space<semaphore_mem>>) src(%arg11 : memref<125x128xf32, #tpu.memory_space<vmem>>) dst(%dma_wait3A_117 : memref<10240x128xf32, #tpu.memory_space<vmem_shared>>)
        tpu.yield
      }) : () -> ()
    }
    %scan3A_40 = arith.constant 20 : i32
    %barrier3A_41 = arith.constant 0 : index
    tpu.barrier barrier_id(%barrier3A_41)
    %add3A_42 = arith.constant 0 : i32
    %add3A_43 = arith.addi %mul3A_2, %add3A_42 : i32
    "tpu.region"() ({
      %run_scoped3A = tpu.sem_alloc : memref<!tpu.dma_semaphore, #tpu.memory_space<semaphore_mem>>
      %dma_start3A_74 = arith.constant 0 : i32
      %dma_start3A_75 = arith.constant 0 : i32
      %dma_start3A_76 = tpu.memref_slice %arg10[%dma_start3A_74, %dma_start3A_75] : memref<125x128xf32, #tpu.memory_space<vmem>> -> memref<80x128xf32, #tpu.memory_space<vmem>>
      %dma_start3A_77 = arith.constant 0 : i32
      %dma_start3A_78 = tpu.memref_slice %arg7[%add3A_43, %dma_start3A_77] : memref<10240x128xf32, #tpu.memory_space<vmem_shared>> -> memref<80x128xf32, #tpu.memory_space<vmem_shared>>
      %dma_start3A_79 = arith.constant 0 : i32
      %dma_start3A_80 = arith.constant 0 : i32
      %dma_start3A_81 = tpu.memref_slice %arg10[%dma_start3A_79, %dma_start3A_80] : memref<125x128xf32, #tpu.memory_space<vmem>> -> memref<80x128xf32, #tpu.memory_space<vmem>>
      %dma_start3A_82 = arith.constant 0 : i32
      %dma_start3A_83 = tpu.memref_slice %arg7[%add3A_43, %dma_start3A_82] : memref<10240x128xf32, #tpu.memory_space<vmem_shared>> -> memref<80x128xf32, #tpu.memory_space<vmem_shared>>
      tpu.enqueue_dma source(%dma_start3A_83 : memref<80x128xf32, #tpu.memory_space<vmem_shared>>) target(%dma_start3A_81 : memref<80x128xf32, #tpu.memory_space<vmem>>) target_semaphore(%run_scoped3A : memref<!tpu.dma_semaphore, #tpu.memory_space<semaphore_mem>>)
      %dma_wait3A = arith.constant 0 : i32
      %dma_wait3A_84 = arith.constant 0 : i32
      %dma_wait3A_85 = tpu.memref_slice %arg10[%dma_wait3A, %dma_wait3A_84] : memref<125x128xf32, #tpu.memory_space<vmem>> -> memref<80x128xf32, #tpu.memory_space<vmem>>
      %dma_wait3A_86 = arith.constant 0 : i32
      %dma_wait3A_87 = tpu.memref_slice %arg7[%add3A_43, %dma_wait3A_86] : memref<10240x128xf32, #tpu.memory_space<vmem_shared>> -> memref<80x128xf32, #tpu.memory_space<vmem_shared>>
      %dma_wait3A_88 = arith.constant 0 : i32
      %dma_wait3A_89 = arith.constant 0 : i32
      %dma_wait3A_90 = tpu.memref_slice %arg10[%dma_wait3A_88, %dma_wait3A_89] : memref<125x128xf32, #tpu.memory_space<vmem>> -> memref<80x128xf32, #tpu.memory_space<vmem>>
      %dma_wait3A_91 = arith.constant 0 : i32
      %dma_wait3A_92 = tpu.memref_slice %arg7[%add3A_43, %dma_wait3A_91] : memref<10240x128xf32, #tpu.memory_space<vmem_shared>> -> memref<80x128xf32, #tpu.memory_space<vmem_shared>>
      tpu.wait_dma2 semaphore(%run_scoped3A : memref<!tpu.dma_semaphore, #tpu.memory_space<semaphore_mem>>) src(%dma_wait3A_92 : memref<80x128xf32, #tpu.memory_space<vmem_shared>>) dst(%dma_wait3A_90 : memref<80x128xf32, #tpu.memory_space<vmem>>)
      tpu.yield
    }) : () -> ()
    %add3A_44 = arith.constant 0 : i32
    %add3A_45 = arith.addi %mul3A_2, %add3A_44 : i32
    "tpu.region"() ({
      %run_scoped3A = tpu.sem_alloc : memref<!tpu.dma_semaphore, #tpu.memory_space<semaphore_mem>>
      %dma_start3A_74 = arith.constant 0 : i32
      %dma_start3A_75 = arith.constant 0 : i32
      %dma_start3A_76 = tpu.memref_slice %arg10[%dma_start3A_74, %dma_start3A_75] : memref<125x128xf32, #tpu.memory_space<vmem>> -> memref<80x128xf32, #tpu.memory_space<vmem>>
      %dma_start3A_77 = arith.constant 0 : i32
      %dma_start3A_78 = tpu.memref_slice %arg6[%arg0, %add3A_45, %dma_start3A_77] : memref<2x10240x128xf32, #tpu.memory_space<hbm>> -> memref<1x80x128xf32, #tpu.memory_space<hbm>>
      %dma_start3A_79 = tpu.memref_squeeze %dma_start3A_78 : memref<1x80x128xf32, #tpu.memory_space<hbm>> -> memref<80x128xf32, #tpu.memory_space<hbm>>
      %dma_start3A_80 = arith.constant 0 : i32
      %dma_start3A_81 = tpu.memref_slice %arg6[%arg0, %add3A_45, %dma_start3A_80] : memref<2x10240x128xf32, #tpu.memory_space<hbm>> -> memref<1x80x128xf32, #tpu.memory_space<hbm>>
      %dma_start3A_82 = tpu.memref_squeeze %dma_start3A_81 : memref<1x80x128xf32, #tpu.memory_space<hbm>> -> memref<80x128xf32, #tpu.memory_space<hbm>>
      %dma_start3A_83 = arith.constant 0 : i32
      %dma_start3A_84 = arith.constant 0 : i32
      %dma_start3A_85 = tpu.memref_slice %arg10[%dma_start3A_83, %dma_start3A_84] : memref<125x128xf32, #tpu.memory_space<vmem>> -> memref<80x128xf32, #tpu.memory_space<vmem>>
      tpu.enqueue_dma source(%dma_start3A_85 : memref<80x128xf32, #tpu.memory_space<vmem>>) target(%dma_start3A_82 : memref<80x128xf32, #tpu.memory_space<hbm>>) target_semaphore(%run_scoped3A : memref<!tpu.dma_semaphore, #tpu.memory_space<semaphore_mem>>)
      %dma_wait3A = arith.constant 0 : i32
      %dma_wait3A_86 = arith.constant 0 : i32
      %dma_wait3A_87 = tpu.memref_slice %arg10[%dma_wait3A, %dma_wait3A_86] : memref<125x128xf32, #tpu.memory_space<vmem>> -> memref<80x128xf32, #tpu.memory_space<vmem>>
      %dma_wait3A_88 = arith.constant 0 : i32
      %dma_wait3A_89 = tpu.memref_slice %arg6[%arg0, %add3A_45, %dma_wait3A_88] : memref<2x10240x128xf32, #tpu.memory_space<hbm>> -> memref<1x80x128xf32, #tpu.memory_space<hbm>>
      %dma_wait3A_90 = tpu.memref_squeeze %dma_wait3A_89 : memref<1x80x128xf32, #tpu.memory_space<hbm>> -> memref<80x128xf32, #tpu.memory_space<hbm>>
      %dma_wait3A_91 = arith.constant 0 : i32
      %dma_wait3A_92 = tpu.memref_slice %arg6[%arg0, %add3A_45, %dma_wait3A_91] : memref<2x10240x128xf32, #tpu.memory_space<hbm>> -> memref<1x80x128xf32, #tpu.memory_space<hbm>>
      %dma_wait3A_93 = tpu.memref_squeeze %dma_wait3A_92 : memref<1x80x128xf32, #tpu.memory_space<hbm>> -> memref<80x128xf32, #tpu.memory_space<hbm>>
      %dma_wait3A_94 = arith.constant 0 : i32
      %dma_wait3A_95 = arith.constant 0 : i32
      %dma_wait3A_96 = tpu.memref_slice %arg10[%dma_wait3A_94, %dma_wait3A_95] : memref<125x128xf32, #tpu.memory_space<vmem>> -> memref<80x128xf32, #tpu.memory_space<vmem>>
      tpu.wait_dma2 semaphore(%run_scoped3A : memref<!tpu.dma_semaphore, #tpu.memory_space<semaphore_mem>>) src(%dma_wait3A_96 : memref<80x128xf32, #tpu.memory_space<vmem>>) dst(%dma_wait3A_93 : memref<80x128xf32, #tpu.memory_space<hbm>>)
      tpu.yield
    }) : () -> ()
    %add3A_46 = arith.constant 80 : i32
    %add3A_47 = arith.addi %mul3A_2, %add3A_46 : i32
    "tpu.region"() ({
      %run_scoped3A = tpu.sem_alloc : memref<!tpu.dma_semaphore, #tpu.memory_space<semaphore_mem>>
      %dma_start3A_74 = arith.constant 0 : i32
      %dma_start3A_75 = arith.constant 0 : i32
      %dma_start3A_76 = tpu.memref_slice %arg10[%dma_start3A_74, %dma_start3A_75] : memref<125x128xf32, #tpu.memory_space<vmem>> -> memref<80x128xf32, #tpu.memory_space<vmem>>
      %dma_start3A_77 = arith.constant 0 : i32
      %dma_start3A_78 = tpu.memref_slice %arg7[%add3A_47, %dma_start3A_77] : memref<10240x128xf32, #tpu.memory_space<vmem_shared>> -> memref<80x128xf32, #tpu.memory_space<vmem_shared>>
      %dma_start3A_79 = arith.constant 0 : i32
      %dma_start3A_80 = arith.constant 0 : i32
      %dma_start3A_81 = tpu.memref_slice %arg10[%dma_start3A_79, %dma_start3A_80] : memref<125x128xf32, #tpu.memory_space<vmem>> -> memref<80x128xf32, #tpu.memory_space<vmem>>
      %dma_start3A_82 = arith.constant 0 : i32
      %dma_start3A_83 = tpu.memref_slice %arg7[%add3A_47, %dma_start3A_82] : memref<10240x128xf32, #tpu.memory_space<vmem_shared>> -> memref<80x128xf32, #tpu.memory_space<vmem_shared>>
      tpu.enqueue_dma source(%dma_start3A_83 : memref<80x128xf32, #tpu.memory_space<vmem_shared>>) target(%dma_start3A_81 : memref<80x128xf32, #tpu.memory_space<vmem>>) target_semaphore(%run_scoped3A : memref<!tpu.dma_semaphore, #tpu.memory_space<semaphore_mem>>)
      %dma_wait3A = arith.constant 0 : i32
      %dma_wait3A_84 = arith.constant 0 : i32
      %dma_wait3A_85 = tpu.memref_slice %arg10[%dma_wait3A, %dma_wait3A_84] : memref<125x128xf32, #tpu.memory_space<vmem>> -> memref<80x128xf32, #tpu.memory_space<vmem>>
      %dma_wait3A_86 = arith.constant 0 : i32
      %dma_wait3A_87 = tpu.memref_slice %arg7[%add3A_47, %dma_wait3A_86] : memref<10240x128xf32, #tpu.memory_space<vmem_shared>> -> memref<80x128xf32, #tpu.memory_space<vmem_shared>>
      %dma_wait3A_88 = arith.constant 0 : i32
      %dma_wait3A_89 = arith.constant 0 : i32
      %dma_wait3A_90 = tpu.memref_slice %arg10[%dma_wait3A_88, %dma_wait3A_89] : memref<125x128xf32, #tpu.memory_space<vmem>> -> memref<80x128xf32, #tpu.memory_space<vmem>>
      %dma_wait3A_91 = arith.constant 0 : i32
      %dma_wait3A_92 = tpu.memref_slice %arg7[%add3A_47, %dma_wait3A_91] : memref<10240x128xf32, #tpu.memory_space<vmem_shared>> -> memref<80x128xf32, #tpu.memory_space<vmem_shared>>
      tpu.wait_dma2 semaphore(%run_scoped3A : memref<!tpu.dma_semaphore, #tpu.memory_space<semaphore_mem>>) src(%dma_wait3A_92 : memref<80x128xf32, #tpu.memory_space<vmem_shared>>) dst(%dma_wait3A_90 : memref<80x128xf32, #tpu.memory_space<vmem>>)
      tpu.yield
    }) : () -> ()
    %add3A_48 = arith.constant 80 : i32
    %add3A_49 = arith.addi %mul3A_2, %add3A_48 : i32
    "tpu.region"() ({
      %run_scoped3A = tpu.sem_alloc : memref<!tpu.dma_semaphore, #tpu.memory_space<semaphore_mem>>
      %dma_start3A_74 = arith.constant 0 : i32
      %dma_start3A_75 = arith.constant 0 : i32
      %dma_start3A_76 = tpu.memref_slice %arg10[%dma_start3A_74, %dma_start3A_75] : memref<125x128xf32, #tpu.memory_space<vmem>> -> memref<80x128xf32, #tpu.memory_space<vmem>>
      %dma_start3A_77 = arith.constant 0 : i32
      %dma_start3A_78 = tpu.memref_slice %arg6[%arg0, %add3A_49, %dma_start3A_77] : memref<2x10240x128xf32, #tpu.memory_space<hbm>> -> memref<1x80x128xf32, #tpu.memory_space<hbm>>
      %dma_start3A_79 = tpu.memref_squeeze %dma_start3A_78 : memref<1x80x128xf32, #tpu.memory_space<hbm>> -> memref<80x128xf32, #tpu.memory_space<hbm>>
      %dma_start3A_80 = arith.constant 0 : i32
      %dma_start3A_81 = tpu.memref_slice %arg6[%arg0, %add3A_49, %dma_start3A_80] : memref<2x10240x128xf32, #tpu.memory_space<hbm>> -> memref<1x80x128xf32, #tpu.memory_space<hbm>>
      %dma_start3A_82 = tpu.memref_squeeze %dma_start3A_81 : memref<1x80x128xf32, #tpu.memory_space<hbm>> -> memref<80x128xf32, #tpu.memory_space<hbm>>
      %dma_start3A_83 = arith.constant 0 : i32
      %dma_start3A_84 = arith.constant 0 : i32
      %dma_start3A_85 = tpu.memref_slice %arg10[%dma_start3A_83, %dma_start3A_84] : memref<125x128xf32, #tpu.memory_space<vmem>> -> memref<80x128xf32, #tpu.memory_space<vmem>>
      tpu.enqueue_dma source(%dma_start3A_85 : memref<80x128xf32, #tpu.memory_space<vmem>>) target(%dma_start3A_82 : memref<80x128xf32, #tpu.memory_space<hbm>>) target_semaphore(%run_scoped3A : memref<!tpu.dma_semaphore, #tpu.memory_space<semaphore_mem>>)
      %dma_wait3A = arith.constant 0 : i32
      %dma_wait3A_86 = arith.constant 0 : i32
      %dma_wait3A_87 = tpu.memref_slice %arg10[%dma_wait3A, %dma_wait3A_86] : memref<125x128xf32, #tpu.memory_space<vmem>> -> memref<80x128xf32, #tpu.memory_space<vmem>>
      %dma_wait3A_88 = arith.constant 0 : i32
      %dma_wait3A_89 = tpu.memref_slice %arg6[%arg0, %add3A_49, %dma_wait3A_88] : memref<2x10240x128xf32, #tpu.memory_space<hbm>> -> memref<1x80x128xf32, #tpu.memory_space<hbm>>
      %dma_wait3A_90 = tpu.memref_squeeze %dma_wait3A_89 : memref<1x80x128xf32, #tpu.memory_space<hbm>> -> memref<80x128xf32, #tpu.memory_space<hbm>>
      %dma_wait3A_91 = arith.constant 0 : i32
      %dma_wait3A_92 = tpu.memref_slice %arg6[%arg0, %add3A_49, %dma_wait3A_91] : memref<2x10240x128xf32, #tpu.memory_space<hbm>> -> memref<1x80x128xf32, #tpu.memory_space<hbm>>
      %dma_wait3A_93 = tpu.memref_squeeze %dma_wait3A_92 : memref<1x80x128xf32, #tpu.memory_space<hbm>> -> memref<80x128xf32, #tpu.memory_space<hbm>>
      %dma_wait3A_94 = arith.constant 0 : i32
      %dma_wait3A_95 = arith.constant 0 : i32
      %dma_wait3A_96 = tpu.memref_slice %arg10[%dma_wait3A_94, %dma_wait3A_95] : memref<125x128xf32, #tpu.memory_space<vmem>> -> memref<80x128xf32, #tpu.memory_space<vmem>>
      tpu.wait_dma2 semaphore(%run_scoped3A : memref<!tpu.dma_semaphore, #tpu.memory_space<semaphore_mem>>) src(%dma_wait3A_96 : memref<80x128xf32, #tpu.memory_space<vmem>>) dst(%dma_wait3A_93 : memref<80x128xf32, #tpu.memory_space<hbm>>)
      tpu.yield
    }) : () -> ()
    %add3A_50 = arith.constant 160 : i32
    %add3A_51 = arith.addi %mul3A_2, %add3A_50 : i32
    "tpu.region"() ({
      %run_scoped3A = tpu.sem_alloc : memref<!tpu.dma_semaphore, #tpu.memory_space<semaphore_mem>>
      %dma_start3A_74 = arith.constant 0 : i32
      %dma_start3A_75 = arith.constant 0 : i32
      %dma_start3A_76 = tpu.memref_slice %arg10[%dma_start3A_74, %dma_start3A_75] : memref<125x128xf32, #tpu.memory_space<vmem>> -> memref<80x128xf32, #tpu.memory_space<vmem>>
      %dma_start3A_77 = arith.constant 0 : i32
      %dma_start3A_78 = tpu.memref_slice %arg7[%add3A_51, %dma_start3A_77] : memref<10240x128xf32, #tpu.memory_space<vmem_shared>> -> memref<80x128xf32, #tpu.memory_space<vmem_shared>>
      %dma_start3A_79 = arith.constant 0 : i32
      %dma_start3A_80 = arith.constant 0 : i32
      %dma_start3A_81 = tpu.memref_slice %arg10[%dma_start3A_79, %dma_start3A_80] : memref<125x128xf32, #tpu.memory_space<vmem>> -> memref<80x128xf32, #tpu.memory_space<vmem>>
      %dma_start3A_82 = arith.constant 0 : i32
      %dma_start3A_83 = tpu.memref_slice %arg7[%add3A_51, %dma_start3A_82] : memref<10240x128xf32, #tpu.memory_space<vmem_shared>> -> memref<80x128xf32, #tpu.memory_space<vmem_shared>>
      tpu.enqueue_dma source(%dma_start3A_83 : memref<80x128xf32, #tpu.memory_space<vmem_shared>>) target(%dma_start3A_81 : memref<80x128xf32, #tpu.memory_space<vmem>>) target_semaphore(%run_scoped3A : memref<!tpu.dma_semaphore, #tpu.memory_space<semaphore_mem>>)
      %dma_wait3A = arith.constant 0 : i32
      %dma_wait3A_84 = arith.constant 0 : i32
      %dma_wait3A_85 = tpu.memref_slice %arg10[%dma_wait3A, %dma_wait3A_84] : memref<125x128xf32, #tpu.memory_space<vmem>> -> memref<80x128xf32, #tpu.memory_space<vmem>>
      %dma_wait3A_86 = arith.constant 0 : i32
      %dma_wait3A_87 = tpu.memref_slice %arg7[%add3A_51, %dma_wait3A_86] : memref<10240x128xf32, #tpu.memory_space<vmem_shared>> -> memref<80x128xf32, #tpu.memory_space<vmem_shared>>
      %dma_wait3A_88 = arith.constant 0 : i32
      %dma_wait3A_89 = arith.constant 0 : i32
      %dma_wait3A_90 = tpu.memref_slice %arg10[%dma_wait3A_88, %dma_wait3A_89] : memref<125x128xf32, #tpu.memory_space<vmem>> -> memref<80x128xf32, #tpu.memory_space<vmem>>
      %dma_wait3A_91 = arith.constant 0 : i32
      %dma_wait3A_92 = tpu.memref_slice %arg7[%add3A_51, %dma_wait3A_91] : memref<10240x128xf32, #tpu.memory_space<vmem_shared>> -> memref<80x128xf32, #tpu.memory_space<vmem_shared>>
      tpu.wait_dma2 semaphore(%run_scoped3A : memref<!tpu.dma_semaphore, #tpu.memory_space<semaphore_mem>>) src(%dma_wait3A_92 : memref<80x128xf32, #tpu.memory_space<vmem_shared>>) dst(%dma_wait3A_90 : memref<80x128xf32, #tpu.memory_space<vmem>>)
      tpu.yield
    }) : () -> ()
    %add3A_52 = arith.constant 160 : i32
    %add3A_53 = arith.addi %mul3A_2, %add3A_52 : i32
    "tpu.region"() ({
      %run_scoped3A = tpu.sem_alloc : memref<!tpu.dma_semaphore, #tpu.memory_space<semaphore_mem>>
      %dma_start3A_74 = arith.constant 0 : i32
      %dma_start3A_75 = arith.constant 0 : i32
      %dma_start3A_76 = tpu.memref_slice %arg10[%dma_start3A_74, %dma_start3A_75] : memref<125x128xf32, #tpu.memory_space<vmem>> -> memref<80x128xf32, #tpu.memory_space<vmem>>
      %dma_start3A_77 = arith.constant 0 : i32
      %dma_start3A_78 = tpu.memref_slice %arg6[%arg0, %add3A_53, %dma_start3A_77] : memref<2x10240x128xf32, #tpu.memory_space<hbm>> -> memref<1x80x128xf32, #tpu.memory_space<hbm>>
      %dma_start3A_79 = tpu.memref_squeeze %dma_start3A_78 : memref<1x80x128xf32, #tpu.memory_space<hbm>> -> memref<80x128xf32, #tpu.memory_space<hbm>>
      %dma_start3A_80 = arith.constant 0 : i32
      %dma_start3A_81 = tpu.memref_slice %arg6[%arg0, %add3A_53, %dma_start3A_80] : memref<2x10240x128xf32, #tpu.memory_space<hbm>> -> memref<1x80x128xf32, #tpu.memory_space<hbm>>
      %dma_start3A_82 = tpu.memref_squeeze %dma_start3A_81 : memref<1x80x128xf32, #tpu.memory_space<hbm>> -> memref<80x128xf32, #tpu.memory_space<hbm>>
      %dma_start3A_83 = arith.constant 0 : i32
      %dma_start3A_84 = arith.constant 0 : i32
      %dma_start3A_85 = tpu.memref_slice %arg10[%dma_start3A_83, %dma_start3A_84] : memref<125x128xf32, #tpu.memory_space<vmem>> -> memref<80x128xf32, #tpu.memory_space<vmem>>
      tpu.enqueue_dma source(%dma_start3A_85 : memref<80x128xf32, #tpu.memory_space<vmem>>) target(%dma_start3A_82 : memref<80x128xf32, #tpu.memory_space<hbm>>) target_semaphore(%run_scoped3A : memref<!tpu.dma_semaphore, #tpu.memory_space<semaphore_mem>>)
      %dma_wait3A = arith.constant 0 : i32
      %dma_wait3A_86 = arith.constant 0 : i32
      %dma_wait3A_87 = tpu.memref_slice %arg10[%dma_wait3A, %dma_wait3A_86] : memref<125x128xf32, #tpu.memory_space<vmem>> -> memref<80x128xf32, #tpu.memory_space<vmem>>
      %dma_wait3A_88 = arith.constant 0 : i32
      %dma_wait3A_89 = tpu.memref_slice %arg6[%arg0, %add3A_53, %dma_wait3A_88] : memref<2x10240x128xf32, #tpu.memory_space<hbm>> -> memref<1x80x128xf32, #tpu.memory_space<hbm>>
      %dma_wait3A_90 = tpu.memref_squeeze %dma_wait3A_89 : memref<1x80x128xf32, #tpu.memory_space<hbm>> -> memref<80x128xf32, #tpu.memory_space<hbm>>
      %dma_wait3A_91 = arith.constant 0 : i32
      %dma_wait3A_92 = tpu.memref_slice %arg6[%arg0, %add3A_53, %dma_wait3A_91] : memref<2x10240x128xf32, #tpu.memory_space<hbm>> -> memref<1x80x128xf32, #tpu.memory_space<hbm>>
      %dma_wait3A_93 = tpu.memref_squeeze %dma_wait3A_92 : memref<1x80x128xf32, #tpu.memory_space<hbm>> -> memref<80x128xf32, #tpu.memory_space<hbm>>
      %dma_wait3A_94 = arith.constant 0 : i32
      %dma_wait3A_95 = arith.constant 0 : i32
      %dma_wait3A_96 = tpu.memref_slice %arg10[%dma_wait3A_94, %dma_wait3A_95] : memref<125x128xf32, #tpu.memory_space<vmem>> -> memref<80x128xf32, #tpu.memory_space<vmem>>
      tpu.wait_dma2 semaphore(%run_scoped3A : memref<!tpu.dma_semaphore, #tpu.memory_space<semaphore_mem>>) src(%dma_wait3A_96 : memref<80x128xf32, #tpu.memory_space<vmem>>) dst(%dma_wait3A_93 : memref<80x128xf32, #tpu.memory_space<hbm>>)
      tpu.yield
    }) : () -> ()
    %add3A_54 = arith.constant 240 : i32
    %add3A_55 = arith.addi %mul3A_2, %add3A_54 : i32
    "tpu.region"() ({
      %run_scoped3A = tpu.sem_alloc : memref<!tpu.dma_semaphore, #tpu.memory_space<semaphore_mem>>
      %dma_start3A_74 = arith.constant 0 : i32
      %dma_start3A_75 = arith.constant 0 : i32
      %dma_start3A_76 = tpu.memref_slice %arg10[%dma_start3A_74, %dma_start3A_75] : memref<125x128xf32, #tpu.memory_space<vmem>> -> memref<80x128xf32, #tpu.memory_space<vmem>>
      %dma_start3A_77 = arith.constant 0 : i32
      %dma_start3A_78 = tpu.memref_slice %arg7[%add3A_55, %dma_start3A_77] : memref<10240x128xf32, #tpu.memory_space<vmem_shared>> -> memref<80x128xf32, #tpu.memory_space<vmem_shared>>
      %dma_start3A_79 = arith.constant 0 : i32
      %dma_start3A_80 = arith.constant 0 : i32
      %dma_start3A_81 = tpu.memref_slice %arg10[%dma_start3A_79, %dma_start3A_80] : memref<125x128xf32, #tpu.memory_space<vmem>> -> memref<80x128xf32, #tpu.memory_space<vmem>>
      %dma_start3A_82 = arith.constant 0 : i32
      %dma_start3A_83 = tpu.memref_slice %arg7[%add3A_55, %dma_start3A_82] : memref<10240x128xf32, #tpu.memory_space<vmem_shared>> -> memref<80x128xf32, #tpu.memory_space<vmem_shared>>
      tpu.enqueue_dma source(%dma_start3A_83 : memref<80x128xf32, #tpu.memory_space<vmem_shared>>) target(%dma_start3A_81 : memref<80x128xf32, #tpu.memory_space<vmem>>) target_semaphore(%run_scoped3A : memref<!tpu.dma_semaphore, #tpu.memory_space<semaphore_mem>>)
      %dma_wait3A = arith.constant 0 : i32
      %dma_wait3A_84 = arith.constant 0 : i32
      %dma_wait3A_85 = tpu.memref_slice %arg10[%dma_wait3A, %dma_wait3A_84] : memref<125x128xf32, #tpu.memory_space<vmem>> -> memref<80x128xf32, #tpu.memory_space<vmem>>
      %dma_wait3A_86 = arith.constant 0 : i32
      %dma_wait3A_87 = tpu.memref_slice %arg7[%add3A_55, %dma_wait3A_86] : memref<10240x128xf32, #tpu.memory_space<vmem_shared>> -> memref<80x128xf32, #tpu.memory_space<vmem_shared>>
      %dma_wait3A_88 = arith.constant 0 : i32
      %dma_wait3A_89 = arith.constant 0 : i32
      %dma_wait3A_90 = tpu.memref_slice %arg10[%dma_wait3A_88, %dma_wait3A_89] : memref<125x128xf32, #tpu.memory_space<vmem>> -> memref<80x128xf32, #tpu.memory_space<vmem>>
      %dma_wait3A_91 = arith.constant 0 : i32
      %dma_wait3A_92 = tpu.memref_slice %arg7[%add3A_55, %dma_wait3A_91] : memref<10240x128xf32, #tpu.memory_space<vmem_shared>> -> memref<80x128xf32, #tpu.memory_space<vmem_shared>>
      tpu.wait_dma2 semaphore(%run_scoped3A : memref<!tpu.dma_semaphore, #tpu.memory_space<semaphore_mem>>) src(%dma_wait3A_92 : memref<80x128xf32, #tpu.memory_space<vmem_shared>>) dst(%dma_wait3A_90 : memref<80x128xf32, #tpu.memory_space<vmem>>)
      tpu.yield
    }) : () -> ()
    %add3A_56 = arith.constant 240 : i32
    %add3A_57 = arith.addi %mul3A_2, %add3A_56 : i32
    "tpu.region"() ({
      %run_scoped3A = tpu.sem_alloc : memref<!tpu.dma_semaphore, #tpu.memory_space<semaphore_mem>>
      %dma_start3A_74 = arith.constant 0 : i32
      %dma_start3A_75 = arith.constant 0 : i32
      %dma_start3A_76 = tpu.memref_slice %arg10[%dma_start3A_74, %dma_start3A_75] : memref<125x128xf32, #tpu.memory_space<vmem>> -> memref<80x128xf32, #tpu.memory_space<vmem>>
      %dma_start3A_77 = arith.constant 0 : i32
      %dma_start3A_78 = tpu.memref_slice %arg6[%arg0, %add3A_57, %dma_start3A_77] : memref<2x10240x128xf32, #tpu.memory_space<hbm>> -> memref<1x80x128xf32, #tpu.memory_space<hbm>>
      %dma_start3A_79 = tpu.memref_squeeze %dma_start3A_78 : memref<1x80x128xf32, #tpu.memory_space<hbm>> -> memref<80x128xf32, #tpu.memory_space<hbm>>
      %dma_start3A_80 = arith.constant 0 : i32
      %dma_start3A_81 = tpu.memref_slice %arg6[%arg0, %add3A_57, %dma_start3A_80] : memref<2x10240x128xf32, #tpu.memory_space<hbm>> -> memref<1x80x128xf32, #tpu.memory_space<hbm>>
      %dma_start3A_82 = tpu.memref_squeeze %dma_start3A_81 : memref<1x80x128xf32, #tpu.memory_space<hbm>> -> memref<80x128xf32, #tpu.memory_space<hbm>>
      %dma_start3A_83 = arith.constant 0 : i32
      %dma_start3A_84 = arith.constant 0 : i32
      %dma_start3A_85 = tpu.memref_slice %arg10[%dma_start3A_83, %dma_start3A_84] : memref<125x128xf32, #tpu.memory_space<vmem>> -> memref<80x128xf32, #tpu.memory_space<vmem>>
      tpu.enqueue_dma source(%dma_start3A_85 : memref<80x128xf32, #tpu.memory_space<vmem>>) target(%dma_start3A_82 : memref<80x128xf32, #tpu.memory_space<hbm>>) target_semaphore(%run_scoped3A : memref<!tpu.dma_semaphore, #tpu.memory_space<semaphore_mem>>)
      %dma_wait3A = arith.constant 0 : i32
      %dma_wait3A_86 = arith.constant 0 : i32
      %dma_wait3A_87 = tpu.memref_slice %arg10[%dma_wait3A, %dma_wait3A_86] : memref<125x128xf32, #tpu.memory_space<vmem>> -> memref<80x128xf32, #tpu.memory_space<vmem>>
      %dma_wait3A_88 = arith.constant 0 : i32
      %dma_wait3A_89 = tpu.memref_slice %arg6[%arg0, %add3A_57, %dma_wait3A_88] : memref<2x10240x128xf32, #tpu.memory_space<hbm>> -> memref<1x80x128xf32, #tpu.memory_space<hbm>>
      %dma_wait3A_90 = tpu.memref_squeeze %dma_wait3A_89 : memref<1x80x128xf32, #tpu.memory_space<hbm>> -> memref<80x128xf32, #tpu.memory_space<hbm>>
      %dma_wait3A_91 = arith.constant 0 : i32
      %dma_wait3A_92 = tpu.memref_slice %arg6[%arg0, %add3A_57, %dma_wait3A_91] : memref<2x10240x128xf32, #tpu.memory_space<hbm>> -> memref<1x80x128xf32, #tpu.memory_space<hbm>>
      %dma_wait3A_93 = tpu.memref_squeeze %dma_wait3A_92 : memref<1x80x128xf32, #tpu.memory_space<hbm>> -> memref<80x128xf32, #tpu.memory_space<hbm>>
      %dma_wait3A_94 = arith.constant 0 : i32
      %dma_wait3A_95 = arith.constant 0 : i32
      %dma_wait3A_96 = tpu.memref_slice %arg10[%dma_wait3A_94, %dma_wait3A_95] : memref<125x128xf32, #tpu.memory_space<vmem>> -> memref<80x128xf32, #tpu.memory_space<vmem>>
      tpu.wait_dma2 semaphore(%run_scoped3A : memref<!tpu.dma_semaphore, #tpu.memory_space<semaphore_mem>>) src(%dma_wait3A_96 : memref<80x128xf32, #tpu.memory_space<vmem>>) dst(%dma_wait3A_93 : memref<80x128xf32, #tpu.memory_space<hbm>>)
      tpu.yield
    }) : () -> ()
    %add3A_58 = arith.constant 320 : i32
    %add3A_59 = arith.addi %mul3A_2, %add3A_58 : i32
    "tpu.region"() ({
      %run_scoped3A = tpu.sem_alloc : memref<!tpu.dma_semaphore, #tpu.memory_space<semaphore_mem>>
      %dma_start3A_74 = arith.constant 0 : i32
      %dma_start3A_75 = arith.constant 0 : i32
      %dma_start3A_76 = tpu.memref_slice %arg10[%dma_start3A_74, %dma_start3A_75] : memref<125x128xf32, #tpu.memory_space<vmem>> -> memref<80x128xf32, #tpu.memory_space<vmem>>
      %dma_start3A_77 = arith.constant 0 : i32
      %dma_start3A_78 = tpu.memref_slice %arg7[%add3A_59, %dma_start3A_77] : memref<10240x128xf32, #tpu.memory_space<vmem_shared>> -> memref<80x128xf32, #tpu.memory_space<vmem_shared>>
      %dma_start3A_79 = arith.constant 0 : i32
      %dma_start3A_80 = arith.constant 0 : i32
      %dma_start3A_81 = tpu.memref_slice %arg10[%dma_start3A_79, %dma_start3A_80] : memref<125x128xf32, #tpu.memory_space<vmem>> -> memref<80x128xf32, #tpu.memory_space<vmem>>
      %dma_start3A_82 = arith.constant 0 : i32
      %dma_start3A_83 = tpu.memref_slice %arg7[%add3A_59, %dma_start3A_82] : memref<10240x128xf32, #tpu.memory_space<vmem_shared>> -> memref<80x128xf32, #tpu.memory_space<vmem_shared>>
      tpu.enqueue_dma source(%dma_start3A_83 : memref<80x128xf32, #tpu.memory_space<vmem_shared>>) target(%dma_start3A_81 : memref<80x128xf32, #tpu.memory_space<vmem>>) target_semaphore(%run_scoped3A : memref<!tpu.dma_semaphore, #tpu.memory_space<semaphore_mem>>)
      %dma_wait3A = arith.constant 0 : i32
      %dma_wait3A_84 = arith.constant 0 : i32
      %dma_wait3A_85 = tpu.memref_slice %arg10[%dma_wait3A, %dma_wait3A_84] : memref<125x128xf32, #tpu.memory_space<vmem>> -> memref<80x128xf32, #tpu.memory_space<vmem>>
      %dma_wait3A_86 = arith.constant 0 : i32
      %dma_wait3A_87 = tpu.memref_slice %arg7[%add3A_59, %dma_wait3A_86] : memref<10240x128xf32, #tpu.memory_space<vmem_shared>> -> memref<80x128xf32, #tpu.memory_space<vmem_shared>>
      %dma_wait3A_88 = arith.constant 0 : i32
      %dma_wait3A_89 = arith.constant 0 : i32
      %dma_wait3A_90 = tpu.memref_slice %arg10[%dma_wait3A_88, %dma_wait3A_89] : memref<125x128xf32, #tpu.memory_space<vmem>> -> memref<80x128xf32, #tpu.memory_space<vmem>>
      %dma_wait3A_91 = arith.constant 0 : i32
      %dma_wait3A_92 = tpu.memref_slice %arg7[%add3A_59, %dma_wait3A_91] : memref<10240x128xf32, #tpu.memory_space<vmem_shared>> -> memref<80x128xf32, #tpu.memory_space<vmem_shared>>
      tpu.wait_dma2 semaphore(%run_scoped3A : memref<!tpu.dma_semaphore, #tpu.memory_space<semaphore_mem>>) src(%dma_wait3A_92 : memref<80x128xf32, #tpu.memory_space<vmem_shared>>) dst(%dma_wait3A_90 : memref<80x128xf32, #tpu.memory_space<vmem>>)
      tpu.yield
    }) : () -> ()
    %add3A_60 = arith.constant 320 : i32
    %add3A_61 = arith.addi %mul3A_2, %add3A_60 : i32
    "tpu.region"() ({
      %run_scoped3A = tpu.sem_alloc : memref<!tpu.dma_semaphore, #tpu.memory_space<semaphore_mem>>
      %dma_start3A_74 = arith.constant 0 : i32
      %dma_start3A_75 = arith.constant 0 : i32
      %dma_start3A_76 = tpu.memref_slice %arg10[%dma_start3A_74, %dma_start3A_75] : memref<125x128xf32, #tpu.memory_space<vmem>> -> memref<80x128xf32, #tpu.memory_space<vmem>>
      %dma_start3A_77 = arith.constant 0 : i32
      %dma_start3A_78 = tpu.memref_slice %arg6[%arg0, %add3A_61, %dma_start3A_77] : memref<2x10240x128xf32, #tpu.memory_space<hbm>> -> memref<1x80x128xf32, #tpu.memory_space<hbm>>
      %dma_start3A_79 = tpu.memref_squeeze %dma_start3A_78 : memref<1x80x128xf32, #tpu.memory_space<hbm>> -> memref<80x128xf32, #tpu.memory_space<hbm>>
      %dma_start3A_80 = arith.constant 0 : i32
      %dma_start3A_81 = tpu.memref_slice %arg6[%arg0, %add3A_61, %dma_start3A_80] : memref<2x10240x128xf32, #tpu.memory_space<hbm>> -> memref<1x80x128xf32, #tpu.memory_space<hbm>>
      %dma_start3A_82 = tpu.memref_squeeze %dma_start3A_81 : memref<1x80x128xf32, #tpu.memory_space<hbm>> -> memref<80x128xf32, #tpu.memory_space<hbm>>
      %dma_start3A_83 = arith.constant 0 : i32
      %dma_start3A_84 = arith.constant 0 : i32
      %dma_start3A_85 = tpu.memref_slice %arg10[%dma_start3A_83, %dma_start3A_84] : memref<125x128xf32, #tpu.memory_space<vmem>> -> memref<80x128xf32, #tpu.memory_space<vmem>>
      tpu.enqueue_dma source(%dma_start3A_85 : memref<80x128xf32, #tpu.memory_space<vmem>>) target(%dma_start3A_82 : memref<80x128xf32, #tpu.memory_space<hbm>>) target_semaphore(%run_scoped3A : memref<!tpu.dma_semaphore, #tpu.memory_space<semaphore_mem>>)
      %dma_wait3A = arith.constant 0 : i32
      %dma_wait3A_86 = arith.constant 0 : i32
      %dma_wait3A_87 = tpu.memref_slice %arg10[%dma_wait3A, %dma_wait3A_86] : memref<125x128xf32, #tpu.memory_space<vmem>> -> memref<80x128xf32, #tpu.memory_space<vmem>>
      %dma_wait3A_88 = arith.constant 0 : i32
      %dma_wait3A_89 = tpu.memref_slice %arg6[%arg0, %add3A_61, %dma_wait3A_88] : memref<2x10240x128xf32, #tpu.memory_space<hbm>> -> memref<1x80x128xf32, #tpu.memory_space<hbm>>
      %dma_wait3A_90 = tpu.memref_squeeze %dma_wait3A_89 : memref<1x80x128xf32, #tpu.memory_space<hbm>> -> memref<80x128xf32, #tpu.memory_space<hbm>>
      %dma_wait3A_91 = arith.constant 0 : i32
      %dma_wait3A_92 = tpu.memref_slice %arg6[%arg0, %add3A_61, %dma_wait3A_91] : memref<2x10240x128xf32, #tpu.memory_space<hbm>> -> memref<1x80x128xf32, #tpu.memory_space<hbm>>
      %dma_wait3A_93 = tpu.memref_squeeze %dma_wait3A_92 : memref<1x80x128xf32, #tpu.memory_space<hbm>> -> memref<80x128xf32, #tpu.memory_space<hbm>>
      %dma_wait3A_94 = arith.constant 0 : i32
      %dma_wait3A_95 = arith.constant 0 : i32
      %dma_wait3A_96 = tpu.memref_slice %arg10[%dma_wait3A_94, %dma_wait3A_95] : memref<125x128xf32, #tpu.memory_space<vmem>> -> memref<80x128xf32, #tpu.memory_space<vmem>>
      tpu.wait_dma2 semaphore(%run_scoped3A : memref<!tpu.dma_semaphore, #tpu.memory_space<semaphore_mem>>) src(%dma_wait3A_96 : memref<80x128xf32, #tpu.memory_space<vmem>>) dst(%dma_wait3A_93 : memref<80x128xf32, #tpu.memory_space<hbm>>)
      tpu.yield
    }) : () -> ()
    %add3A_62 = arith.constant 400 : i32
    %add3A_63 = arith.addi %mul3A_2, %add3A_62 : i32
    "tpu.region"() ({
      %run_scoped3A = tpu.sem_alloc : memref<!tpu.dma_semaphore, #tpu.memory_space<semaphore_mem>>
      %dma_start3A_74 = arith.constant 0 : i32
      %dma_start3A_75 = arith.constant 0 : i32
      %dma_start3A_76 = tpu.memref_slice %arg10[%dma_start3A_74, %dma_start3A_75] : memref<125x128xf32, #tpu.memory_space<vmem>> -> memref<80x128xf32, #tpu.memory_space<vmem>>
      %dma_start3A_77 = arith.constant 0 : i32
      %dma_start3A_78 = tpu.memref_slice %arg7[%add3A_63, %dma_start3A_77] : memref<10240x128xf32, #tpu.memory_space<vmem_shared>> -> memref<80x128xf32, #tpu.memory_space<vmem_shared>>
      %dma_start3A_79 = arith.constant 0 : i32
      %dma_start3A_80 = arith.constant 0 : i32
      %dma_start3A_81 = tpu.memref_slice %arg10[%dma_start3A_79, %dma_start3A_80] : memref<125x128xf32, #tpu.memory_space<vmem>> -> memref<80x128xf32, #tpu.memory_space<vmem>>
      %dma_start3A_82 = arith.constant 0 : i32
      %dma_start3A_83 = tpu.memref_slice %arg7[%add3A_63, %dma_start3A_82] : memref<10240x128xf32, #tpu.memory_space<vmem_shared>> -> memref<80x128xf32, #tpu.memory_space<vmem_shared>>
      tpu.enqueue_dma source(%dma_start3A_83 : memref<80x128xf32, #tpu.memory_space<vmem_shared>>) target(%dma_start3A_81 : memref<80x128xf32, #tpu.memory_space<vmem>>) target_semaphore(%run_scoped3A : memref<!tpu.dma_semaphore, #tpu.memory_space<semaphore_mem>>)
      %dma_wait3A = arith.constant 0 : i32
      %dma_wait3A_84 = arith.constant 0 : i32
      %dma_wait3A_85 = tpu.memref_slice %arg10[%dma_wait3A, %dma_wait3A_84] : memref<125x128xf32, #tpu.memory_space<vmem>> -> memref<80x128xf32, #tpu.memory_space<vmem>>
      %dma_wait3A_86 = arith.constant 0 : i32
      %dma_wait3A_87 = tpu.memref_slice %arg7[%add3A_63, %dma_wait3A_86] : memref<10240x128xf32, #tpu.memory_space<vmem_shared>> -> memref<80x128xf32, #tpu.memory_space<vmem_shared>>
      %dma_wait3A_88 = arith.constant 0 : i32
      %dma_wait3A_89 = arith.constant 0 : i32
      %dma_wait3A_90 = tpu.memref_slice %arg10[%dma_wait3A_88, %dma_wait3A_89] : memref<125x128xf32, #tpu.memory_space<vmem>> -> memref<80x128xf32, #tpu.memory_space<vmem>>
      %dma_wait3A_91 = arith.constant 0 : i32
      %dma_wait3A_92 = tpu.memref_slice %arg7[%add3A_63, %dma_wait3A_91] : memref<10240x128xf32, #tpu.memory_space<vmem_shared>> -> memref<80x128xf32, #tpu.memory_space<vmem_shared>>
      tpu.wait_dma2 semaphore(%run_scoped3A : memref<!tpu.dma_semaphore, #tpu.memory_space<semaphore_mem>>) src(%dma_wait3A_92 : memref<80x128xf32, #tpu.memory_space<vmem_shared>>) dst(%dma_wait3A_90 : memref<80x128xf32, #tpu.memory_space<vmem>>)
      tpu.yield
    }) : () -> ()
    %add3A_64 = arith.constant 400 : i32
    %add3A_65 = arith.addi %mul3A_2, %add3A_64 : i32
    "tpu.region"() ({
      %run_scoped3A = tpu.sem_alloc : memref<!tpu.dma_semaphore, #tpu.memory_space<semaphore_mem>>
      %dma_start3A_74 = arith.constant 0 : i32
      %dma_start3A_75 = arith.constant 0 : i32
      %dma_start3A_76 = tpu.memref_slice %arg10[%dma_start3A_74, %dma_start3A_75] : memref<125x128xf32, #tpu.memory_space<vmem>> -> memref<80x128xf32, #tpu.memory_space<vmem>>
      %dma_start3A_77 = arith.constant 0 : i32
      %dma_start3A_78 = tpu.memref_slice %arg6[%arg0, %add3A_65, %dma_start3A_77] : memref<2x10240x128xf32, #tpu.memory_space<hbm>> -> memref<1x80x128xf32, #tpu.memory_space<hbm>>
      %dma_start3A_79 = tpu.memref_squeeze %dma_start3A_78 : memref<1x80x128xf32, #tpu.memory_space<hbm>> -> memref<80x128xf32, #tpu.memory_space<hbm>>
      %dma_start3A_80 = arith.constant 0 : i32
      %dma_start3A_81 = tpu.memref_slice %arg6[%arg0, %add3A_65, %dma_start3A_80] : memref<2x10240x128xf32, #tpu.memory_space<hbm>> -> memref<1x80x128xf32, #tpu.memory_space<hbm>>
      %dma_start3A_82 = tpu.memref_squeeze %dma_start3A_81 : memref<1x80x128xf32, #tpu.memory_space<hbm>> -> memref<80x128xf32, #tpu.memory_space<hbm>>
      %dma_start3A_83 = arith.constant 0 : i32
      %dma_start3A_84 = arith.constant 0 : i32
      %dma_start3A_85 = tpu.memref_slice %arg10[%dma_start3A_83, %dma_start3A_84] : memref<125x128xf32, #tpu.memory_space<vmem>> -> memref<80x128xf32, #tpu.memory_space<vmem>>
      tpu.enqueue_dma source(%dma_start3A_85 : memref<80x128xf32, #tpu.memory_space<vmem>>) target(%dma_start3A_82 : memref<80x128xf32, #tpu.memory_space<hbm>>) target_semaphore(%run_scoped3A : memref<!tpu.dma_semaphore, #tpu.memory_space<semaphore_mem>>)
      %dma_wait3A = arith.constant 0 : i32
      %dma_wait3A_86 = arith.constant 0 : i32
      %dma_wait3A_87 = tpu.memref_slice %arg10[%dma_wait3A, %dma_wait3A_86] : memref<125x128xf32, #tpu.memory_space<vmem>> -> memref<80x128xf32, #tpu.memory_space<vmem>>
      %dma_wait3A_88 = arith.constant 0 : i32
      %dma_wait3A_89 = tpu.memref_slice %arg6[%arg0, %add3A_65, %dma_wait3A_88] : memref<2x10240x128xf32, #tpu.memory_space<hbm>> -> memref<1x80x128xf32, #tpu.memory_space<hbm>>
      %dma_wait3A_90 = tpu.memref_squeeze %dma_wait3A_89 : memref<1x80x128xf32, #tpu.memory_space<hbm>> -> memref<80x128xf32, #tpu.memory_space<hbm>>
      %dma_wait3A_91 = arith.constant 0 : i32
      %dma_wait3A_92 = tpu.memref_slice %arg6[%arg0, %add3A_65, %dma_wait3A_91] : memref<2x10240x128xf32, #tpu.memory_space<hbm>> -> memref<1x80x128xf32, #tpu.memory_space<hbm>>
      %dma_wait3A_93 = tpu.memref_squeeze %dma_wait3A_92 : memref<1x80x128xf32, #tpu.memory_space<hbm>> -> memref<80x128xf32, #tpu.memory_space<hbm>>
      %dma_wait3A_94 = arith.constant 0 : i32
      %dma_wait3A_95 = arith.constant 0 : i32
      %dma_wait3A_96 = tpu.memref_slice %arg10[%dma_wait3A_94, %dma_wait3A_95] : memref<125x128xf32, #tpu.memory_space<vmem>> -> memref<80x128xf32, #tpu.memory_space<vmem>>
      tpu.wait_dma2 semaphore(%run_scoped3A : memref<!tpu.dma_semaphore, #tpu.memory_space<semaphore_mem>>) src(%dma_wait3A_96 : memref<80x128xf32, #tpu.memory_space<vmem>>) dst(%dma_wait3A_93 : memref<80x128xf32, #tpu.memory_space<hbm>>)
      tpu.yield
    }) : () -> ()
    %add3A_66 = arith.constant 480 : i32
    %add3A_67 = arith.addi %mul3A_2, %add3A_66 : i32
    "tpu.region"() ({
      %run_scoped3A = tpu.sem_alloc : memref<!tpu.dma_semaphore, #tpu.memory_space<semaphore_mem>>
      %dma_start3A_74 = arith.constant 0 : i32
      %dma_start3A_75 = arith.constant 0 : i32
      %dma_start3A_76 = tpu.memref_slice %arg10[%dma_start3A_74, %dma_start3A_75] : memref<125x128xf32, #tpu.memory_space<vmem>> -> memref<80x128xf32, #tpu.memory_space<vmem>>
      %dma_start3A_77 = arith.constant 0 : i32
      %dma_start3A_78 = tpu.memref_slice %arg7[%add3A_67, %dma_start3A_77] : memref<10240x128xf32, #tpu.memory_space<vmem_shared>> -> memref<80x128xf32, #tpu.memory_space<vmem_shared>>
      %dma_start3A_79 = arith.constant 0 : i32
      %dma_start3A_80 = arith.constant 0 : i32
      %dma_start3A_81 = tpu.memref_slice %arg10[%dma_start3A_79, %dma_start3A_80] : memref<125x128xf32, #tpu.memory_space<vmem>> -> memref<80x128xf32, #tpu.memory_space<vmem>>
      %dma_start3A_82 = arith.constant 0 : i32
      %dma_start3A_83 = tpu.memref_slice %arg7[%add3A_67, %dma_start3A_82] : memref<10240x128xf32, #tpu.memory_space<vmem_shared>> -> memref<80x128xf32, #tpu.memory_space<vmem_shared>>
      tpu.enqueue_dma source(%dma_start3A_83 : memref<80x128xf32, #tpu.memory_space<vmem_shared>>) target(%dma_start3A_81 : memref<80x128xf32, #tpu.memory_space<vmem>>) target_semaphore(%run_scoped3A : memref<!tpu.dma_semaphore, #tpu.memory_space<semaphore_mem>>)
      %dma_wait3A = arith.constant 0 : i32
      %dma_wait3A_84 = arith.constant 0 : i32
      %dma_wait3A_85 = tpu.memref_slice %arg10[%dma_wait3A, %dma_wait3A_84] : memref<125x128xf32, #tpu.memory_space<vmem>> -> memref<80x128xf32, #tpu.memory_space<vmem>>
      %dma_wait3A_86 = arith.constant 0 : i32
      %dma_wait3A_87 = tpu.memref_slice %arg7[%add3A_67, %dma_wait3A_86] : memref<10240x128xf32, #tpu.memory_space<vmem_shared>> -> memref<80x128xf32, #tpu.memory_space<vmem_shared>>
      %dma_wait3A_88 = arith.constant 0 : i32
      %dma_wait3A_89 = arith.constant 0 : i32
      %dma_wait3A_90 = tpu.memref_slice %arg10[%dma_wait3A_88, %dma_wait3A_89] : memref<125x128xf32, #tpu.memory_space<vmem>> -> memref<80x128xf32, #tpu.memory_space<vmem>>
      %dma_wait3A_91 = arith.constant 0 : i32
      %dma_wait3A_92 = tpu.memref_slice %arg7[%add3A_67, %dma_wait3A_91] : memref<10240x128xf32, #tpu.memory_space<vmem_shared>> -> memref<80x128xf32, #tpu.memory_space<vmem_shared>>
      tpu.wait_dma2 semaphore(%run_scoped3A : memref<!tpu.dma_semaphore, #tpu.memory_space<semaphore_mem>>) src(%dma_wait3A_92 : memref<80x128xf32, #tpu.memory_space<vmem_shared>>) dst(%dma_wait3A_90 : memref<80x128xf32, #tpu.memory_space<vmem>>)
      tpu.yield
    }) : () -> ()
    %add3A_68 = arith.constant 480 : i32
    %add3A_69 = arith.addi %mul3A_2, %add3A_68 : i32
    "tpu.region"() ({
      %run_scoped3A = tpu.sem_alloc : memref<!tpu.dma_semaphore, #tpu.memory_space<semaphore_mem>>
      %dma_start3A_74 = arith.constant 0 : i32
      %dma_start3A_75 = arith.constant 0 : i32
      %dma_start3A_76 = tpu.memref_slice %arg10[%dma_start3A_74, %dma_start3A_75] : memref<125x128xf32, #tpu.memory_space<vmem>> -> memref<80x128xf32, #tpu.memory_space<vmem>>
      %dma_start3A_77 = arith.constant 0 : i32
      %dma_start3A_78 = tpu.memref_slice %arg6[%arg0, %add3A_69, %dma_start3A_77] : memref<2x10240x128xf32, #tpu.memory_space<hbm>> -> memref<1x80x128xf32, #tpu.memory_space<hbm>>
      %dma_start3A_79 = tpu.memref_squeeze %dma_start3A_78 : memref<1x80x128xf32, #tpu.memory_space<hbm>> -> memref<80x128xf32, #tpu.memory_space<hbm>>
      %dma_start3A_80 = arith.constant 0 : i32
      %dma_start3A_81 = tpu.memref_slice %arg6[%arg0, %add3A_69, %dma_start3A_80] : memref<2x10240x128xf32, #tpu.memory_space<hbm>> -> memref<1x80x128xf32, #tpu.memory_space<hbm>>
      %dma_start3A_82 = tpu.memref_squeeze %dma_start3A_81 : memref<1x80x128xf32, #tpu.memory_space<hbm>> -> memref<80x128xf32, #tpu.memory_space<hbm>>
      %dma_start3A_83 = arith.constant 0 : i32
      %dma_start3A_84 = arith.constant 0 : i32
      %dma_start3A_85 = tpu.memref_slice %arg10[%dma_start3A_83, %dma_start3A_84] : memref<125x128xf32, #tpu.memory_space<vmem>> -> memref<80x128xf32, #tpu.memory_space<vmem>>
      tpu.enqueue_dma source(%dma_start3A_85 : memref<80x128xf32, #tpu.memory_space<vmem>>) target(%dma_start3A_82 : memref<80x128xf32, #tpu.memory_space<hbm>>) target_semaphore(%run_scoped3A : memref<!tpu.dma_semaphore, #tpu.memory_space<semaphore_mem>>)
      %dma_wait3A = arith.constant 0 : i32
      %dma_wait3A_86 = arith.constant 0 : i32
      %dma_wait3A_87 = tpu.memref_slice %arg10[%dma_wait3A, %dma_wait3A_86] : memref<125x128xf32, #tpu.memory_space<vmem>> -> memref<80x128xf32, #tpu.memory_space<vmem>>
      %dma_wait3A_88 = arith.constant 0 : i32
      %dma_wait3A_89 = tpu.memref_slice %arg6[%arg0, %add3A_69, %dma_wait3A_88] : memref<2x10240x128xf32, #tpu.memory_space<hbm>> -> memref<1x80x128xf32, #tpu.memory_space<hbm>>
      %dma_wait3A_90 = tpu.memref_squeeze %dma_wait3A_89 : memref<1x80x128xf32, #tpu.memory_space<hbm>> -> memref<80x128xf32, #tpu.memory_space<hbm>>
      %dma_wait3A_91 = arith.constant 0 : i32
      %dma_wait3A_92 = tpu.memref_slice %arg6[%arg0, %add3A_69, %dma_wait3A_91] : memref<2x10240x128xf32, #tpu.memory_space<hbm>> -> memref<1x80x128xf32, #tpu.memory_space<hbm>>
      %dma_wait3A_93 = tpu.memref_squeeze %dma_wait3A_92 : memref<1x80x128xf32, #tpu.memory_space<hbm>> -> memref<80x128xf32, #tpu.memory_space<hbm>>
      %dma_wait3A_94 = arith.constant 0 : i32
      %dma_wait3A_95 = arith.constant 0 : i32
      %dma_wait3A_96 = tpu.memref_slice %arg10[%dma_wait3A_94, %dma_wait3A_95] : memref<125x128xf32, #tpu.memory_space<vmem>> -> memref<80x128xf32, #tpu.memory_space<vmem>>
      tpu.wait_dma2 semaphore(%run_scoped3A : memref<!tpu.dma_semaphore, #tpu.memory_space<semaphore_mem>>) src(%dma_wait3A_96 : memref<80x128xf32, #tpu.memory_space<vmem>>) dst(%dma_wait3A_93 : memref<80x128xf32, #tpu.memory_space<hbm>>)
      tpu.yield
    }) : () -> ()
    %add3A_70 = arith.constant 560 : i32
    %add3A_71 = arith.addi %mul3A_2, %add3A_70 : i32
    "tpu.region"() ({
      %run_scoped3A = tpu.sem_alloc : memref<!tpu.dma_semaphore, #tpu.memory_space<semaphore_mem>>
      %dma_start3A_74 = arith.constant 0 : i32
      %dma_start3A_75 = arith.constant 0 : i32
      %dma_start3A_76 = tpu.memref_slice %arg10[%dma_start3A_74, %dma_start3A_75] : memref<125x128xf32, #tpu.memory_space<vmem>> -> memref<80x128xf32, #tpu.memory_space<vmem>>
      %dma_start3A_77 = arith.constant 0 : i32
      %dma_start3A_78 = tpu.memref_slice %arg7[%add3A_71, %dma_start3A_77] : memref<10240x128xf32, #tpu.memory_space<vmem_shared>> -> memref<80x128xf32, #tpu.memory_space<vmem_shared>>
      %dma_start3A_79 = arith.constant 0 : i32
      %dma_start3A_80 = arith.constant 0 : i32
      %dma_start3A_81 = tpu.memref_slice %arg10[%dma_start3A_79, %dma_start3A_80] : memref<125x128xf32, #tpu.memory_space<vmem>> -> memref<80x128xf32, #tpu.memory_space<vmem>>
      %dma_start3A_82 = arith.constant 0 : i32
      %dma_start3A_83 = tpu.memref_slice %arg7[%add3A_71, %dma_start3A_82] : memref<10240x128xf32, #tpu.memory_space<vmem_shared>> -> memref<80x128xf32, #tpu.memory_space<vmem_shared>>
      tpu.enqueue_dma source(%dma_start3A_83 : memref<80x128xf32, #tpu.memory_space<vmem_shared>>) target(%dma_start3A_81 : memref<80x128xf32, #tpu.memory_space<vmem>>) target_semaphore(%run_scoped3A : memref<!tpu.dma_semaphore, #tpu.memory_space<semaphore_mem>>)
      %dma_wait3A = arith.constant 0 : i32
      %dma_wait3A_84 = arith.constant 0 : i32
      %dma_wait3A_85 = tpu.memref_slice %arg10[%dma_wait3A, %dma_wait3A_84] : memref<125x128xf32, #tpu.memory_space<vmem>> -> memref<80x128xf32, #tpu.memory_space<vmem>>
      %dma_wait3A_86 = arith.constant 0 : i32
      %dma_wait3A_87 = tpu.memref_slice %arg7[%add3A_71, %dma_wait3A_86] : memref<10240x128xf32, #tpu.memory_space<vmem_shared>> -> memref<80x128xf32, #tpu.memory_space<vmem_shared>>
      %dma_wait3A_88 = arith.constant 0 : i32
      %dma_wait3A_89 = arith.constant 0 : i32
      %dma_wait3A_90 = tpu.memref_slice %arg10[%dma_wait3A_88, %dma_wait3A_89] : memref<125x128xf32, #tpu.memory_space<vmem>> -> memref<80x128xf32, #tpu.memory_space<vmem>>
      %dma_wait3A_91 = arith.constant 0 : i32
      %dma_wait3A_92 = tpu.memref_slice %arg7[%add3A_71, %dma_wait3A_91] : memref<10240x128xf32, #tpu.memory_space<vmem_shared>> -> memref<80x128xf32, #tpu.memory_space<vmem_shared>>
      tpu.wait_dma2 semaphore(%run_scoped3A : memref<!tpu.dma_semaphore, #tpu.memory_space<semaphore_mem>>) src(%dma_wait3A_92 : memref<80x128xf32, #tpu.memory_space<vmem_shared>>) dst(%dma_wait3A_90 : memref<80x128xf32, #tpu.memory_space<vmem>>)
      tpu.yield
    }) : () -> ()
    %add3A_72 = arith.constant 560 : i32
    %add3A_73 = arith.addi %mul3A_2, %add3A_72 : i32
    "tpu.region"() ({
      %run_scoped3A = tpu.sem_alloc : memref<!tpu.dma_semaphore, #tpu.memory_space<semaphore_mem>>
      %dma_start3A_74 = arith.constant 0 : i32
      %dma_start3A_75 = arith.constant 0 : i32
      %dma_start3A_76 = tpu.memref_slice %arg10[%dma_start3A_74, %dma_start3A_75] : memref<125x128xf32, #tpu.memory_space<vmem>> -> memref<80x128xf32, #tpu.memory_space<vmem>>
      %dma_start3A_77 = arith.constant 0 : i32
      %dma_start3A_78 = tpu.memref_slice %arg6[%arg0, %add3A_73, %dma_start3A_77] : memref<2x10240x128xf32, #tpu.memory_space<hbm>> -> memref<1x80x128xf32, #tpu.memory_space<hbm>>
      %dma_start3A_79 = tpu.memref_squeeze %dma_start3A_78 : memref<1x80x128xf32, #tpu.memory_space<hbm>> -> memref<80x128xf32, #tpu.memory_space<hbm>>
      %dma_start3A_80 = arith.constant 0 : i32
      %dma_start3A_81 = tpu.memref_slice %arg6[%arg0, %add3A_73, %dma_start3A_80] : memref<2x10240x128xf32, #tpu.memory_space<hbm>> -> memref<1x80x128xf32, #tpu.memory_space<hbm>>
      %dma_start3A_82 = tpu.memref_squeeze %dma_start3A_81 : memref<1x80x128xf32, #tpu.memory_space<hbm>> -> memref<80x128xf32, #tpu.memory_space<hbm>>
      %dma_start3A_83 = arith.constant 0 : i32
      %dma_start3A_84 = arith.constant 0 : i32
      %dma_start3A_85 = tpu.memref_slice %arg10[%dma_start3A_83, %dma_start3A_84] : memref<125x128xf32, #tpu.memory_space<vmem>> -> memref<80x128xf32, #tpu.memory_space<vmem>>
      tpu.enqueue_dma source(%dma_start3A_85 : memref<80x128xf32, #tpu.memory_space<vmem>>) target(%dma_start3A_82 : memref<80x128xf32, #tpu.memory_space<hbm>>) target_semaphore(%run_scoped3A : memref<!tpu.dma_semaphore, #tpu.memory_space<semaphore_mem>>)
      %dma_wait3A = arith.constant 0 : i32
      %dma_wait3A_86 = arith.constant 0 : i32
      %dma_wait3A_87 = tpu.memref_slice %arg10[%dma_wait3A, %dma_wait3A_86] : memref<125x128xf32, #tpu.memory_space<vmem>> -> memref<80x128xf32, #tpu.memory_space<vmem>>
      %dma_wait3A_88 = arith.constant 0 : i32
      %dma_wait3A_89 = tpu.memref_slice %arg6[%arg0, %add3A_73, %dma_wait3A_88] : memref<2x10240x128xf32, #tpu.memory_space<hbm>> -> memref<1x80x128xf32, #tpu.memory_space<hbm>>
      %dma_wait3A_90 = tpu.memref_squeeze %dma_wait3A_89 : memref<1x80x128xf32, #tpu.memory_space<hbm>> -> memref<80x128xf32, #tpu.memory_space<hbm>>
      %dma_wait3A_91 = arith.constant 0 : i32
      %dma_wait3A_92 = tpu.memref_slice %arg6[%arg0, %add3A_73, %dma_wait3A_91] : memref<2x10240x128xf32, #tpu.memory_space<hbm>> -> memref<1x80x128xf32, #tpu.memory_space<hbm>>
      %dma_wait3A_93 = tpu.memref_squeeze %dma_wait3A_92 : memref<1x80x128xf32, #tpu.memory_space<hbm>> -> memref<80x128xf32, #tpu.memory_space<hbm>>
      %dma_wait3A_94 = arith.constant 0 : i32
      %dma_wait3A_95 = arith.constant 0 : i32
      %dma_wait3A_96 = tpu.memref_slice %arg10[%dma_wait3A_94, %dma_wait3A_95] : memref<125x128xf32, #tpu.memory_space<vmem>> -> memref<80x128xf32, #tpu.memory_space<vmem>>
      tpu.wait_dma2 semaphore(%run_scoped3A : memref<!tpu.dma_semaphore, #tpu.memory_space<semaphore_mem>>) src(%dma_wait3A_96 : memref<80x128xf32, #tpu.memory_space<vmem>>) dst(%dma_wait3A_93 : memref<80x128xf32, #tpu.memory_space<hbm>>)
      tpu.yield
    }) : () -> ()
    return
  }
}

module attributes {stable_mosaic.version = 14 : i64} {
  func.func @_tc0_body(%arg0: memref<2x320000xi32, #tpu.memory_space<vmem>>, %arg1: memref<320000xi32, #tpu.memory_space<vmem>>, %arg2: memref<320000xi32, #tpu.memory_space<vmem>>) attributes {dimension_semantics = [], scalar_prefetch = 0 : i64, scratch_operands = 0 : i64, tpu.core_type = #tpu.core_type<tc>} {
    %get3A = arith.constant 0 : index
    %get3A_0 = arith.constant 0 : index
    %get3A_1 = vector.load %arg0[%get3A, %get3A_0] : memref<2x320000xi32, #tpu.memory_space<vmem>>, vector<2x320000xi32>
    %slice3A = vector.extract_strided_slice %get3A_1 {offsets = [0, 0], sizes = [1, 320000], strides = [1, 1]} : vector<2x320000xi32> to vector<1x320000xi32>
    %squeeze3A = vector.shape_cast %slice3A : vector<1x320000xi32> to vector<320000xi32>
    %swap3A = arith.constant 0 : index
    %swap3A_2 = vector.load %arg1[%swap3A] : memref<320000xi32, #tpu.memory_space<vmem>>, vector<320000xi32>
    tpu.vector_store %arg1[%swap3A], %squeeze3A {strides = array<i32>} : memref<320000xi32, #tpu.memory_space<vmem>>, vector<320000xi32>,
    %slice3A_3 = vector.extract_strided_slice %get3A_1 {offsets = [1, 0], sizes = [1, 320000], strides = [1, 1]} : vector<2x320000xi32> to vector<1x320000xi32>
    %squeeze3A_4 = vector.shape_cast %slice3A_3 : vector<1x320000xi32> to vector<320000xi32>
    %swap3A_5 = arith.constant 0 : index
    %swap3A_6 = vector.load %arg2[%swap3A_5] : memref<320000xi32, #tpu.memory_space<vmem>>, vector<320000xi32>
    tpu.vector_store %arg2[%swap3A_5], %squeeze3A_4 {strides = array<i32>} : memref<320000xi32, #tpu.memory_space<vmem>>, vector<320000xi32>,
    return
  }
}

module attributes {stable_mosaic.version = 14 : i64} {
  func.func @_tc1_body(%arg0: memref<10000x128xf32, #tpu.memory_space<vmem>>, %arg1: memref<128x128xf32, #tpu.memory_space<vmem>>, %arg2: memref<32x10000xf32, #tpu.memory_space<vmem>>, %arg3: memref<10000x128xf32, #tpu.memory_space<vmem>>) attributes {dimension_semantics = [], scalar_prefetch = 0 : i64, scratch_operands = 0 : i64, tpu.core_type = #tpu.core_type<tc>} {
    %get3A = arith.constant 0 : index
    %get3A_0 = arith.constant 0 : index
    %get3A_1 = vector.load %arg0[%get3A, %get3A_0] : memref<10000x128xf32, #tpu.memory_space<vmem>>, vector<10000x128xf32>
    %get3A_2 = arith.constant 0 : index
    %get3A_3 = arith.constant 0 : index
    %get3A_4 = vector.load %arg1[%get3A_2, %get3A_3] : memref<128x128xf32, #tpu.memory_space<vmem>>, vector<128x128xf32>
    %dot_general3A = arith.constant dense<0.000000e+00> : vector<10000x128xf32>
    %dot_general3A_5 = tpu.matmul %get3A_1, %get3A_4, %dot_general3A {dimension_numbers = #tpu.dot_dimension_numbers<[1], [0], [0], [1], [0, 0, 1, 1], [], []>, transpose_lhs_hint = false} : vector<10000x128xf32>, vector<128x128xf32>, vector<10000x128xf32> -> vector<10000x128xf32>
    %get3A_6 = arith.constant 0 : index
    %get3A_7 = arith.constant 0 : index
    %get3A_8 = vector.load %arg2[%get3A_6, %get3A_7] : memref<32x10000xf32, #tpu.memory_space<vmem>>, vector<32x10000xf32>
    %reduce_sum3A = arith.constant dense<0.000000e+00> : vector<10000xf32>
    %reduce_sum3A_9 = vector.multi_reduction <add>, %get3A_8, %reduce_sum3A [0] : vector<32x10000xf32> to vector<10000xf32>
    %broadcast_in_dim3A = vector.shape_cast %reduce_sum3A_9 : vector<10000xf32> to vector<10000x1xf32>
    %add3A = arith.constant 1.000000e+00 : f32
    %add3A_10 = vector.broadcast %add3A : f32 to vector<10000x1xf32>
    %add3A_11 = arith.addf %broadcast_in_dim3A, %add3A_10 : vector<10000x1xf32>
    %rsqrt3A = math.rsqrt %add3A_11 : vector<10000x1xf32>
    %mul3A = vector.broadcast %rsqrt3A : vector<10000x1xf32> to vector<10000x128xf32>
    %mul3A_12 = arith.mulf %dot_general3A_5, %mul3A : vector<10000x128xf32>
    %swap3A = arith.constant 0 : index
    %swap3A_13 = arith.constant 0 : index
    %swap3A_14 = vector.load %arg3[%swap3A, %swap3A_13] : memref<10000x128xf32, #tpu.memory_space<vmem>>, vector<10000x128xf32>
    tpu.vector_store %arg3[%swap3A, %swap3A_13], %mul3A_12 {strides = array<i32>} : memref<10000x128xf32, #tpu.memory_space<vmem>>, vector<10000x128xf32>,
    return
  }
}

module attributes {stable_mosaic.version = 14 : i64} {
  func.func @_tc2_body(%arg0: memref<2x10240x128xf32, #tpu.memory_space<vmem>>, %arg1: memref<10000x128xf32, #tpu.memory_space<vmem>>, %arg2: memref<32x10000xf32, #tpu.memory_space<vmem>>, %arg3: memref<1x128xf32, #tpu.memory_space<vmem>>, %arg4: memref<128x48xf32, #tpu.memory_space<vmem>>, %arg5: memref<10000x48xf32, #tpu.memory_space<vmem>>) attributes {dimension_semantics = [], scalar_prefetch = 0 : i64, scratch_operands = 0 : i64, tpu.core_type = #tpu.core_type<tc>} {
    %get3A = arith.constant 0 : index
    %get3A_0 = arith.constant 0 : index
    %get3A_1 = vector.load %arg2[%get3A, %get3A_0] : memref<32x10000xf32, #tpu.memory_space<vmem>>, vector<32x10000xf32>
    %reduce_sum3A = arith.constant dense<0.000000e+00> : vector<10000xf32>
    %reduce_sum3A_2 = vector.multi_reduction <add>, %get3A_1, %reduce_sum3A [0] : vector<32x10000xf32> to vector<10000xf32>
    %broadcast_in_dim3A = vector.shape_cast %reduce_sum3A_2 : vector<10000xf32> to vector<10000x1xf32>
    %add3A = arith.constant 1.000000e+00 : f32
    %add3A_3 = vector.broadcast %add3A : f32 to vector<10000x1xf32>
    %add3A_4 = arith.addf %broadcast_in_dim3A, %add3A_3 : vector<10000x1xf32>
    %rsqrt3A = math.rsqrt %add3A_4 : vector<10000x1xf32>
    %get3A_5 = arith.constant 0 : index
    %get3A_6 = arith.constant 0 : index
    %get3A_7 = arith.constant 0 : index
    %get3A_8 = vector.load %arg0[%get3A_5, %get3A_6, %get3A_7] : memref<2x10240x128xf32, #tpu.memory_space<vmem>>, vector<1x10000x128xf32>
    %get3A_9 = vector.shape_cast %get3A_8 : vector<1x10000x128xf32> to vector<10000x128xf32>
    %get3A_10 = arith.constant 1 : index
    %get3A_11 = arith.constant 0 : index
    %get3A_12 = arith.constant 0 : index
    %get3A_13 = vector.load %arg0[%get3A_10, %get3A_11, %get3A_12] : memref<2x10240x128xf32, #tpu.memory_space<vmem>>, vector<1x10000x128xf32>
    %get3A_14 = vector.shape_cast %get3A_13 : vector<1x10000x128xf32> to vector<10000x128xf32>
    %add3A_15 = arith.addf %get3A_9, %get3A_14 : vector<10000x128xf32>
    %get3A_16 = arith.constant 0 : index
    %get3A_17 = arith.constant 0 : index
    %get3A_18 = vector.load %arg1[%get3A_16, %get3A_17] : memref<10000x128xf32, #tpu.memory_space<vmem>>, vector<10000x128xf32>
    %add3A_19 = arith.addf %add3A_15, %get3A_18 : vector<10000x128xf32>
    %mul3A = vector.broadcast %rsqrt3A : vector<10000x1xf32> to vector<10000x128xf32>
    %mul3A_20 = arith.mulf %add3A_19, %mul3A : vector<10000x128xf32>
    %get3A_21 = arith.constant 0 : index
    %get3A_22 = arith.constant 0 : index
    %get3A_23 = vector.load %arg3[%get3A_21, %get3A_22] : memref<1x128xf32, #tpu.memory_space<vmem>>, vector<1x128xf32>
    %add3A_24 = vector.broadcast %get3A_23 : vector<1x128xf32> to vector<10000x128xf32>
    %add3A_25 = arith.addf %mul3A_20, %add3A_24 : vector<10000x128xf32>
    %max3A = arith.constant 0.000000e+00 : f32
    %max3A_26 = vector.broadcast %max3A : f32 to vector<10000x128xf32>
    %max3A_27 = arith.maximumf %add3A_25, %max3A_26 : vector<10000x128xf32>
    %get3A_28 = arith.constant 0 : index
    %get3A_29 = arith.constant 0 : index
    %get3A_30 = vector.load %arg4[%get3A_28, %get3A_29] : memref<128x48xf32, #tpu.memory_space<vmem>>, vector<128x48xf32>
    %dot_general3A = arith.constant dense<0.000000e+00> : vector<10000x48xf32>
    %dot_general3A_31 = tpu.matmul %max3A_27, %get3A_30, %dot_general3A {dimension_numbers = #tpu.dot_dimension_numbers<[1], [0], [0], [1], [0, 0, 1, 1], [], []>, transpose_lhs_hint = false} : vector<10000x128xf32>, vector<128x48xf32>, vector<10000x48xf32> -> vector<10000x48xf32>
    %mul3A_32 = vector.broadcast %rsqrt3A : vector<10000x1xf32> to vector<10000x48xf32>
    %mul3A_33 = arith.mulf %dot_general3A_31, %mul3A_32 : vector<10000x48xf32>
    %swap3A = arith.constant 0 : index
    %swap3A_34 = arith.constant 0 : index
    %swap3A_35 = vector.load %arg5[%swap3A, %swap3A_34] : memref<10000x48xf32, #tpu.memory_space<vmem>>, vector<10000x48xf32>
    tpu.vector_store %arg5[%swap3A, %swap3A_34], %mul3A_33 {strides = array<i32>} : memref<10000x48xf32, #tpu.memory_space<vmem>>, vector<10000x48xf32>,
    return
  }
}

module attributes {stable_mosaic.version = 14 : i64} {
  func.func @_tc3_body(%arg0: memref<2x10240x48xf32, #tpu.memory_space<vmem>>, %arg1: memref<10000x48xf32, #tpu.memory_space<vmem>>, %arg2: memref<32x10000xf32, #tpu.memory_space<vmem>>, %arg3: memref<1x40xf32, #tpu.memory_space<vmem>>, %arg4: memref<10000x40xf32, #tpu.memory_space<vmem>>) attributes {dimension_semantics = [], scalar_prefetch = 0 : i64, scratch_operands = 0 : i64, tpu.core_type = #tpu.core_type<tc>} {
    %get3A = arith.constant 0 : index
    %get3A_0 = arith.constant 0 : index
    %get3A_1 = arith.constant 0 : index
    %get3A_2 = vector.load %arg0[%get3A, %get3A_0, %get3A_1] : memref<2x10240x48xf32, #tpu.memory_space<vmem>>, vector<1x10000x48xf32>
    %get3A_3 = vector.shape_cast %get3A_2 : vector<1x10000x48xf32> to vector<10000x48xf32>
    %get3A_4 = arith.constant 1 : index
    %get3A_5 = arith.constant 0 : index
    %get3A_6 = arith.constant 0 : index
    %get3A_7 = vector.load %arg0[%get3A_4, %get3A_5, %get3A_6] : memref<2x10240x48xf32, #tpu.memory_space<vmem>>, vector<1x10000x48xf32>
    %get3A_8 = vector.shape_cast %get3A_7 : vector<1x10000x48xf32> to vector<10000x48xf32>
    %add3A = arith.addf %get3A_3, %get3A_8 : vector<10000x48xf32>
    %get3A_9 = arith.constant 0 : index
    %get3A_10 = arith.constant 0 : index
    %get3A_11 = vector.load %arg1[%get3A_9, %get3A_10] : memref<10000x48xf32, #tpu.memory_space<vmem>>, vector<10000x48xf32>
    %add3A_12 = arith.addf %add3A, %get3A_11 : vector<10000x48xf32>
    %get3A_13 = arith.constant 0 : index
    %get3A_14 = arith.constant 0 : index
    %get3A_15 = vector.load %arg2[%get3A_13, %get3A_14] : memref<32x10000xf32, #tpu.memory_space<vmem>>, vector<32x10000xf32>
    %reduce_sum3A = arith.constant dense<0.000000e+00> : vector<10000xf32>
    %reduce_sum3A_16 = vector.multi_reduction <add>, %get3A_15, %reduce_sum3A [0] : vector<32x10000xf32> to vector<10000xf32>
    %broadcast_in_dim3A = vector.shape_cast %reduce_sum3A_16 : vector<10000xf32> to vector<10000x1xf32>
    %add3A_17 = arith.constant 1.000000e+00 : f32
    %add3A_18 = vector.broadcast %add3A_17 : f32 to vector<10000x1xf32>
    %add3A_19 = arith.addf %broadcast_in_dim3A, %add3A_18 : vector<10000x1xf32>
    %rsqrt3A = math.rsqrt %add3A_19 : vector<10000x1xf32>
    %mul3A = vector.broadcast %rsqrt3A : vector<10000x1xf32> to vector<10000x48xf32>
    %mul3A_20 = arith.mulf %add3A_12, %mul3A : vector<10000x48xf32>
    %slice3A = vector.extract_strided_slice %mul3A_20 {offsets = [0, 0], sizes = [10000, 40], strides = [1, 1]} : vector<10000x48xf32> to vector<10000x40xf32>
    %get3A_21 = arith.constant 0 : index
    %get3A_22 = arith.constant 0 : index
    %get3A_23 = vector.load %arg3[%get3A_21, %get3A_22] : memref<1x40xf32, #tpu.memory_space<vmem>>, vector<1x40xf32>
    %add3A_24 = vector.broadcast %get3A_23 : vector<1x40xf32> to vector<10000x40xf32>
    %add3A_25 = arith.addf %slice3A, %add3A_24 : vector<10000x40xf32>
    %swap3A = arith.constant 0 : index
    %swap3A_26 = arith.constant 0 : index
    %swap3A_27 = vector.load %arg4[%swap3A, %swap3A_26] : memref<10000x40xf32, #tpu.memory_space<vmem>>, vector<10000x40xf32>
    tpu.vector_store %arg4[%swap3A, %swap3A_26], %add3A_25 {strides = array<i32>} : memref<10000x40xf32, #tpu.memory_space<vmem>>, vector<10000x40xf32>,
    return
  }
}

</mosaic_0001>

<sc_bundles>
// kernel: kernel.12.cloned.1.call-start
scs
__scs_entry_jumppad:
0x0: {  	(pc) =	sbr.rel $0x88, $3  }
0x1: {  	(tag) =	ssettag $0x0;
	lr =	simm.s32 $0x1  }
0x2: {  	[smem:$0x3F9B] =	sst lr;
	_ =	strace $0xD0000000  }
0x3: {  	_ = 	snop  }
0x4: {  	_ = 	snop  }
0x5: {  	_ = 	snop  }
0x6: {  	_ = 	snop  }
0x7: {  	_ = 	snop  }
__scs_overlays_trampoline_lowered:
0x8: {  	[smem:$0x3FAA] =	sst s0  }
0x9: {  	[smem:$0x3FAB] =	sst s1  }
0xa: {  	[smem:$0x3FAC] =	sst s2  }
0xb: {  	[smem:$0x3FAD] =	sst s3  }
0xc: {  	[smem:$0x3FAE] =	sst s4  }
0xd: {  	[smem:$0x3FAF] =	sst s5  }
0xe: {  	[smem:$0x3FB0] =	sst s6  }
0xf: {  	[smem:$0x3FB1] =	sst s7  }
0x10: {  	[smem:$0x3FB2] =	sst s8  }
0x11: {  	[smem:$0x3FB3] =	sst s9;
	s0 =	simm.s32 @!p0 $0x0  }
0x12: {  	s1 =	sld [smem:$0x3F99];
	s0 =	simm.s32 @p0 $0x1  }
0x13: {  	[smem:$0x3FB4] =	sst s0;
	s0 =	simm.s32 @!p1 $0x0  }
0x14: {  	s2 =	sld [smem:$0x3F98];
	s0 =	simm.s32 @p1 $0x1  }
0x15: {  	[smem:$0x3FB5] =	sst s0;
	s0 =	simm.s32 @!p2 $0x0  }
0x16: {  	s3 =	sld [smem:$0x3FDB];
	s0 =	simm.s32 @p2 $0x1  }
0x17: {  	s4 =	simm.s32 $0x1BF5;
	[smem:$0x3FB7] =	sst s0  }
0x18: {  	s0 =	sld [smem:$0x3F9A];
	_ =	swait.ge [sflag:s4], $0x0  }
0x19: {  	s7 =	sld [smem:$0x3F9B]  }
0x1a: {  	s8 =	sadd.s32 $0xFFFFE003, lr  }
0x1b: {  	s9 =	sadd.s32 $0xFFFFFEF7, lr;
	s5 =	simm.s32 $0xFFFFFFFF;
	p2 =	slt.u32 s8, $0xFFFFF086  }
0x1c: {  	p1 =	slt.u32 s9, $0xF7A;
	s5 =	simm.s32 @!p2 $0x0  }
0x1d: {  	s5 =	simm.s32 @p1 $0x1;
	p0 =	seq.s32 s7, s2  }
0x1e: {  	s7 =	smul.u32 @!p0 $0xF7A, s2;
	p2 =	seq.s32 @!p0 s5, $0x0  }
0x1f: {  	s9 =	smul.u32 $0xF7A, s1;
	s8 =	simm.s32 @!p0 $0x1BF5;
	p2 =	por !p2, p0  }
0x20: {  	[sflag:s8] =	ssyncset.s32 @!p0 $0xFFFFF086;
	s6 =	sadd.s32 @!p0 s3, s7;
	s7 =	simm.s32 @!p0 $0x108  }
0x21: {  	s3 =	sadd.s32 s3, s9;
	s6 =	sadd.s32 @!p0 $0x88, s6;
	s7 =	simm.s32 @p2 $0x1082  }
0x22: {  	[simem:s7], [sflag:s8] =	dma.local @!p0 [hbm:s6], $0xF7A  }
0x23: {  	s9 =	sor.u32 $0xD0000000, s2;
	s6 =	simm.s32 $0x108;
	_ =	swait.ge @!p0 [sflag:s8], $0x0  }
0x24: {  	s3 =	sadd.s32 $0x88, s3;
	s6 =	simm.s32 @!p1 $0x1082;
	[sflag:s4] =	ssyncset.s32 $0xFFFFF086  }
0x25: {  	[simem:s6], [sflag:s4] =	dma.local [hbm:s3], $0xF7A  }
0x26: {  	[smem:$0x3F9B] =	sst s1;
	(tag) =	ssettag s2;
	_ =	strace s9  }
0x27: {  	s1 =	sld [smem:$0x3FAB]  }
0x28: {  	s2 =	sld [smem:$0x3FAC]  }
0x29: {  	s4 =	sld [smem:$0x3FAE]  }
0x2a: {  	p0 =	seq.s32 s5, $0x0;
	s5 =	sld [smem:$0x3FAF]  }
0x2b: {  	s6 =	sld [smem:$0x3FB0]  }
0x2c: {  	s7 =	sld [smem:$0x3FB1]  }
0x2d: {  	s3 =	simm.s32 $0x108;
	s8 =	sld [smem:$0x3FB2]  }
0x2e: {  	s3 =	simm.s32 @!p0 $0x1082;
	s9 =	sld [smem:$0x3FB3]  }
0x2f: {  	lr =	sadd.s32 s0, s3;
	s0 =	sld [smem:$0x3FAA]  }
0x30: {  	s3 =	sld [smem:$0x3FAD]  }
0x31: {  	[smem:$0x3FB6] =	sst s10  }
0x32: {  	s10 =	sld [smem:$0x3FB4];
	_ =	sdelay $0x3  }
0x33: {  	p0 =	seq.s32 s10, $0x1;
	s10 =	sld [smem:$0x3FB6];
	_ =	sdelay $0x3  }
0x34: {  	[smem:$0x3FB6] =	sst s10  }
0x35: {  	s10 =	sld [smem:$0x3FB5];
	_ =	sdelay $0x3  }
0x36: {  	p1 =	seq.s32 s10, $0x1;
	s10 =	sld [smem:$0x3FB6];
	_ =	sdelay $0x3  }
0x37: {  	[smem:$0x3FB6] =	sst s10  }
0x38: {  	s10 =	sld [smem:$0x3FB7]  }
0x39: {  	_ = 	snop;
	(pc) =	sbr.ind lr, $3  }
0x3a: {  	_ = 	snop  }
0x3b: {  	_ = 	snop  }
0x3c: {  	p2 =	seq.s32 s10, $0x1;
	s10 =	sld [smem:$0x3FB6]  }
0x3d: {  	_ =	shalt  }
0x3e: {  	_ =	shalt  }
0x3f: {  	_ =	shalt  }
0x40: {  	_ =	shalt  }
0x41: {  	_ =	shalt  }
0x42: {  	_ =	shalt  }
0x43: {  	_ =	shalt  }
0x44: {  	_ =	shalt  }
0x45: {  	_ =	shalt  }
0x46: {  	_ =	shalt  }
0x47: {  	_ =	shalt  }
0x48: {  	_ =	shalt  }
0x49: {  	_ =	shalt  }
0x4a: {  	_ =	shalt  }
0x4b: {  	_ =	shalt  }
0x4c: {  	_ =	shalt  }
0x4d: {  	_ =	shalt  }
0x4e: {  	_ =	shalt  }
0x4f: {  	_ =	shalt  }
0x50: {  	_ =	shalt  }
0x51: {  	_ =	shalt  }
0x52: {  	_ =	shalt  }
0x53: {  	_ =	shalt  }
0x54: {  	_ =	shalt  }
0x55: {  	_ =	shalt  }
0x56: {  	_ =	shalt  }
0x57: {  	_ =	shalt  }
0x58: {  	_ =	shalt  }
0x59: {  	_ =	shalt  }
0x5a: {  	_ =	shalt  }
0x5b: {  	_ =	shalt  }
0x5c: {  	_ =	shalt  }
0x5d: {  	_ =	shalt  }
0x5e: {  	_ =	shalt  }
0x5f: {  	_ =	shalt  }
0x60: {  	_ =	shalt  }
0x61: {  	_ =	shalt  }
0x62: {  	_ =	shalt  }
0x63: {  	_ =	shalt  }
0x64: {  	_ =	shalt  }
0x65: {  	_ =	shalt  }
0x66: {  	_ =	shalt  }
0x67: {  	_ =	shalt  }
0x68: {  	_ =	shalt  }
0x69: {  	_ =	shalt  }
0x6a: {  	_ =	shalt  }
0x6b: {  	_ =	shalt  }
0x6c: {  	_ =	shalt  }
0x6d: {  	_ =	shalt  }
0x6e: {  	_ =	shalt  }
0x6f: {  	_ =	shalt  }
0x70: {  	_ =	shalt  }
0x71: {  	_ =	shalt  }
0x72: {  	_ =	shalt  }
0x73: {  	_ =	shalt  }
0x74: {  	_ =	shalt  }
0x75: {  	_ =	shalt  }
0x76: {  	_ =	shalt  }
0x77: {  	_ =	shalt  }
0x78: {  	_ =	shalt  }
0x79: {  	_ =	shalt  }
0x7a: {  	_ =	shalt  }
0x7b: {  	_ =	shalt  }
0x7c: {  	_ =	shalt  }
0x7d: {  	_ =	shalt  }
0x7e: {  	_ =	shalt  }
0x7f: {  	_ =	shalt  }
0x80: {  	_ =	shalt  }
0x81: {  	_ =	shalt  }
0x82: {  	_ =	shalt  }
0x83: {  	_ =	shalt  }
0x84: {  	_ =	shalt  }
0x85: {  	_ =	shalt  }
0x86: {  	_ =	shalt  }
0x87: {  	_ =	shalt  }
.Lfunc_end0:
.L_simem_size_0:
called_computation.1_lowered:
.L_overlay_start_0:
0x88: {  	s2 =	sld [smem:$0x3FD9]  }
0x89: {  	s3 =	sld [smem:$0x3FFE];
	_ =	sdelay $0x1  }
0x8a: {  	s1 =	srdreg.scid  }
0x8b: {  	s0 =	sand.u32 $0x1, s1  }
0x8c: {  	s17 =	sshll.u32 s0, $0xA;
	s2 =	sadd.s32 s3, s2  }
0x8d: {  	s2 =	sadd.s32 s2, s17  }
0x8e: {  	[smem:$0x3FC2] =	sst s2  }
0x8f: {  	_ = 	snop  }
0x90: {  	s2 =	sld [smem:$0x3FD0];
	(tm) =	ssettm $0x1  }
0x91: {  	s18 =	sld [smem:$0x3FFB];
	_ =	sdelay $0x3  }
0x92: {  	_ =	strace s18  }
0x93: {  	s3 =	sld [smem:$0x3FFC];
	_ =	sdelay $0x3  }
0x94: {  	_ =	strace s3  }
0x95: {  	s3 =	sld [smem:$0x3FFD];
	_ =	sdelay $0x3  }
0x96: {  	_ =	strace s3  }
0x97: {  	_ =	strace $0x8FFFFFFF  }
0x98: {  	s19 =	sld [smem:$0x3FDB];
	_ =	sdelay $0x1  }
0x99: {  	s4 =	simm.s32 $_scs_section_size  }
0x9a: {  	s5 =	simm.s32 $_size__tile_overlayer_lowered;
	s6 =	simm.s32 $_tile_overlayer_lowered  }
0x9b: {  	s22 =	simm.s32 $0x1BFF;
	s21 =	sshll.u32 s6, $0x1;
	s3 =	sadd.s32 s4, s19  }
0x9c: {  	s7 =	simm.s32 $0x0;
	s20 =	sshll.u32 s5, $0x1;
	s5 =	sadd.s32 s21, s3  }
0x9d: {  	[timem:s7], [sflag:s22] =	dma.local [hbm:s5], s20  }
0x9e: {  	_ =	swait.ge [sflag:s22], s20  }
0x9f: {  	s4 =	ssub.s32 $0x0, s20;
	[sflag:s22] =	ssyncset.done $0x0  }
0xa0: {  	[sflag:s22] =	ssyncadd.s32 s4;
	_ =	sdelay $0x1  }
0xa1: {  	s23 =	simm.s32 $0x1B8B  }
0xa2: {  	_ =	swait.ge [sflag:s23], $0x1  }
0xa3: {  	[sflag:s23] =	ssyncset.done $0x0  }
0xa4: {  	s25 =	simm.s32 $0x1B8E;
	s24 =	sld [smem:$0x3FFE];
	[sflag:s23] =	ssyncadd.s32 $0xFFFFFFFF  }
0xa5: {  	s26 =	simm.s32 $execute0_lowered;
	[smem:$0x3FD2] =	sst s25  }
0xa6: {  	s5 =	sshll.u32 s26, $0x1;
	_ =	strace $0x80000049;
	[dreg:$0x1] =	wrdreg $0xFFFFFFFF  }
0xa7: {  	s28 =	simm.s32 $_size_execute0_lowered;
	s3 =	sadd.s32 s3, s5;
	[dreg:$0x0] =	wrdreg $0x0  }
0xa8: {  	s5 =	sshll.u32 s28, $0x1;
	[dreg:$0x2] =	wrdreg s3  }
0xa9: {  	[dreg:$0x3] =	wrdreg s5  }
0xaa: {  	[dreg:$0x4] =	wrdreg $0xC0  }
0xab: {  	_ =	task [dreg:s7], $0x5FFFF  }
0xac: {  	[dreg:$0x1] =	wrdreg $0xFFFFFFFF  }
0xad: {  	[dreg:$0x0] =	wrdreg $0x60  }
0xae: {  	[dreg:$0x2] =	wrdreg s24  }
0xaf: {  	[dreg:$0x3] =	wrdreg s2  }
0xb0: {  	[dreg:$0x4] =	wrdreg $0x0  }
0xb1: {  	[dreg:$0x5] =	wrdreg $0x9  }
0xb2: {  	_ =	task.clear_ibuf [dreg:s7], $0x6FFFF;
	_ =	strace $0x90000049  }
0xb3: {  	s29 =	simm.s32 $0x9;
	_ =	strace $0x8000004B  }
0xb4: {  	_ =	swait.ge [sflag:s29], $0x1  }
0xb5: {  	[sflag:s29] =	ssyncadd.s32 $0xFFFFFFFF  }
0xb6: {  	_ =	strace $0x9000004B  }
0xb7: {  	_ =	sfence  }
0xb8: {  	s30 =	sld [smem:$0x0];
	_ =	sdelay $0x2  }
0xb9: {  	s31 =	sshll.u32 s1, $0xD;
	s1 =	sshrl.u32 s1, $0x2  }
0xba: {  	s3 =	sand.u32 $0x4000, s31;
	s1 =	sadd.s32 s1, s30  }
0xbb: {  	s0 =	sor.u32 s3, s0;
	s1 =	sshll.u32 s1, $0x11  }
0xbc: {  	s0 =	sor.u32 s1, s0  }
0xbd: {  	s0 =	sadd.s32 $0x8F2B, s0  }
0xbe: {  	[sflag:s0] =	ssyncadd.remote.s32 $0x1  }
0xbf: {  	_ =	sfence.sel $0xFFFF  }
0xc0: {  	[dreg:$0x0] =	wrdreg $0xFFFFFFFF;
	(pc) =	sbr.abs _section_cstart, $3  }
0xc1: {  	[dreg:$0x1] =	wrdreg $0xFFFFFFFF  }
0xc2: {  	_ =	task.clear_ibuf [dreg:s7], $0x2FFFF;
	_ =	strace $0x9FFFFFFF  }
0xc3: {  	(tm) =	ssettm $0x7FFFFFFF  }
tec
execute0_lowered:
.L_overlay_start_1:
0x0: {  	(tag) =	ssettag $0x1  }
0x1: {  	s0 =	rddreg [dreg:$0x0]  }
0x2: {  	s1 =	rddreg [dreg:$0x1]  }
0x3: {  	s2 =	rddreg [dreg:$0x2]  }
0x4: {  	s3 =	srdreg.scid;
	s10 =	stileid.u32;
	s28 =	simm.s32 $0x16800  }
0x5: {  	s29 =	simm.s32 $0x3;
	s30 =	simm.s32 $0x14000;
	s31 =	simm.s32 $0x15400  }
0x6: {  	s4 =	sadd.s32 $0x17200, s0;
	s3 =	sand.u32 $0x1, s3;
	s7 =	smul.u32 $0x14000, s10  }
0x7: {  	s8 =	sadd.s32 $0x48400, s0;
	s5 =	ssub.s32 $0x2, s3;
	s6 =	sshll.u32 s3, $0x4  }
0x8: {  	s3 =	smul.u32 $0x140000, s3;
	s9 =	sshrl.u32 s5, $0x1;
	s6 =	sor.u32 s10, s6  }
0x9: {  	s10 =	sadd.s32 $0x5000, s7;
	s21 =	sadd.s32 $0x7800, s7;
	s22 =	sadd.s32 $0xA000, s7  }
0xa: {  	s23 =	sadd.s32 $0xC800, s7;
	s24 =	sadd.s32 $0xF000, s7;
	s25 =	sadd.s32 $0x11800, s7  }
0xb: {  	s5 =	ssub.s32 s5, s9;
	s9 =	sor.u32 $0x2800, s7;
	s6 =	smul.u32 $0x2800, s6  }
0xc: {  	s13 =	sadd.s32 s3, s10;
	s16 =	sadd.s32 s3, s21;
	s17 =	sadd.s32 s3, s22  }
0xd: {  	s18 =	sadd.s32 s3, s23;
	s26 =	sadd.s32 s3, s24;
	s21 =	sadd.s32 s21, s2  }
0xe: {  	s22 =	sadd.s32 s22, s2;
	s23 =	sadd.s32 s23, s2;
	s24 =	sadd.s32 s24, s2  }
0xf: {  	s15 =	sshrl.u32 s13, $0x3;
	s13 =	simm.s32 $0x0;
	s6 =	sshrl.u32 s6, $0x3  }
0x10: {  	s20 =	sshrl.u32 s18, $0x3;
	[smem:$0x7FF] =	sst s13;
	s12 =	sadd.s32 s1, s6  }
0x11: {  	s11 =	sadd.s32 $0x280, s6;
	s6 =	sadd.s32 s4, s6;
	[dreg:$0x4] =	wrdreg s12  }
0x12: {  	s18 =	sadd.s32 s7, s2;
	[dreg:$0x5] =	wrdreg s6;
	s1 =	sadd.s32 s1, s11  }
0x13: {  	s6 =	sadd.s32 s4, s11;
	s11 =	sadd.s32 s7, s3;
	s12 =	sadd.s32 s3, s9  }
0x14: {  	s3 =	sadd.s32 s3, s25;
	s25 =	sadd.s32 s25, s2;
	[dreg:$0x6] =	wrdreg s1  }
0x15: {  	s7 =	simm.s32 $0x16780;
	[dreg:$0x7] =	wrdreg s6;
	s1 =	sshrl.u32 s11, $0x3  }
0x16: {  	s4 =	sshrl.u32 s12, $0x3;
	s3 =	sshrl.u32 s3, $0x3;
	s1 =	sadd.s32 s8, s1  }
0x17: {  	s6 =	simm.s32 $0x16700;
	s14 =	sadd.s32 s8, s4;
	[dreg:$0x8] =	wrdreg s1  }
0x18: {  	s4 =	sshrl.u32 s17, $0x3;
	s17 =	sadd.s32 $0x3000, s0;
	[dreg:$0x9] =	wrdreg s14  }
0x19: {  	s1 =	sadd.s32 s8, s15;
	s19 =	sadd.s32 s8, s4;
	s15 =	sadd.s32 s8, s3  }
0x1a: {  	s3 =	simm.s32 $0x1;
	[dreg:$0xa] =	wrdreg s1;
	s1 =	sshrl.u32 s16, $0x3  }
0x1b: {  	s4 =	simm.s32 $0x2;
	[dreg:$0xc] =	wrdreg s19;
	s1 =	sadd.s32 s8, s1  }
0x1c: {  	s16 =	sadd.s32 $0x21200, s0;
	[dreg:$0xb] =	wrdreg s1;
	s1 =	sadd.s32 s8, s20  }
0x1d: {  	s19 =	sadd.s32 s9, s2;
	[dreg:$0xd] =	wrdreg s1;
	s1 =	sshrl.u32 s26, $0x3  }
0x1e: {  	s0 =	simm.s32 $0x7D;
	s20 =	sadd.s32 s10, s2;
	s1 =	sadd.s32 s8, s1  }
0x1f: {  	s26 =	smax.u32 s5, $0x1;
	s5 =	simm.s32 $0x15380;
	[dreg:$0xe] =	wrdreg s1  }
0x20: {  	s8 =	simm.s32 $0x0;
	s1 =	simm.s32 $0x1A680;
	_ =	strace $0x8000004A  }
.LBB2_1:
0x21: {  	[tilespmem:s28], [sflag:$0x3] =	stream.linear.gather [hbm4b:s17+s13], $0x3E80, $0x38;
	[tilespmem:$0x1E500] =	vst v63  }
0x22: {  	_ =	swait.ge [sflag:s29], $0x3E80  }
0x23: {  	[sflag:s29] =	ssyncset.done $0x0  }
0x24: {  	[sflag:s29] =	ssyncadd.s32 $0xFFFFC180  }
0x25: {  	[spmem:s18] =	stream.linear.scatter [tilespmem:s28], [sflag:$0x3], $0x2800, $0x38;
	[tilespmem:$0x1E500] =	vst v63  }
0x26: {  	_ =	swait.ge [sflag:s29], $0x2800  }
0x27: {  	[sflag:s29] =	ssyncset.done $0x0  }
0x28: {  	[sflag:s29] =	ssyncadd.s32 $0xFFFFD800  }
0x29: {  	[spmem:s19] =	stream.linear.scatter [tilespmem:s28], [sflag:$0x3], $0x2800, $0x38;
	[tilespmem:$0x1E500] =	vst v63  }
0x2a: {  	_ =	swait.ge [sflag:s29], $0x2800  }
0x2b: {  	[sflag:s29] =	ssyncset.done $0x0  }
0x2c: {  	[sflag:s29] =	ssyncadd.s32 $0xFFFFD800  }
0x2d: {  	[spmem:s20] =	stream.linear.scatter [tilespmem:s28], [sflag:$0x3], $0x2800, $0x38;
	[tilespmem:$0x1E500] =	vst v63  }
0x2e: {  	_ =	swait.ge [sflag:s29], $0x2800  }
0x2f: {  	[sflag:s29] =	ssyncset.done $0x0  }
0x30: {  	[sflag:s29] =	ssyncadd.s32 $0xFFFFD800  }
0x31: {  	[spmem:s21] =	stream.linear.scatter [tilespmem:s28], [sflag:$0x3], $0x2800, $0x38;
	[tilespmem:$0x1E500] =	vst v63  }
0x32: {  	_ =	swait.ge [sflag:s29], $0x2800  }
0x33: {  	[sflag:s29] =	ssyncset.done $0x0  }
0x34: {  	[sflag:s29] =	ssyncadd.s32 $0xFFFFD800  }
0x35: {  	[spmem:s22] =	stream.linear.scatter [tilespmem:s28], [sflag:$0x3], $0x2800, $0x38;
	[tilespmem:$0x1E500] =	vst v63  }
0x36: {  	_ =	swait.ge [sflag:s29], $0x2800  }
0x37: {  	[sflag:s29] =	ssyncset.done $0x0  }
0x38: {  	[sflag:s29] =	ssyncadd.s32 $0xFFFFD800  }
0x39: {  	[spmem:s23] =	stream.linear.scatter [tilespmem:s28], [sflag:$0x3], $0x2800, $0x38;
	[tilespmem:$0x1E500] =	vst v63  }
0x3a: {  	_ =	swait.ge [sflag:s29], $0x2800  }
0x3b: {  	[sflag:s29] =	ssyncset.done $0x0  }
0x3c: {  	[sflag:s29] =	ssyncadd.s32 $0xFFFFD800  }
0x3d: {  	[spmem:s24] =	stream.linear.scatter [tilespmem:s28], [sflag:$0x3], $0x2800, $0x38;
	[tilespmem:$0x1E500] =	vst v63  }
0x3e: {  	_ =	swait.ge [sflag:s29], $0x2800  }
0x3f: {  	[sflag:s29] =	ssyncset.done $0x0  }
0x40: {  	[sflag:s29] =	ssyncadd.s32 $0xFFFFD800  }
0x41: {  	[spmem:s25] =	stream.linear.scatter [tilespmem:s28], [sflag:$0x3], $0x2800, $0x38;
	[tilespmem:$0x1E500] =	vst v63  }
0x42: {  	_ =	swait.ge [sflag:s29], $0x2800  }
0x43: {  	[sflag:s29] =	ssyncset.done $0x0  }
0x44: {  	[sflag:s29] =	ssyncadd.s32 $0xFFFFD800  }
0x45: {  	[bflag:$0x0] =	sbarrier.arrive $0xFFFF  }
0x46: {  	s9 =	rddreg [dreg:$0x4]  }
0x47: {  	[tilespmem:s30], [sflag:$0x3] =	stream.linear.gather [hbm4b:s9+s13], $0x1400, $0x38;
	[tilespmem:$0x1E500] =	vst v63  }
0x48: {  	_ =	swait.ge [sflag:s29], $0x1400  }
0x49: {  	[sflag:s29] =	ssyncset.done $0x0  }
0x4a: {  	s14 =	rddreg [dreg:$0x5];
	[sflag:s29] =	ssyncadd.s32 $0xFFFFEC00  }
0x4b: {  	[tilespmem:s31], [sflag:$0x3] =	stream.linear.gather [hbm4b:s14+s13], $0x1400, $0x38;
	[tilespmem:$0x1E500] =	vst v63  }
0x4c: {  	_ =	swait.ge [sflag:s29], $0x1400  }
0x4d: {  	[sflag:s29] =	ssyncset.done $0x0  }
0x4e: {  	[sflag:s29] =	ssyncadd.s32 $0xFFFFEC00  }
0x4f: {  	[tilespmem:s28], [sflag:$0x1] =	stream.indirect.gather [hbm4b:s16+s0], $0x80, s30, s0, $0xb8;
	[tilespmem:$0x1E500] =	vst v63  }
0x50: {  	s10 =	simm.s32 $0x14080  }
0x51: {  	[tilespmem:s1], [sflag:$0x2] =	stream.indirect.gather [hbm4b:s16+s0], $0x80, s10, s0, $0xb8;
	[tilespmem:$0x1E500] =	vst v63  }
0x52: {  	_ =	swait.ge [sflag:s3], $0x3E80  }
0x53: {  	[sflag:s3] =	ssyncset.done $0x0  }
0x54: {  	s11 =	simm.s32 $0x15400;
	[sflag:s3] =	ssyncadd.s32 $0xFFFFC180  }
0x55: {  	[spmem:s2] =	stream.indirect.scatter.add.f32 [tilespmem:s28], [sflag:$0x3], $0x80, s11, s0, $0xb8;
	[tilespmem:$0x1E500] =	vst v63  }
0x56: {  	_ =	swait.ge [sflag:s29], $0x3E80  }
0x57: {  	[sflag:s29] =	ssyncset.done $0x0  }
0x58: {  	s12 =	simm.s32 $0x14100;
	[sflag:s29] =	ssyncadd.s32 $0xFFFFC180  }
0x59: {  	[tilespmem:s28], [sflag:$0x1] =	stream.indirect.gather [hbm4b:s16+s0], $0x80, s12, s0, $0xb8;
	[tilespmem:$0x1E500] =	vst v63  }
0x5a: {  	_ =	swait.ge [sflag:s4], $0x3E80  }
0x5b: {  	[sflag:s4] =	ssyncset.done $0x0  }
0x5c: {  	s14 =	simm.s32 $0x15480;
	[sflag:s4] =	ssyncadd.s32 $0xFFFFC180  }
0x5d: {  	[spmem:s2] =	stream.indirect.scatter.add.f32 [tilespmem:s1], [sflag:$0x3], $0x80, s14, s0, $0xb8;
	[tilespmem:$0x1E500] =	vst v63  }
0x5e: {  	_ =	swait.ge [sflag:s29], $0x3E80  }
0x5f: {  	s9 =	simm.s32 $0x100;
	s10 =	simm.s32 $0x800;
	[sflag:s29] =	ssyncset.done $0x0  }
.LBB2_2:
0x60: {  	s11 =	sadd.s32 $0x14080, s9  }
0x61: {  	[sflag:s29] =	ssyncadd.s32 $0xFFFFC180;
	s12 =	smov.u32 s10;
	s14 =	sadd.s32 $0x400, s10  }
0x62: {  	[tilespmem:s1], [sflag:$0x2] =	stream.indirect.gather [hbm4b:s16+s0], $0x80, s11, s0, $0xb8;
	[tilespmem:$0x1E500] =	vst v63  }
0x63: {  	p0 =	sne.s32 s10, $0x4800;
	_ =	swait.ge [sflag:s3], $0x3E80  }
0x64: {  	[sflag:s3] =	ssyncset.done $0x0  }
0x65: {  	s10 =	sadd.s32 $0x15400, s9;
	[sflag:s3] =	ssyncadd.s32 $0xFFFFC180  }
0x66: {  	[spmem:s2] =	stream.indirect.scatter.add.f32 [tilespmem:s28], [sflag:$0x3], $0x80, s10, s0, $0xb8;
	[tilespmem:$0x1E500] =	vst v63  }
0x67: {  	_ =	swait.ge [sflag:s29], $0x3E80  }
0x68: {  	[sflag:s29] =	ssyncset.done $0x0  }
0x69: {  	s10 =	sadd.s32 $0x14100, s9;
	[sflag:s29] =	ssyncadd.s32 $0xFFFFC180  }
0x6a: {  	[tilespmem:s28], [sflag:$0x1] =	stream.indirect.gather [hbm4b:s16+s0], $0x80, s10, s0, $0xb8;
	[tilespmem:$0x1E500] =	vst v63  }
0x6b: {  	_ =	swait.ge [sflag:s4], $0x3E80  }
.Ltmp0:
0x6c: {  	[sflag:s4] =	ssyncset.done $0x0;
	(pc) =	sbr.rel @p0 .LBB2_2-.Ltmp0, $4  }
0x6d: {  	s9 =	sadd.s32 $0x15480, s9;
	[sflag:s4] =	ssyncadd.s32 $0xFFFFC180  }
0x6e: {  	[spmem:s2] =	stream.indirect.scatter.add.f32 [tilespmem:s1], [sflag:$0x3], $0x80, s9, s0, $0xb8;
	[tilespmem:$0x1E500] =	vst v63  }
0x6f: {  	_ =	swait.ge [sflag:s29], $0x3E80  }
0x70: {  	s10 =	smov.u32 s14;
	s9 =	sshra.s32 s12, $0x2;
	[sflag:s29] =	ssyncset.done $0x0  }
0x71: {  	s10 =	sadd.s32 $0x14080, s9;
	[sflag:s29] =	ssyncadd.s32 $0xFFFFC180  }
0x72: {  	[tilespmem:s1], [sflag:$0x2] =	stream.indirect.gather [hbm4b:s16+s0], $0x80, s10, s0, $0xb8;
	[tilespmem:$0x1E500] =	vst v63  }
0x73: {  	_ =	swait.ge [sflag:s3], $0x3E80  }
0x74: {  	[sflag:s3] =	ssyncset.done $0x0  }
0x75: {  	s12 =	sadd.s32 $0x15400, s9;
	[sflag:s3] =	ssyncadd.s32 $0xFFFFC180  }
0x76: {  	[spmem:s2] =	stream.indirect.scatter.add.f32 [tilespmem:s28], [sflag:$0x3], $0x80, s12, s0, $0xb8;
	[tilespmem:$0x1E500] =	vst v63  }
0x77: {  	_ =	swait.ge [sflag:s29], $0x3E80  }
0x78: {  	[sflag:s29] =	ssyncset.done $0x0  }
0x79: {  	s14 =	sadd.s32 $0x14100, s9;
	[sflag:s29] =	ssyncadd.s32 $0xFFFFC180  }
0x7a: {  	[tilespmem:s28], [sflag:$0x1] =	stream.indirect.gather [hbm4b:s16+s0], $0x80, s14, s0, $0xb8;
	[tilespmem:$0x1E500] =	vst v63  }
0x7b: {  	_ =	swait.ge [sflag:s4], $0x3E80  }
0x7c: {  	[sflag:s4] =	ssyncset.done $0x0  }
0x7d: {  	s10 =	sadd.s32 $0x15480, s9;
	[sflag:s4] =	ssyncadd.s32 $0xFFFFC180  }
0x7e: {  	[spmem:s2] =	stream.indirect.scatter.add.f32 [tilespmem:s1], [sflag:$0x3], $0x80, s10, s0, $0xb8;
	[tilespmem:$0x1E500] =	vst v63  }
0x7f: {  	_ =	swait.ge [sflag:s29], $0x3E80  }
0x80: {  	[sflag:s29] =	ssyncset.done $0x0  }
0x81: {  	[sflag:s29] =	ssyncadd.s32 $0xFFFFC180  }
0x82: {  	[tilespmem:s1], [sflag:$0x2] =	stream.indirect.gather [hbm4b:s16+s0], $0x80, s5, s0, $0xb8;
	[tilespmem:$0x1E500] =	vst v63  }
0x83: {  	_ =	swait.ge [sflag:s3], $0x3E80  }
0x84: {  	[sflag:s3] =	ssyncset.done $0x0  }
0x85: {  	[sflag:s3] =	ssyncadd.s32 $0xFFFFC180  }
0x86: {  	[spmem:s2] =	stream.indirect.scatter.add.f32 [tilespmem:s28], [sflag:$0x3], $0x80, s6, s0, $0xb8;
	[tilespmem:$0x1E500] =	vst v63  }
0x87: {  	_ =	swait.ge [sflag:s29], $0x3E80  }
0x88: {  	[sflag:s29] =	ssyncset.done $0x0  }
0x89: {  	[sflag:s29] =	ssyncadd.s32 $0xFFFFC180  }
0x8a: {  	_ =	swait.ge [sflag:s4], $0x3E80  }
0x8b: {  	[sflag:s4] =	ssyncset.done $0x0  }
0x8c: {  	[sflag:s4] =	ssyncadd.s32 $0xFFFFC180  }
0x8d: {  	[spmem:s2] =	stream.indirect.scatter.add.f32 [tilespmem:s1], [sflag:$0x3], $0x80, s7, s0, $0xb8;
	[tilespmem:$0x1E500] =	vst v63  }
0x8e: {  	_ =	swait.ge [sflag:s29], $0x3E80  }
0x8f: {  	[sflag:s29] =	ssyncset.done $0x0  }
0x90: {  	s11 =	simm.s32 $0x0;
	s12 =	rddreg [dreg:$0x6];
	[sflag:s29] =	ssyncadd.s32 $0xFFFFC180  }
0x91: {  	[tilespmem:s30], [sflag:$0x3] =	stream.linear.gather [hbm4b:s12+s11], $0x1400, $0x38;
	[tilespmem:$0x1E500] =	vst v63  }
0x92: {  	_ =	swait.ge [sflag:s29], $0x1400  }
0x93: {  	[sflag:s29] =	ssyncset.done $0x0  }
0x94: {  	s14 =	rddreg [dreg:$0x7];
	[sflag:s29] =	ssyncadd.s32 $0xFFFFEC00  }
0x95: {  	[tilespmem:s31], [sflag:$0x3] =	stream.linear.gather [hbm4b:s14+s11], $0x1400, $0x38;
	[tilespmem:$0x1E500] =	vst v63  }
0x96: {  	_ =	swait.ge [sflag:s29], $0x1400  }
0x97: {  	[sflag:s29] =	ssyncset.done $0x0  }
0x98: {  	[sflag:s29] =	ssyncadd.s32 $0xFFFFEC00  }
0x99: {  	[tilespmem:s28], [sflag:$0x1] =	stream.indirect.gather [hbm4b:s16+s0], $0x80, s30, s0, $0xb8;
	[tilespmem:$0x1E500] =	vst v63  }
0x9a: {  	s10 =	simm.s32 $0x14080  }
0x9b: {  	[tilespmem:s1], [sflag:$0x2] =	stream.indirect.gather [hbm4b:s16+s0], $0x80, s10, s0, $0xb8;
	[tilespmem:$0x1E500] =	vst v63  }
0x9c: {  	_ =	swait.ge [sflag:s3], $0x3E80  }
0x9d: {  	[sflag:s3] =	ssyncset.done $0x0  }
0x9e: {  	s11 =	simm.s32 $0x15400;
	[sflag:s3] =	ssyncadd.s32 $0xFFFFC180  }
0x9f: {  	[spmem:s2] =	stream.indirect.scatter.add.f32 [tilespmem:s28], [sflag:$0x3], $0x80, s11, s0, $0xb8;
	[tilespmem:$0x1E500] =	vst v63  }
0xa0: {  	_ =	swait.ge [sflag:s29], $0x3E80  }
0xa1: {  	[sflag:s29] =	ssyncset.done $0x0  }
0xa2: {  	s12 =	simm.s32 $0x14100;
	[sflag:s29] =	ssyncadd.s32 $0xFFFFC180  }
0xa3: {  	[tilespmem:s28], [sflag:$0x1] =	stream.indirect.gather [hbm4b:s16+s0], $0x80, s12, s0, $0xb8;
	[tilespmem:$0x1E500] =	vst v63  }
0xa4: {  	_ =	swait.ge [sflag:s4], $0x3E80  }
0xa5: {  	[sflag:s4] =	ssyncset.done $0x0  }
0xa6: {  	s14 =	simm.s32 $0x15480;
	[sflag:s4] =	ssyncadd.s32 $0xFFFFC180  }
0xa7: {  	[spmem:s2] =	stream.indirect.scatter.add.f32 [tilespmem:s1], [sflag:$0x3], $0x80, s14, s0, $0xb8;
	[tilespmem:$0x1E500] =	vst v63  }
0xa8: {  	_ =	swait.ge [sflag:s29], $0x3E80  }
0xa9: {  	s9 =	simm.s32 $0x100;
	s10 =	simm.s32 $0x800;
	[sflag:s29] =	ssyncset.done $0x0  }
.LBB2_4:
0xaa: {  	s11 =	sadd.s32 $0x14080, s9  }
0xab: {  	[sflag:s29] =	ssyncadd.s32 $0xFFFFC180;
	s12 =	smov.u32 s10;
	s14 =	sadd.s32 $0x400, s10  }
0xac: {  	[tilespmem:s1], [sflag:$0x2] =	stream.indirect.gather [hbm4b:s16+s0], $0x80, s11, s0, $0xb8;
	[tilespmem:$0x1E500] =	vst v63  }
0xad: {  	p0 =	sne.s32 s10, $0x4800;
	_ =	swait.ge [sflag:s3], $0x3E80  }
0xae: {  	[sflag:s3] =	ssyncset.done $0x0  }
0xaf: {  	s10 =	sadd.s32 $0x15400, s9;
	[sflag:s3] =	ssyncadd.s32 $0xFFFFC180  }
0xb0: {  	[spmem:s2] =	stream.indirect.scatter.add.f32 [tilespmem:s28], [sflag:$0x3], $0x80, s10, s0, $0xb8;
	[tilespmem:$0x1E500] =	vst v63  }
0xb1: {  	_ =	swait.ge [sflag:s29], $0x3E80  }
0xb2: {  	[sflag:s29] =	ssyncset.done $0x0  }
0xb3: {  	s10 =	sadd.s32 $0x14100, s9;
	[sflag:s29] =	ssyncadd.s32 $0xFFFFC180  }
0xb4: {  	[tilespmem:s28], [sflag:$0x1] =	stream.indirect.gather [hbm4b:s16+s0], $0x80, s10, s0, $0xb8;
	[tilespmem:$0x1E500] =	vst v63  }
0xb5: {  	_ =	swait.ge [sflag:s4], $0x3E80  }
.Ltmp1:
0xb6: {  	[sflag:s4] =	ssyncset.done $0x0;
	(pc) =	sbr.rel @p0 .LBB2_4-.Ltmp1, $4  }
0xb7: {  	s9 =	sadd.s32 $0x15480, s9;
	[sflag:s4] =	ssyncadd.s32 $0xFFFFC180  }
0xb8: {  	[spmem:s2] =	stream.indirect.scatter.add.f32 [tilespmem:s1], [sflag:$0x3], $0x80, s9, s0, $0xb8;
	[tilespmem:$0x1E500] =	vst v63  }
0xb9: {  	_ =	swait.ge [sflag:s29], $0x3E80  }
0xba: {  	s10 =	smov.u32 s14;
	s9 =	sshra.s32 s12, $0x2;
	[sflag:s29] =	ssyncset.done $0x0  }
0xbb: {  	s10 =	sadd.s32 $0x14080, s9;
	[sflag:s29] =	ssyncadd.s32 $0xFFFFC180  }
0xbc: {  	[tilespmem:s1], [sflag:$0x2] =	stream.indirect.gather [hbm4b:s16+s0], $0x80, s10, s0, $0xb8;
	[tilespmem:$0x1E500] =	vst v63  }
0xbd: {  	_ =	swait.ge [sflag:s3], $0x3E80  }
0xbe: {  	[sflag:s3] =	ssyncset.done $0x0  }
0xbf: {  	s12 =	sadd.s32 $0x15400, s9;
	[sflag:s3] =	ssyncadd.s32 $0xFFFFC180  }
0xc0: {  	[spmem:s2] =	stream.indirect.scatter.add.f32 [tilespmem:s28], [sflag:$0x3], $0x80, s12, s0, $0xb8;
	[tilespmem:$0x1E500] =	vst v63  }
0xc1: {  	_ =	swait.ge [sflag:s29], $0x3E80  }
0xc2: {  	[sflag:s29] =	ssyncset.done $0x0  }
0xc3: {  	s14 =	sadd.s32 $0x14100, s9;
	[sflag:s29] =	ssyncadd.s32 $0xFFFFC180  }
0xc4: {  	[tilespmem:s28], [sflag:$0x1] =	stream.indirect.gather [hbm4b:s16+s0], $0x80, s14, s0, $0xb8;
	[tilespmem:$0x1E500] =	vst v63  }
0xc5: {  	_ =	swait.ge [sflag:s4], $0x3E80  }
0xc6: {  	[sflag:s4] =	ssyncset.done $0x0  }
0xc7: {  	s10 =	sadd.s32 $0x15480, s9;
	[sflag:s4] =	ssyncadd.s32 $0xFFFFC180  }
0xc8: {  	[spmem:s2] =	stream.indirect.scatter.add.f32 [tilespmem:s1], [sflag:$0x3], $0x80, s10, s0, $0xb8;
	[tilespmem:$0x1E500] =	vst v63  }
0xc9: {  	_ =	swait.ge [sflag:s29], $0x3E80  }
0xca: {  	[sflag:s29] =	ssyncset.done $0x0  }
0xcb: {  	[sflag:s29] =	ssyncadd.s32 $0xFFFFC180  }
0xcc: {  	[tilespmem:s1], [sflag:$0x2] =	stream.indirect.gather [hbm4b:s16+s0], $0x80, s5, s0, $0xb8;
	[tilespmem:$0x1E500] =	vst v63  }
0xcd: {  	_ =	swait.ge [sflag:s3], $0x3E80  }
0xce: {  	[sflag:s3] =	ssyncset.done $0x0  }
0xcf: {  	[sflag:s3] =	ssyncadd.s32 $0xFFFFC180  }
0xd0: {  	[spmem:s2] =	stream.indirect.scatter.add.f32 [tilespmem:s28], [sflag:$0x3], $0x80, s6, s0, $0xb8;
	[tilespmem:$0x1E500] =	vst v63  }
0xd1: {  	_ =	swait.ge [sflag:s29], $0x3E80  }
0xd2: {  	[sflag:s29] =	ssyncset.done $0x0  }
0xd3: {  	[sflag:s29] =	ssyncadd.s32 $0xFFFFC180  }
0xd4: {  	_ =	swait.ge [sflag:s4], $0x3E80  }
0xd5: {  	[sflag:s4] =	ssyncset.done $0x0  }
0xd6: {  	[sflag:s4] =	ssyncadd.s32 $0xFFFFC180  }
0xd7: {  	[spmem:s2] =	stream.indirect.scatter.add.f32 [tilespmem:s1], [sflag:$0x3], $0x80, s7, s0, $0xb8;
	[tilespmem:$0x1E500] =	vst v63  }
0xd8: {  	_ =	swait.ge [sflag:s29], $0x3E80  }
0xd9: {  	[sflag:s29] =	ssyncset.done $0x0  }
0xda: {  	[sflag:s29] =	ssyncadd.s32 $0xFFFFC180  }
0xdb: {  	[bflag:$0x0] =	sbarrier.arrive $0xFFFF  }
0xdc: {  	[tilespmem:s28], [sflag:$0x3] =	stream.linear.gather [spmem:s18], $0x2800, $0x38;
	[tilespmem:$0x1E500] =	vst v63  }
0xdd: {  	_ =	swait.ge [sflag:s29], $0x2800  }
0xde: {  	[sflag:s29] =	ssyncset.done $0x0  }
0xdf: {  	s11 =	rddreg [dreg:$0x8];
	[sflag:s29] =	ssyncadd.s32 $0xFFFFD800  }
0xe0: {  	[hbm4b:s11+s13] =	stream.linear.scatter [tilespmem:s28], [sflag:$0x3], $0x2800, $0x38;
	[tilespmem:$0x1E500] =	vst v63  }
0xe1: {  	_ =	swait.ge [sflag:s29], $0x2800  }
0xe2: {  	[sflag:s29] =	ssyncset.done $0x0  }
0xe3: {  	[sflag:s29] =	ssyncadd.s32 $0xFFFFD800  }
0xe4: {  	[tilespmem:s28], [sflag:$0x3] =	stream.linear.gather [spmem:s19], $0x2800, $0x38;
	[tilespmem:$0x1E500] =	vst v63  }
0xe5: {  	_ =	swait.ge [sflag:s29], $0x2800  }
0xe6: {  	[sflag:s29] =	ssyncset.done $0x0  }
0xe7: {  	s12 =	rddreg [dreg:$0x9];
	[sflag:s29] =	ssyncadd.s32 $0xFFFFD800  }
0xe8: {  	[hbm4b:s12+s13] =	stream.linear.scatter [tilespmem:s28], [sflag:$0x3], $0x2800, $0x38;
	[tilespmem:$0x1E500] =	vst v63  }
0xe9: {  	_ =	swait.ge [sflag:s29], $0x2800  }
0xea: {  	[sflag:s29] =	ssyncset.done $0x0  }
0xeb: {  	[sflag:s29] =	ssyncadd.s32 $0xFFFFD800  }
0xec: {  	[tilespmem:s28], [sflag:$0x3] =	stream.linear.gather [spmem:s20], $0x2800, $0x38;
	[tilespmem:$0x1E500] =	vst v63  }
0xed: {  	_ =	swait.ge [sflag:s29], $0x2800  }
0xee: {  	[sflag:s29] =	ssyncset.done $0x0  }
0xef: {  	s14 =	rddreg [dreg:$0xa];
	[sflag:s29] =	ssyncadd.s32 $0xFFFFD800  }
0xf0: {  	[hbm4b:s14+s13] =	stream.linear.scatter [tilespmem:s28], [sflag:$0x3], $0x2800, $0x38;
	[tilespmem:$0x1E500] =	vst v63  }
0xf1: {  	_ =	swait.ge [sflag:s29], $0x2800  }
0xf2: {  	[sflag:s29] =	ssyncset.done $0x0  }
0xf3: {  	[sflag:s29] =	ssyncadd.s32 $0xFFFFD800  }
0xf4: {  	[tilespmem:s28], [sflag:$0x3] =	stream.linear.gather [spmem:s21], $0x2800, $0x38;
	[tilespmem:$0x1E500] =	vst v63  }
0xf5: {  	_ =	swait.ge [sflag:s29], $0x2800  }
0xf6: {  	[sflag:s29] =	ssyncset.done $0x0  }
0xf7: {  	s10 =	rddreg [dreg:$0xb];
	[sflag:s29] =	ssyncadd.s32 $0xFFFFD800  }
0xf8: {  	[hbm4b:s10+s13] =	stream.linear.scatter [tilespmem:s28], [sflag:$0x3], $0x2800, $0x38;
	[tilespmem:$0x1E500] =	vst v63  }
0xf9: {  	_ =	swait.ge [sflag:s29], $0x2800  }
0xfa: {  	[sflag:s29] =	ssyncset.done $0x0  }
0xfb: {  	[sflag:s29] =	ssyncadd.s32 $0xFFFFD800  }
0xfc: {  	[tilespmem:s28], [sflag:$0x3] =	stream.linear.gather [spmem:s22], $0x2800, $0x38;
	[tilespmem:$0x1E500] =	vst v63  }
0xfd: {  	_ =	swait.ge [sflag:s29], $0x2800  }
0xfe: {  	[sflag:s29] =	ssyncset.done $0x0  }
0xff: {  	s11 =	rddreg [dreg:$0xc];
	[sflag:s29] =	ssyncadd.s32 $0xFFFFD800  }
0x100: {  	[hbm4b:s11+s13] =	stream.linear.scatter [tilespmem:s28], [sflag:$0x3], $0x2800, $0x38;
	[tilespmem:$0x1E500] =	vst v63  }
0x101: {  	_ =	swait.ge [sflag:s29], $0x2800  }
0x102: {  	[sflag:s29] =	ssyncset.done $0x0  }
0x103: {  	[sflag:s29] =	ssyncadd.s32 $0xFFFFD800  }
0x104: {  	[tilespmem:s28], [sflag:$0x3] =	stream.linear.gather [spmem:s23], $0x2800, $0x38;
	[tilespmem:$0x1E500] =	vst v63  }
0x105: {  	_ =	swait.ge [sflag:s29], $0x2800  }
0x106: {  	[sflag:s29] =	ssyncset.done $0x0  }
0x107: {  	s12 =	rddreg [dreg:$0xd];
	[sflag:s29] =	ssyncadd.s32 $0xFFFFD800  }
0x108: {  	[hbm4b:s12+s13] =	stream.linear.scatter [tilespmem:s28], [sflag:$0x3], $0x2800, $0x38;
	[tilespmem:$0x1E500] =	vst v63  }
0x109: {  	_ =	swait.ge [sflag:s29], $0x2800  }
0x10a: {  	[sflag:s29] =	ssyncset.done $0x0  }
0x10b: {  	[sflag:s29] =	ssyncadd.s32 $0xFFFFD800  }
0x10c: {  	[tilespmem:s28], [sflag:$0x3] =	stream.linear.gather [spmem:s24], $0x2800, $0x38;
	[tilespmem:$0x1E500] =	vst v63  }
0x10d: {  	_ =	swait.ge [sflag:s29], $0x2800  }
0x10e: {  	[sflag:s29] =	ssyncset.done $0x0  }
0x10f: {  	s14 =	rddreg [dreg:$0xe];
	[sflag:s29] =	ssyncadd.s32 $0xFFFFD800  }
0x110: {  	[hbm4b:s14+s13] =	stream.linear.scatter [tilespmem:s28], [sflag:$0x3], $0x2800, $0x38;
	[tilespmem:$0x1E500] =	vst v63  }
0x111: {  	_ =	swait.ge [sflag:s29], $0x2800  }
0x112: {  	[sflag:s29] =	ssyncset.done $0x0  }
0x113: {  	[sflag:s29] =	ssyncadd.s32 $0xFFFFD800  }
0x114: {  	[tilespmem:s28], [sflag:$0x3] =	stream.linear.gather [spmem:s25], $0x2800, $0x38;
	[tilespmem:$0x1E500] =	vst v63  }
0x115: {  	s8 =	sadd.s32 $0x1, s8;
	_ =	swait.ge [sflag:s29], $0x2800  }
0x116: {  	p0 =	sne.s32 s8, s26;
	[sflag:s29] =	ssyncset.done $0x0  }
.Ltmp2:
0x117: {  	[sflag:s29] =	ssyncadd.s32 $0xFFFFD800;
	(pc) =	sbr.rel @p0 .LBB2_1-.Ltmp2, $4  }
0x118: {  	[hbm4b:s15+s13] =	stream.linear.scatter [tilespmem:s28], [sflag:$0x3], $0x2800, $0x38;
	[tilespmem:$0x1E500] =	vst v63  }
0x119: {  	_ =	swait.ge [sflag:s29], $0x2800  }
0x11a: {  	[sflag:s29] =	ssyncset.done $0x0  }
0x11b: {  	[sflag:s29] =	ssyncadd.s32 $0xFFFFD800  }
0x11c: {  	_ =	sfence.sel $0x180000  }
0x11d: {  	[bflag:$0x0] =	sbarrier.arrive $0xFFFF  }
0x11e: {  	_ =	strace $0x9000004A  }
0x11f: {  	s0 =	stileid.u32;
	[bflag:$0x2] =	sbarrier.arrive $0xFFFF  }
0x120: {  	p0 =	sne.s32 s0, $0x0;
	s0 =	rddreg [dreg:$0x3]  }
0x121: {  	s0 =	sadd.s32 @!p0 $0x100000, s0  }
0x122: {  	[sflag:s0] =	ssyncadd.tile.s32 @!p0 $0x1;
	_ =	shalt  }
.Lfunc_end2:
_tile_overlayer_lowered:
.L_overlay_start_2:
0x123: {  	(tag) =	ssettag $0x2  }
0x124: {  	s0 =	rddreg [dreg:$0x0];
	s2 =	stileid.u32  }
0x125: {  	s1 =	rddreg [dreg:$0x1];
	p0 =	sne.s32 s2, $0x0  }
0x126: {  	s3 =	rddreg [dreg:$0x2];
	[bflag:$0x3] =	sbarrier.arrive $0xFFFF;
	s2 =	simm.s32 @!p0 $0x1C03  }
0x127: {  	[timem:s3], [sflag:s2] =	dma.local @!p0 [hbm:s0], s1  }
0x128: {  	s0 =	simm.s32 @!p0 $0x3  }
0x129: {  	_ =	swait.ge @!p0 [sflag:s0], s1  }
0x12a: {  	s1 =	ssub.s32 @!p0 $0x0, s1;
	[sflag:s0] =	ssyncset.done @!p0 $0x0  }
0x12b: {  	[sflag:s0] =	ssyncadd.s32 @!p0 s1  }
0x12c: {  	[bflag:$0x3] =	sbarrier.arrive $0xFFFF  }
0x12d: {  	_ =	shalt  }

// kernel: kernel.15.cloned.1.call-start
scs
__scs_entry_jumppad:
0x0: {  	(pc) =	sbr.rel $0x88, $3  }
0x1: {  	(tag) =	ssettag $0x0;
	lr =	simm.s32 $0x1  }
0x2: {  	[smem:$0x3F9B] =	sst lr;
	_ =	strace $0xD0000000  }
0x3: {  	_ = 	snop  }
0x4: {  	_ = 	snop  }
0x5: {  	_ = 	snop  }
0x6: {  	_ = 	snop  }
0x7: {  	_ = 	snop  }
__scs_overlays_trampoline_lowered:
0x8: {  	[smem:$0x3FAA] =	sst s0  }
0x9: {  	[smem:$0x3FAB] =	sst s1  }
0xa: {  	[smem:$0x3FAC] =	sst s2  }
0xb: {  	[smem:$0x3FAD] =	sst s3  }
0xc: {  	[smem:$0x3FAE] =	sst s4  }
0xd: {  	[smem:$0x3FAF] =	sst s5  }
0xe: {  	[smem:$0x3FB0] =	sst s6  }
0xf: {  	[smem:$0x3FB1] =	sst s7  }
0x10: {  	[smem:$0x3FB2] =	sst s8  }
0x11: {  	[smem:$0x3FB3] =	sst s9;
	s0 =	simm.s32 @!p0 $0x0  }
0x12: {  	s1 =	sld [smem:$0x3F99];
	s0 =	simm.s32 @p0 $0x1  }
0x13: {  	[smem:$0x3FB4] =	sst s0;
	s0 =	simm.s32 @!p1 $0x0  }
0x14: {  	s2 =	sld [smem:$0x3F98];
	s0 =	simm.s32 @p1 $0x1  }
0x15: {  	[smem:$0x3FB5] =	sst s0;
	s0 =	simm.s32 @!p2 $0x0  }
0x16: {  	s3 =	sld [smem:$0x3FDB];
	s0 =	simm.s32 @p2 $0x1  }
0x17: {  	s4 =	simm.s32 $0x1BF5;
	[smem:$0x3FB7] =	sst s0  }
0x18: {  	s0 =	sld [smem:$0x3F9A];
	_ =	swait.ge [sflag:s4], $0x0  }
0x19: {  	s7 =	sld [smem:$0x3F9B]  }
0x1a: {  	s8 =	sadd.s32 $0xFFFFE003, lr  }
0x1b: {  	s9 =	sadd.s32 $0xFFFFFEF7, lr;
	s5 =	simm.s32 $0xFFFFFFFF;
	p2 =	slt.u32 s8, $0xFFFFF086  }
0x1c: {  	p1 =	slt.u32 s9, $0xF7A;
	s5 =	simm.s32 @!p2 $0x0  }
0x1d: {  	s5 =	simm.s32 @p1 $0x1;
	p0 =	seq.s32 s7, s2  }
0x1e: {  	s7 =	smul.u32 @!p0 $0xF7A, s2;
	p2 =	seq.s32 @!p0 s5, $0x0  }
0x1f: {  	s9 =	smul.u32 $0xF7A, s1;
	s8 =	simm.s32 @!p0 $0x1BF5;
	p2 =	por !p2, p0  }
0x20: {  	[sflag:s8] =	ssyncset.s32 @!p0 $0xFFFFF086;
	s6 =	sadd.s32 @!p0 s3, s7;
	s7 =	simm.s32 @!p0 $0x108  }
0x21: {  	s3 =	sadd.s32 s3, s9;
	s6 =	sadd.s32 @!p0 $0x88, s6;
	s7 =	simm.s32 @p2 $0x1082  }
0x22: {  	[simem:s7], [sflag:s8] =	dma.local @!p0 [hbm:s6], $0xF7A  }
0x23: {  	s9 =	sor.u32 $0xD0000000, s2;
	s6 =	simm.s32 $0x108;
	_ =	swait.ge @!p0 [sflag:s8], $0x0  }
0x24: {  	s3 =	sadd.s32 $0x88, s3;
	s6 =	simm.s32 @!p1 $0x1082;
	[sflag:s4] =	ssyncset.s32 $0xFFFFF086  }
0x25: {  	[simem:s6], [sflag:s4] =	dma.local [hbm:s3], $0xF7A  }
0x26: {  	[smem:$0x3F9B] =	sst s1;
	(tag) =	ssettag s2;
	_ =	strace s9  }
0x27: {  	s1 =	sld [smem:$0x3FAB]  }
0x28: {  	s2 =	sld [smem:$0x3FAC]  }
0x29: {  	s4 =	sld [smem:$0x3FAE]  }
0x2a: {  	p0 =	seq.s32 s5, $0x0;
	s5 =	sld [smem:$0x3FAF]  }
0x2b: {  	s6 =	sld [smem:$0x3FB0]  }
0x2c: {  	s7 =	sld [smem:$0x3FB1]  }
0x2d: {  	s3 =	simm.s32 $0x108;
	s8 =	sld [smem:$0x3FB2]  }
0x2e: {  	s3 =	simm.s32 @!p0 $0x1082;
	s9 =	sld [smem:$0x3FB3]  }
0x2f: {  	lr =	sadd.s32 s0, s3;
	s0 =	sld [smem:$0x3FAA]  }
0x30: {  	s3 =	sld [smem:$0x3FAD]  }
0x31: {  	[smem:$0x3FB6] =	sst s10  }
0x32: {  	s10 =	sld [smem:$0x3FB4];
	_ =	sdelay $0x3  }
0x33: {  	p0 =	seq.s32 s10, $0x1;
	s10 =	sld [smem:$0x3FB6];
	_ =	sdelay $0x3  }
0x34: {  	[smem:$0x3FB6] =	sst s10  }
0x35: {  	s10 =	sld [smem:$0x3FB5];
	_ =	sdelay $0x3  }
0x36: {  	p1 =	seq.s32 s10, $0x1;
	s10 =	sld [smem:$0x3FB6];
	_ =	sdelay $0x3  }
0x37: {  	[smem:$0x3FB6] =	sst s10  }
0x38: {  	s10 =	sld [smem:$0x3FB7]  }
0x39: {  	_ = 	snop;
	(pc) =	sbr.ind lr, $3  }
0x3a: {  	_ = 	snop  }
0x3b: {  	_ = 	snop  }
0x3c: {  	p2 =	seq.s32 s10, $0x1;
	s10 =	sld [smem:$0x3FB6]  }
0x3d: {  	_ =	shalt  }
0x3e: {  	_ =	shalt  }
0x3f: {  	_ =	shalt  }
0x40: {  	_ =	shalt  }
0x41: {  	_ =	shalt  }
0x42: {  	_ =	shalt  }
0x43: {  	_ =	shalt  }
0x44: {  	_ =	shalt  }
0x45: {  	_ =	shalt  }
0x46: {  	_ =	shalt  }
0x47: {  	_ =	shalt  }
0x48: {  	_ =	shalt  }
0x49: {  	_ =	shalt  }
0x4a: {  	_ =	shalt  }
0x4b: {  	_ =	shalt  }
0x4c: {  	_ =	shalt  }
0x4d: {  	_ =	shalt  }
0x4e: {  	_ =	shalt  }
0x4f: {  	_ =	shalt  }
0x50: {  	_ =	shalt  }
0x51: {  	_ =	shalt  }
0x52: {  	_ =	shalt  }
0x53: {  	_ =	shalt  }
0x54: {  	_ =	shalt  }
0x55: {  	_ =	shalt  }
0x56: {  	_ =	shalt  }
0x57: {  	_ =	shalt  }
0x58: {  	_ =	shalt  }
0x59: {  	_ =	shalt  }
0x5a: {  	_ =	shalt  }
0x5b: {  	_ =	shalt  }
0x5c: {  	_ =	shalt  }
0x5d: {  	_ =	shalt  }
0x5e: {  	_ =	shalt  }
0x5f: {  	_ =	shalt  }
0x60: {  	_ =	shalt  }
0x61: {  	_ =	shalt  }
0x62: {  	_ =	shalt  }
0x63: {  	_ =	shalt  }
0x64: {  	_ =	shalt  }
0x65: {  	_ =	shalt  }
0x66: {  	_ =	shalt  }
0x67: {  	_ =	shalt  }
0x68: {  	_ =	shalt  }
0x69: {  	_ =	shalt  }
0x6a: {  	_ =	shalt  }
0x6b: {  	_ =	shalt  }
0x6c: {  	_ =	shalt  }
0x6d: {  	_ =	shalt  }
0x6e: {  	_ =	shalt  }
0x6f: {  	_ =	shalt  }
0x70: {  	_ =	shalt  }
0x71: {  	_ =	shalt  }
0x72: {  	_ =	shalt  }
0x73: {  	_ =	shalt  }
0x74: {  	_ =	shalt  }
0x75: {  	_ =	shalt  }
0x76: {  	_ =	shalt  }
0x77: {  	_ =	shalt  }
0x78: {  	_ =	shalt  }
0x79: {  	_ =	shalt  }
0x7a: {  	_ =	shalt  }
0x7b: {  	_ =	shalt  }
0x7c: {  	_ =	shalt  }
0x7d: {  	_ =	shalt  }
0x7e: {  	_ =	shalt  }
0x7f: {  	_ =	shalt  }
0x80: {  	_ =	shalt  }
0x81: {  	_ =	shalt  }
0x82: {  	_ =	shalt  }
0x83: {  	_ =	shalt  }
0x84: {  	_ =	shalt  }
0x85: {  	_ =	shalt  }
0x86: {  	_ =	shalt  }
0x87: {  	_ =	shalt  }
.Lfunc_end0:
.L_simem_size_0:
called_computation.2_lowered:
.L_overlay_start_0:
0x88: {  	s2 =	sld [smem:$0x3FD9]  }
0x89: {  	s3 =	sld [smem:$0x3FFE];
	_ =	sdelay $0x1  }
0x8a: {  	s1 =	srdreg.scid  }
0x8b: {  	s0 =	sand.u32 $0x1, s1  }
0x8c: {  	s17 =	sshll.u32 s0, $0xA;
	s2 =	sadd.s32 s3, s2  }
0x8d: {  	s2 =	sadd.s32 s2, s17  }
0x8e: {  	[smem:$0x3FC2] =	sst s2  }
0x8f: {  	_ = 	snop  }
0x90: {  	s2 =	sld [smem:$0x3FD0];
	(tm) =	ssettm $0x1  }
0x91: {  	s18 =	sld [smem:$0x3FFB];
	_ =	sdelay $0x3  }
0x92: {  	_ =	strace s18  }
0x93: {  	s3 =	sld [smem:$0x3FFC];
	_ =	sdelay $0x3  }
0x94: {  	_ =	strace s3  }
0x95: {  	s3 =	sld [smem:$0x3FFD];
	_ =	sdelay $0x3  }
0x96: {  	_ =	strace s3  }
0x97: {  	_ =	strace $0x8FFFFFFF  }
0x98: {  	s19 =	sld [smem:$0x3FDB];
	_ =	sdelay $0x1  }
0x99: {  	s4 =	simm.s32 $_scs_section_size  }
0x9a: {  	s5 =	simm.s32 $_size__tile_overlayer_lowered;
	s6 =	simm.s32 $_tile_overlayer_lowered  }
0x9b: {  	s22 =	simm.s32 $0x1BFF;
	s21 =	sshll.u32 s6, $0x1;
	s3 =	sadd.s32 s4, s19  }
0x9c: {  	s7 =	simm.s32 $0x0;
	s20 =	sshll.u32 s5, $0x1;
	s5 =	sadd.s32 s21, s3  }
0x9d: {  	[timem:s7], [sflag:s22] =	dma.local [hbm:s5], s20  }
0x9e: {  	_ =	swait.ge [sflag:s22], s20  }
0x9f: {  	s4 =	ssub.s32 $0x0, s20;
	[sflag:s22] =	ssyncset.done $0x0  }
0xa0: {  	[sflag:s22] =	ssyncadd.s32 s4;
	_ =	sdelay $0x1  }
0xa1: {  	s23 =	simm.s32 $0x1B8B  }
0xa2: {  	_ =	swait.ge [sflag:s23], $0x1  }
0xa3: {  	[sflag:s23] =	ssyncset.done $0x0  }
0xa4: {  	s25 =	simm.s32 $0x1B8E;
	s24 =	sld [smem:$0x3FFE];
	[sflag:s23] =	ssyncadd.s32 $0xFFFFFFFF  }
0xa5: {  	s26 =	simm.s32 $execute0_lowered;
	[smem:$0x3FD2] =	sst s25  }
0xa6: {  	s5 =	sshll.u32 s26, $0x1;
	_ =	strace $0x8000004C;
	[dreg:$0x1] =	wrdreg $0xFFFFFFFF  }
0xa7: {  	s28 =	simm.s32 $_size_execute0_lowered;
	s3 =	sadd.s32 s3, s5;
	[dreg:$0x0] =	wrdreg $0x0  }
0xa8: {  	s5 =	sshll.u32 s28, $0x1;
	[dreg:$0x2] =	wrdreg s3  }
0xa9: {  	[dreg:$0x3] =	wrdreg s5  }
0xaa: {  	[dreg:$0x4] =	wrdreg $0xC0  }
0xab: {  	_ =	task [dreg:s7], $0x5FFFF  }
0xac: {  	[dreg:$0x1] =	wrdreg $0xFFFFFFFF  }
0xad: {  	[dreg:$0x0] =	wrdreg $0x60  }
0xae: {  	[dreg:$0x2] =	wrdreg s24  }
0xaf: {  	[dreg:$0x3] =	wrdreg s2  }
0xb0: {  	[dreg:$0x4] =	wrdreg $0x0  }
0xb1: {  	[dreg:$0x5] =	wrdreg $0x9  }
0xb2: {  	_ =	task.clear_ibuf [dreg:s7], $0x6FFFF;
	_ =	strace $0x9000004C  }
0xb3: {  	s29 =	simm.s32 $0x9;
	_ =	strace $0x8000004E  }
0xb4: {  	_ =	swait.ge [sflag:s29], $0x1  }
0xb5: {  	[sflag:s29] =	ssyncadd.s32 $0xFFFFFFFF  }
0xb6: {  	_ =	strace $0x9000004E  }
0xb7: {  	_ =	sfence  }
0xb8: {  	s30 =	sld [smem:$0x0];
	_ =	sdelay $0x2  }
0xb9: {  	s31 =	sshll.u32 s1, $0xD;
	s1 =	sshrl.u32 s1, $0x2  }
0xba: {  	s3 =	sand.u32 $0x4000, s31;
	s1 =	sadd.s32 s1, s30  }
0xbb: {  	s0 =	sor.u32 s3, s0;
	s1 =	sshll.u32 s1, $0x11  }
0xbc: {  	s0 =	sor.u32 s1, s0  }
0xbd: {  	s0 =	sadd.s32 $0x8F2B, s0  }
0xbe: {  	[sflag:s0] =	ssyncadd.remote.s32 $0x1  }
0xbf: {  	_ =	sfence.sel $0xFFFF  }
0xc0: {  	[dreg:$0x0] =	wrdreg $0xFFFFFFFF;
	(pc) =	sbr.abs _section_cstart, $3  }
0xc1: {  	[dreg:$0x1] =	wrdreg $0xFFFFFFFF  }
0xc2: {  	_ =	task.clear_ibuf [dreg:s7], $0x2FFFF;
	_ =	strace $0x9FFFFFFF  }
0xc3: {  	(tm) =	ssettm $0x7FFFFFFF  }
tec
execute0_lowered:
.L_overlay_start_1:
0x0: {  	(tag) =	ssettag $0x1  }
0x1: {  	s0 =	rddreg [dreg:$0x0]  }
0x2: {  	s2 =	rddreg [dreg:$0x1]  }
0x3: {  	s1 =	rddreg [dreg:$0x2];
	s3 =	srdreg.scid  }
0x4: {  	s7 =	stileid.u32;
	s28 =	simm.s32 $0x7800;
	s30 =	simm.s32 $0x7D  }
0x5: {  	s31 =	simm.s32 $0xDF70;
	s29 =	simm.s32 $0x0;
	s5 =	sand.u32 $0x1, s3  }
0x6: {  	s3 =	simm.s32 $0x0;
	s14 =	smul.u32 $0x7800, s7;
	s11 =	sadd.s32 $0x11C00, s0  }
0x7: {  	s4 =	sshll.u32 s5, $0x4;
	[smem:$0x7FF] =	sst s3;
	s6 =	ssub.s32 $0x2, s5  }
0x8: {  	s5 =	smul.u32 $0x78000, s5;
	s4 =	sor.u32 s7, s4;
	_ =	strace $0x8000004D  }
0x9: {  	[dreg:$0x4] =	wrdreg s11;
	s12 =	sshrl.u32 s6, $0x1;
	s16 =	sadd.s32 $0xF00, s14  }
0xa: {  	s17 =	sadd.s32 $0x1E00, s14;
	s18 =	sadd.s32 $0x2D00, s14;
	s19 =	sadd.s32 $0x3C00, s14  }
0xb: {  	s20 =	sadd.s32 $0x4B00, s14;
	s21 =	sadd.s32 $0x5A00, s14;
	s13 =	smul.u32 $0x500, s4  }
0xc: {  	s4 =	sadd.s32 $0x3000, s0;
	s24 =	ssub.s32 s6, s12;
	s6 =	sadd.s32 s14, s1  }
0xd: {  	s7 =	sadd.s32 s16, s1;
	s8 =	sadd.s32 s17, s1;
	s9 =	sadd.s32 s18, s1  }
0xe: {  	s10 =	sadd.s32 s19, s1;
	s11 =	sadd.s32 s20, s1;
	s12 =	sadd.s32 s21, s1  }
0xf: {  	s16 =	sadd.s32 s5, s16;
	s22 =	sadd.s32 s5, s17;
	s23 =	sadd.s32 s5, s18  }
0x10: {  	s19 =	sadd.s32 s5, s19;
	s25 =	sadd.s32 s5, s20;
	s26 =	sadd.s32 s5, s21  }
0x11: {  	s18 =	sshrl.u32 s16, $0x3;
	s21 =	sshrl.u32 s22, $0x3;
	s22 =	sshrl.u32 s23, $0x3  }
0x12: {  	s23 =	sshrl.u32 s19, $0x3;
	s25 =	sshrl.u32 s25, $0x3;
	s26 =	sshrl.u32 s26, $0x3  }
0x13: {  	s24 =	smax.u32 s24, $0x1;
	s15 =	sadd.s32 s13, s0;
	s2 =	sadd.s32 s2, s13  }
0x14: {  	s0 =	sadd.s32 $0x21200, s0;
	s13 =	sadd.s32 s14, s5;
	[dreg:$0x5] =	wrdreg s2  }
0x15: {  	s2 =	sadd.s32 $0x6900, s14;
	s15 =	sadd.s32 $0x17200, s15;
	s17 =	sshrl.u32 s13, $0x3  }
0x16: {  	s20 =	sadd.s32 s0, s18;
	s18 =	sadd.s32 s0, s21;
	s19 =	sadd.s32 s0, s22  }
0x17: {  	s21 =	sadd.s32 s0, s25;
	s22 =	sadd.s32 s0, s26;
	s25 =	simm.s32 $0xC800  }
0x18: {  	s26 =	simm.s32 $0x3;
	s5 =	sadd.s32 s5, s2;
	[dreg:$0x6] =	wrdreg s15  }
0x19: {  	s14 =	sadd.s32 s2, s1;
	s2 =	sadd.s32 s0, s17;
	[dreg:$0x8] =	wrdreg s20  }
0x1a: {  	s20 =	sadd.s32 s0, s23;
	[dreg:$0x7] =	wrdreg s2;
	s5 =	sshrl.u32 s5, $0x3  }
0x1b: {  	s2 =	simm.s32 $0x2;
	s23 =	sadd.s32 s0, s5;
	s0 =	simm.s32 $0x1  }
.LBB2_1:
0x1c: {  	s5 =	rddreg [dreg:$0x4]  }
0x1d: {  	[tilespmem:s25], [sflag:$0x3] =	stream.linear.gather [hbm4b:s5+s3], $0x1770, $0x38;
	[tilespmem:$0xF6E0] =	vst v63  }
0x1e: {  	_ =	swait.ge [sflag:s26], $0x1770  }
0x1f: {  	[sflag:s26] =	ssyncset.done $0x0  }
0x20: {  	[sflag:s26] =	ssyncadd.s32 $0xFFFFE890  }
0x21: {  	[spmem:s6] =	stream.linear.scatter [tilespmem:s25], [sflag:$0x3], $0xF00, $0x38;
	[tilespmem:$0xF6E0] =	vst v63  }
0x22: {  	_ =	swait.ge [sflag:s26], $0xF00  }
0x23: {  	[sflag:s26] =	ssyncset.done $0x0  }
0x24: {  	[sflag:s26] =	ssyncadd.s32 $0xFFFFF100  }
0x25: {  	[spmem:s7] =	stream.linear.scatter [tilespmem:s25], [sflag:$0x3], $0xF00, $0x38;
	[tilespmem:$0xF6E0] =	vst v63  }
0x26: {  	_ =	swait.ge [sflag:s26], $0xF00  }
0x27: {  	[sflag:s26] =	ssyncset.done $0x0  }
0x28: {  	[sflag:s26] =	ssyncadd.s32 $0xFFFFF100  }
0x29: {  	[spmem:s8] =	stream.linear.scatter [tilespmem:s25], [sflag:$0x3], $0xF00, $0x38;
	[tilespmem:$0xF6E0] =	vst v63  }
0x2a: {  	_ =	swait.ge [sflag:s26], $0xF00  }
0x2b: {  	[sflag:s26] =	ssyncset.done $0x0  }
0x2c: {  	[sflag:s26] =	ssyncadd.s32 $0xFFFFF100  }
0x2d: {  	[spmem:s9] =	stream.linear.scatter [tilespmem:s25], [sflag:$0x3], $0xF00, $0x38;
	[tilespmem:$0xF6E0] =	vst v63  }
0x2e: {  	_ =	swait.ge [sflag:s26], $0xF00  }
0x2f: {  	[sflag:s26] =	ssyncset.done $0x0  }
0x30: {  	[sflag:s26] =	ssyncadd.s32 $0xFFFFF100  }
0x31: {  	[spmem:s10] =	stream.linear.scatter [tilespmem:s25], [sflag:$0x3], $0xF00, $0x38;
	[tilespmem:$0xF6E0] =	vst v63  }
0x32: {  	_ =	swait.ge [sflag:s26], $0xF00  }
0x33: {  	[sflag:s26] =	ssyncset.done $0x0  }
0x34: {  	[sflag:s26] =	ssyncadd.s32 $0xFFFFF100  }
0x35: {  	[spmem:s11] =	stream.linear.scatter [tilespmem:s25], [sflag:$0x3], $0xF00, $0x38;
	[tilespmem:$0xF6E0] =	vst v63  }
0x36: {  	_ =	swait.ge [sflag:s26], $0xF00  }
0x37: {  	[sflag:s26] =	ssyncset.done $0x0  }
0x38: {  	[sflag:s26] =	ssyncadd.s32 $0xFFFFF100  }
0x39: {  	[spmem:s12] =	stream.linear.scatter [tilespmem:s25], [sflag:$0x3], $0xF00, $0x38;
	[tilespmem:$0xF6E0] =	vst v63  }
0x3a: {  	_ =	swait.ge [sflag:s26], $0xF00  }
0x3b: {  	[sflag:s26] =	ssyncset.done $0x0  }
0x3c: {  	[sflag:s26] =	ssyncadd.s32 $0xFFFFF100  }
0x3d: {  	[spmem:s14] =	stream.linear.scatter [tilespmem:s25], [sflag:$0x3], $0xF00, $0x38;
	[tilespmem:$0xF6E0] =	vst v63  }
0x3e: {  	_ =	swait.ge [sflag:s26], $0xF00  }
0x3f: {  	[sflag:s26] =	ssyncset.done $0x0  }
0x40: {  	[sflag:s26] =	ssyncadd.s32 $0xFFFFF100  }
0x41: {  	[bflag:$0x0] =	sbarrier.arrive $0xFFFF  }
0x42: {  	s16 =	rddreg [dreg:$0x5]  }
0x43: {  	[tilespmem:s28], [sflag:$0x3] =	stream.linear.gather [hbm4b:s16+s3], $0x2800, $0x38;
	[tilespmem:$0xF6E0] =	vst v63  }
0x44: {  	_ =	swait.ge [sflag:s26], $0x2800  }
0x45: {  	[sflag:s26] =	ssyncset.done $0x0  }
0x46: {  	s13 =	simm.s32 $0xA000;
	s17 =	rddreg [dreg:$0x6];
	[sflag:s26] =	ssyncadd.s32 $0xFFFFD800  }
0x47: {  	[tilespmem:s13], [sflag:$0x3] =	stream.linear.gather [hbm4b:s17+s3], $0x2800, $0x38;
	[tilespmem:$0xF6E0] =	vst v63  }
0x48: {  	_ =	swait.ge [sflag:s26], $0x2800  }
0x49: {  	[sflag:s26] =	ssyncset.done $0x0  }
0x4a: {  	[sflag:s26] =	ssyncadd.s32 $0xFFFFD800  }
0x4b: {  	[tilespmem:s25], [sflag:$0x1] =	stream.indirect.gather [hbm4b:s4+s30], $0x30, s28, s30, $0xb8;
	[tilespmem:$0xF6E0] =	vst v63  }
0x4c: {  	s13 =	simm.s32 $0x7880  }
0x4d: {  	[tilespmem:s31], [sflag:$0x2] =	stream.indirect.gather [hbm4b:s4+s30], $0x30, s13, s30, $0xb8;
	[tilespmem:$0xF6E0] =	vst v63  }
0x4e: {  	_ =	swait.ge [sflag:s0], $0x1770  }
0x4f: {  	[sflag:s0] =	ssyncset.done $0x0  }
0x50: {  	s15 =	simm.s32 $0xA000;
	[sflag:s0] =	ssyncadd.s32 $0xFFFFE890  }
0x51: {  	[spmem:s1] =	stream.indirect.scatter.add.f32 [tilespmem:s25], [sflag:$0x3], $0x30, s15, s30, $0xb8;
	[tilespmem:$0xF6E0] =	vst v63  }
0x52: {  	_ =	swait.ge [sflag:s26], $0x1770  }
0x53: {  	[sflag:s26] =	ssyncset.done $0x0  }
0x54: {  	s16 =	simm.s32 $0x7900;
	[sflag:s26] =	ssyncadd.s32 $0xFFFFE890  }
0x55: {  	[tilespmem:s25], [sflag:$0x1] =	stream.indirect.gather [hbm4b:s4+s30], $0x30, s16, s30, $0xb8;
	[tilespmem:$0xF6E0] =	vst v63  }
0x56: {  	_ =	swait.ge [sflag:s2], $0x1770  }
0x57: {  	[sflag:s2] =	ssyncset.done $0x0  }
0x58: {  	s17 =	simm.s32 $0xA080;
	[sflag:s2] =	ssyncadd.s32 $0xFFFFE890  }
0x59: {  	[spmem:s1] =	stream.indirect.scatter.add.f32 [tilespmem:s31], [sflag:$0x3], $0x30, s17, s30, $0xb8;
	[tilespmem:$0xF6E0] =	vst v63  }
0x5a: {  	_ =	swait.ge [sflag:s26], $0x1770  }
0x5b: {  	s5 =	simm.s32 $0x100;
	s13 =	simm.s32 $0x800;
	[sflag:s26] =	ssyncset.done $0x0  }
.LBB2_2:
0x5c: {  	s15 =	sadd.s32 $0x7880, s5  }
0x5d: {  	[sflag:s26] =	ssyncadd.s32 $0xFFFFE890;
	s16 =	smov.u32 s13;
	s17 =	sadd.s32 $0x400, s13  }
0x5e: {  	[tilespmem:s31], [sflag:$0x2] =	stream.indirect.gather [hbm4b:s4+s30], $0x30, s15, s30, $0xb8;
	[tilespmem:$0xF6E0] =	vst v63  }
0x5f: {  	p0 =	sne.s32 s13, $0x9800;
	_ =	swait.ge [sflag:s0], $0x1770  }
0x60: {  	[sflag:s0] =	ssyncset.done $0x0  }
0x61: {  	s13 =	sadd.s32 $0xA000, s5;
	[sflag:s0] =	ssyncadd.s32 $0xFFFFE890  }
0x62: {  	[spmem:s1] =	stream.indirect.scatter.add.f32 [tilespmem:s25], [sflag:$0x3], $0x30, s13, s30, $0xb8;
	[tilespmem:$0xF6E0] =	vst v63  }
0x63: {  	_ =	swait.ge [sflag:s26], $0x1770  }
0x64: {  	[sflag:s26] =	ssyncset.done $0x0  }
0x65: {  	s13 =	sadd.s32 $0x7900, s5;
	[sflag:s26] =	ssyncadd.s32 $0xFFFFE890  }
0x66: {  	[tilespmem:s25], [sflag:$0x1] =	stream.indirect.gather [hbm4b:s4+s30], $0x30, s13, s30, $0xb8;
	[tilespmem:$0xF6E0] =	vst v63  }
0x67: {  	_ =	swait.ge [sflag:s2], $0x1770  }
.Ltmp0:
0x68: {  	[sflag:s2] =	ssyncset.done $0x0;
	(pc) =	sbr.rel @p0 .LBB2_2-.Ltmp0, $4  }
0x69: {  	s5 =	sadd.s32 $0xA080, s5;
	[sflag:s2] =	ssyncadd.s32 $0xFFFFE890  }
0x6a: {  	[spmem:s1] =	stream.indirect.scatter.add.f32 [tilespmem:s31], [sflag:$0x3], $0x30, s5, s30, $0xb8;
	[tilespmem:$0xF6E0] =	vst v63  }
0x6b: {  	_ =	swait.ge [sflag:s26], $0x1770  }
0x6c: {  	s13 =	smov.u32 s17;
	s5 =	sshra.s32 s16, $0x2;
	[sflag:s26] =	ssyncset.done $0x0  }
0x6d: {  	s13 =	sadd.s32 $0x7880, s5;
	[sflag:s26] =	ssyncadd.s32 $0xFFFFE890  }
0x6e: {  	[tilespmem:s31], [sflag:$0x2] =	stream.indirect.gather [hbm4b:s4+s30], $0x30, s13, s30, $0xb8;
	[tilespmem:$0xF6E0] =	vst v63  }
0x6f: {  	_ =	swait.ge [sflag:s0], $0x1770  }
0x70: {  	[sflag:s0] =	ssyncset.done $0x0  }
0x71: {  	s17 =	sadd.s32 $0xA000, s5;
	[sflag:s0] =	ssyncadd.s32 $0xFFFFE890  }
0x72: {  	[spmem:s1] =	stream.indirect.scatter.add.f32 [tilespmem:s25], [sflag:$0x3], $0x30, s17, s30, $0xb8;
	[tilespmem:$0xF6E0] =	vst v63  }
0x73: {  	_ =	swait.ge [sflag:s26], $0x1770  }
0x74: {  	[sflag:s26] =	ssyncset.done $0x0  }
0x75: {  	s15 =	sadd.s32 $0x7900, s5;
	[sflag:s26] =	ssyncadd.s32 $0xFFFFE890  }
0x76: {  	[tilespmem:s25], [sflag:$0x1] =	stream.indirect.gather [hbm4b:s4+s30], $0x30, s15, s30, $0xb8;
	[tilespmem:$0xF6E0] =	vst v63  }
0x77: {  	_ =	swait.ge [sflag:s2], $0x1770  }
0x78: {  	[sflag:s2] =	ssyncset.done $0x0  }
0x79: {  	s16 =	sadd.s32 $0xA080, s5;
	[sflag:s2] =	ssyncadd.s32 $0xFFFFE890  }
0x7a: {  	[spmem:s1] =	stream.indirect.scatter.add.f32 [tilespmem:s31], [sflag:$0x3], $0x30, s16, s30, $0xb8;
	[tilespmem:$0xF6E0] =	vst v63  }
0x7b: {  	_ =	swait.ge [sflag:s26], $0x1770  }
0x7c: {  	[sflag:s26] =	ssyncset.done $0x0  }
0x7d: {  	s17 =	simm.s32 $0x9F80;
	[sflag:s26] =	ssyncadd.s32 $0xFFFFE890  }
0x7e: {  	[tilespmem:s31], [sflag:$0x2] =	stream.indirect.gather [hbm4b:s4+s30], $0x30, s17, s30, $0xb8;
	[tilespmem:$0xF6E0] =	vst v63  }
0x7f: {  	_ =	swait.ge [sflag:s0], $0x1770  }
0x80: {  	[sflag:s0] =	ssyncset.done $0x0  }
0x81: {  	s13 =	simm.s32 $0xC700;
	[sflag:s0] =	ssyncadd.s32 $0xFFFFE890  }
0x82: {  	[spmem:s1] =	stream.indirect.scatter.add.f32 [tilespmem:s25], [sflag:$0x3], $0x30, s13, s30, $0xb8;
	[tilespmem:$0xF6E0] =	vst v63  }
0x83: {  	_ =	swait.ge [sflag:s26], $0x1770  }
0x84: {  	[sflag:s26] =	ssyncset.done $0x0  }
0x85: {  	[sflag:s26] =	ssyncadd.s32 $0xFFFFE890  }
0x86: {  	_ =	swait.ge [sflag:s2], $0x1770  }
0x87: {  	[sflag:s2] =	ssyncset.done $0x0  }
0x88: {  	s15 =	simm.s32 $0xC780;
	[sflag:s2] =	ssyncadd.s32 $0xFFFFE890  }
0x89: {  	[spmem:s1] =	stream.indirect.scatter.add.f32 [tilespmem:s31], [sflag:$0x3], $0x30, s15, s30, $0xb8;
	[tilespmem:$0xF6E0] =	vst v63  }
0x8a: {  	_ =	swait.ge [sflag:s26], $0x1770  }
0x8b: {  	[sflag:s26] =	ssyncset.done $0x0  }
0x8c: {  	[sflag:s26] =	ssyncadd.s32 $0xFFFFE890  }
0x8d: {  	[bflag:$0x0] =	sbarrier.arrive $0xFFFF  }
0x8e: {  	[tilespmem:s25], [sflag:$0x3] =	stream.linear.gather [spmem:s6], $0xF00, $0x38;
	[tilespmem:$0xF6E0] =	vst v63  }
0x8f: {  	_ =	swait.ge [sflag:s26], $0xF00  }
0x90: {  	[sflag:s26] =	ssyncset.done $0x0  }
0x91: {  	s16 =	rddreg [dreg:$0x7];
	[sflag:s26] =	ssyncadd.s32 $0xFFFFF100  }
0x92: {  	[hbm4b:s16+s3] =	stream.linear.scatter [tilespmem:s25], [sflag:$0x3], $0xF00, $0x38;
	[tilespmem:$0xF6E0] =	vst v63  }
0x93: {  	_ =	swait.ge [sflag:s26], $0xF00  }
0x94: {  	[sflag:s26] =	ssyncset.done $0x0  }
0x95: {  	[sflag:s26] =	ssyncadd.s32 $0xFFFFF100  }
0x96: {  	[tilespmem:s25], [sflag:$0x3] =	stream.linear.gather [spmem:s7], $0xF00, $0x38;
	[tilespmem:$0xF6E0] =	vst v63  }
0x97: {  	_ =	swait.ge [sflag:s26], $0xF00  }
0x98: {  	[sflag:s26] =	ssyncset.done $0x0  }
0x99: {  	s17 =	rddreg [dreg:$0x8];
	[sflag:s26] =	ssyncadd.s32 $0xFFFFF100  }
0x9a: {  	[hbm4b:s17+s3] =	stream.linear.scatter [tilespmem:s25], [sflag:$0x3], $0xF00, $0x38;
	[tilespmem:$0xF6E0] =	vst v63  }
0x9b: {  	_ =	swait.ge [sflag:s26], $0xF00  }
0x9c: {  	[sflag:s26] =	ssyncset.done $0x0  }
0x9d: {  	[sflag:s26] =	ssyncadd.s32 $0xFFFFF100  }
0x9e: {  	[tilespmem:s25], [sflag:$0x3] =	stream.linear.gather [spmem:s8], $0xF00, $0x38;
	[tilespmem:$0xF6E0] =	vst v63  }
0x9f: {  	_ =	swait.ge [sflag:s26], $0xF00  }
0xa0: {  	[sflag:s26] =	ssyncset.done $0x0  }
0xa1: {  	[sflag:s26] =	ssyncadd.s32 $0xFFFFF100  }
0xa2: {  	[hbm4b:s18+s3] =	stream.linear.scatter [tilespmem:s25], [sflag:$0x3], $0xF00, $0x38;
	[tilespmem:$0xF6E0] =	vst v63  }
0xa3: {  	_ =	swait.ge [sflag:s26], $0xF00  }
0xa4: {  	[sflag:s26] =	ssyncset.done $0x0  }
0xa5: {  	[sflag:s26] =	ssyncadd.s32 $0xFFFFF100  }
0xa6: {  	[tilespmem:s25], [sflag:$0x3] =	stream.linear.gather [spmem:s9], $0xF00, $0x38;
	[tilespmem:$0xF6E0] =	vst v63  }
0xa7: {  	_ =	swait.ge [sflag:s26], $0xF00  }
0xa8: {  	[sflag:s26] =	ssyncset.done $0x0  }
0xa9: {  	[sflag:s26] =	ssyncadd.s32 $0xFFFFF100  }
0xaa: {  	[hbm4b:s19+s3] =	stream.linear.scatter [tilespmem:s25], [sflag:$0x3], $0xF00, $0x38;
	[tilespmem:$0xF6E0] =	vst v63  }
0xab: {  	_ =	swait.ge [sflag:s26], $0xF00  }
0xac: {  	[sflag:s26] =	ssyncset.done $0x0  }
0xad: {  	[sflag:s26] =	ssyncadd.s32 $0xFFFFF100  }
0xae: {  	[tilespmem:s25], [sflag:$0x3] =	stream.linear.gather [spmem:s10], $0xF00, $0x38;
	[tilespmem:$0xF6E0] =	vst v63  }
0xaf: {  	_ =	swait.ge [sflag:s26], $0xF00  }
0xb0: {  	[sflag:s26] =	ssyncset.done $0x0  }
0xb1: {  	[sflag:s26] =	ssyncadd.s32 $0xFFFFF100  }
0xb2: {  	[hbm4b:s20+s3] =	stream.linear.scatter [tilespmem:s25], [sflag:$0x3], $0xF00, $0x38;
	[tilespmem:$0xF6E0] =	vst v63  }
0xb3: {  	_ =	swait.ge [sflag:s26], $0xF00  }
0xb4: {  	[sflag:s26] =	ssyncset.done $0x0  }
0xb5: {  	[sflag:s26] =	ssyncadd.s32 $0xFFFFF100  }
0xb6: {  	[tilespmem:s25], [sflag:$0x3] =	stream.linear.gather [spmem:s11], $0xF00, $0x38;
	[tilespmem:$0xF6E0] =	vst v63  }
0xb7: {  	_ =	swait.ge [sflag:s26], $0xF00  }
0xb8: {  	[sflag:s26] =	ssyncset.done $0x0  }
0xb9: {  	[sflag:s26] =	ssyncadd.s32 $0xFFFFF100  }
0xba: {  	[hbm4b:s21+s3] =	stream.linear.scatter [tilespmem:s25], [sflag:$0x3], $0xF00, $0x38;
	[tilespmem:$0xF6E0] =	vst v63  }
0xbb: {  	_ =	swait.ge [sflag:s26], $0xF00  }
0xbc: {  	[sflag:s26] =	ssyncset.done $0x0  }
0xbd: {  	[sflag:s26] =	ssyncadd.s32 $0xFFFFF100  }
0xbe: {  	[tilespmem:s25], [sflag:$0x3] =	stream.linear.gather [spmem:s12], $0xF00, $0x38;
	[tilespmem:$0xF6E0] =	vst v63  }
0xbf: {  	_ =	swait.ge [sflag:s26], $0xF00  }
0xc0: {  	[sflag:s26] =	ssyncset.done $0x0  }
0xc1: {  	[sflag:s26] =	ssyncadd.s32 $0xFFFFF100  }
0xc2: {  	[hbm4b:s22+s3] =	stream.linear.scatter [tilespmem:s25], [sflag:$0x3], $0xF00, $0x38;
	[tilespmem:$0xF6E0] =	vst v63  }
0xc3: {  	_ =	swait.ge [sflag:s26], $0xF00  }
0xc4: {  	[sflag:s26] =	ssyncset.done $0x0  }
0xc5: {  	[sflag:s26] =	ssyncadd.s32 $0xFFFFF100  }
0xc6: {  	[tilespmem:s25], [sflag:$0x3] =	stream.linear.gather [spmem:s14], $0xF00, $0x38;
	[tilespmem:$0xF6E0] =	vst v63  }
0xc7: {  	s29 =	sadd.s32 $0x1, s29;
	_ =	swait.ge [sflag:s26], $0xF00  }
0xc8: {  	p0 =	sne.s32 s29, s24;
	[sflag:s26] =	ssyncset.done $0x0  }
.Ltmp1:
0xc9: {  	[sflag:s26] =	ssyncadd.s32 $0xFFFFF100;
	(pc) =	sbr.rel @p0 .LBB2_1-.Ltmp1, $4  }
0xca: {  	[hbm4b:s23+s3] =	stream.linear.scatter [tilespmem:s25], [sflag:$0x3], $0xF00, $0x38;
	[tilespmem:$0xF6E0] =	vst v63  }
0xcb: {  	_ =	swait.ge [sflag:s26], $0xF00  }
0xcc: {  	[sflag:s26] =	ssyncset.done $0x0  }
0xcd: {  	[sflag:s26] =	ssyncadd.s32 $0xFFFFF100  }
0xce: {  	_ =	sfence.sel $0x180000  }
0xcf: {  	[bflag:$0x0] =	sbarrier.arrive $0xFFFF  }
0xd0: {  	_ =	strace $0x9000004D  }
0xd1: {  	s0 =	stileid.u32;
	[bflag:$0x2] =	sbarrier.arrive $0xFFFF  }
0xd2: {  	p0 =	sne.s32 s0, $0x0;
	s0 =	rddreg [dreg:$0x3]  }
0xd3: {  	s0 =	sadd.s32 @!p0 $0x100000, s0  }
0xd4: {  	[sflag:s0] =	ssyncadd.tile.s32 @!p0 $0x1;
	_ =	shalt  }
.Lfunc_end2:
_tile_overlayer_lowered:
.L_overlay_start_2:
0xd5: {  	(tag) =	ssettag $0x2  }
0xd6: {  	s0 =	rddreg [dreg:$0x0];
	s2 =	stileid.u32  }
0xd7: {  	s1 =	rddreg [dreg:$0x1];
	p0 =	sne.s32 s2, $0x0  }
0xd8: {  	s3 =	rddreg [dreg:$0x2];
	[bflag:$0x3] =	sbarrier.arrive $0xFFFF;
	s2 =	simm.s32 @!p0 $0x1C03  }
0xd9: {  	[timem:s3], [sflag:s2] =	dma.local @!p0 [hbm:s0], s1  }
0xda: {  	s0 =	simm.s32 @!p0 $0x3  }
0xdb: {  	_ =	swait.ge @!p0 [sflag:s0], s1  }
0xdc: {  	s1 =	ssub.s32 @!p0 $0x0, s1;
	[sflag:s0] =	ssyncset.done @!p0 $0x0  }
0xdd: {  	[sflag:s0] =	ssyncadd.s32 @!p0 s1  }
0xde: {  	[bflag:$0x3] =	sbarrier.arrive $0xFFFF  }
0xdf: {  	_ =	shalt  }

// kernel: kernel.9.cloned.1.call-start
scs
__scs_entry_jumppad:
0x0: {  	(pc) =	sbr.rel $0x88, $3  }
0x1: {  	(tag) =	ssettag $0x0;
	lr =	simm.s32 $0x1  }
0x2: {  	[smem:$0x3F9B] =	sst lr;
	_ =	strace $0xD0000000  }
0x3: {  	_ = 	snop  }
0x4: {  	_ = 	snop  }
0x5: {  	_ = 	snop  }
0x6: {  	_ = 	snop  }
0x7: {  	_ = 	snop  }
__scs_overlays_trampoline_lowered:
0x8: {  	[smem:$0x3FAA] =	sst s0  }
0x9: {  	[smem:$0x3FAB] =	sst s1  }
0xa: {  	[smem:$0x3FAC] =	sst s2  }
0xb: {  	[smem:$0x3FAD] =	sst s3  }
0xc: {  	[smem:$0x3FAE] =	sst s4  }
0xd: {  	[smem:$0x3FAF] =	sst s5  }
0xe: {  	[smem:$0x3FB0] =	sst s6  }
0xf: {  	[smem:$0x3FB1] =	sst s7  }
0x10: {  	[smem:$0x3FB2] =	sst s8  }
0x11: {  	[smem:$0x3FB3] =	sst s9;
	s0 =	simm.s32 @!p0 $0x0  }
0x12: {  	s1 =	sld [smem:$0x3F99];
	s0 =	simm.s32 @p0 $0x1  }
0x13: {  	[smem:$0x3FB4] =	sst s0;
	s0 =	simm.s32 @!p1 $0x0  }
0x14: {  	s2 =	sld [smem:$0x3F98];
	s0 =	simm.s32 @p1 $0x1  }
0x15: {  	[smem:$0x3FB5] =	sst s0;
	s0 =	simm.s32 @!p2 $0x0  }
0x16: {  	s3 =	sld [smem:$0x3FDB];
	s0 =	simm.s32 @p2 $0x1  }
0x17: {  	s4 =	simm.s32 $0x1BF5;
	[smem:$0x3FB7] =	sst s0  }
0x18: {  	s0 =	sld [smem:$0x3F9A];
	_ =	swait.ge [sflag:s4], $0x0  }
0x19: {  	s7 =	sld [smem:$0x3F9B]  }
0x1a: {  	s8 =	sadd.s32 $0xFFFFE003, lr  }
0x1b: {  	s9 =	sadd.s32 $0xFFFFFEF7, lr;
	s5 =	simm.s32 $0xFFFFFFFF;
	p2 =	slt.u32 s8, $0xFFFFF086  }
0x1c: {  	p1 =	slt.u32 s9, $0xF7A;
	s5 =	simm.s32 @!p2 $0x0  }
0x1d: {  	s5 =	simm.s32 @p1 $0x1;
	p0 =	seq.s32 s7, s2  }
0x1e: {  	s7 =	smul.u32 @!p0 $0xF7A, s2;
	p2 =	seq.s32 @!p0 s5, $0x0  }
0x1f: {  	s9 =	smul.u32 $0xF7A, s1;
	s8 =	simm.s32 @!p0 $0x1BF5;
	p2 =	por !p2, p0  }
0x20: {  	[sflag:s8] =	ssyncset.s32 @!p0 $0xFFFFF086;
	s6 =	sadd.s32 @!p0 s3, s7;
	s7 =	simm.s32 @!p0 $0x108  }
0x21: {  	s3 =	sadd.s32 s3, s9;
	s6 =	sadd.s32 @!p0 $0x88, s6;
	s7 =	simm.s32 @p2 $0x1082  }
0x22: {  	[simem:s7], [sflag:s8] =	dma.local @!p0 [hbm:s6], $0xF7A  }
0x23: {  	s9 =	sor.u32 $0xD0000000, s2;
	s6 =	simm.s32 $0x108;
	_ =	swait.ge @!p0 [sflag:s8], $0x0  }
0x24: {  	s3 =	sadd.s32 $0x88, s3;
	s6 =	simm.s32 @!p1 $0x1082;
	[sflag:s4] =	ssyncset.s32 $0xFFFFF086  }
0x25: {  	[simem:s6], [sflag:s4] =	dma.local [hbm:s3], $0xF7A  }
0x26: {  	[smem:$0x3F9B] =	sst s1;
	(tag) =	ssettag s2;
	_ =	strace s9  }
0x27: {  	s1 =	sld [smem:$0x3FAB]  }
0x28: {  	s2 =	sld [smem:$0x3FAC]  }
0x29: {  	s4 =	sld [smem:$0x3FAE]  }
0x2a: {  	p0 =	seq.s32 s5, $0x0;
	s5 =	sld [smem:$0x3FAF]  }
0x2b: {  	s6 =	sld [smem:$0x3FB0]  }
0x2c: {  	s7 =	sld [smem:$0x3FB1]  }
0x2d: {  	s3 =	simm.s32 $0x108;
	s8 =	sld [smem:$0x3FB2]  }
0x2e: {  	s3 =	simm.s32 @!p0 $0x1082;
	s9 =	sld [smem:$0x3FB3]  }
0x2f: {  	lr =	sadd.s32 s0, s3;
	s0 =	sld [smem:$0x3FAA]  }
0x30: {  	s3 =	sld [smem:$0x3FAD]  }
0x31: {  	[smem:$0x3FB6] =	sst s10  }
0x32: {  	s10 =	sld [smem:$0x3FB4];
	_ =	sdelay $0x3  }
0x33: {  	p0 =	seq.s32 s10, $0x1;
	s10 =	sld [smem:$0x3FB6];
	_ =	sdelay $0x3  }
0x34: {  	[smem:$0x3FB6] =	sst s10  }
0x35: {  	s10 =	sld [smem:$0x3FB5];
	_ =	sdelay $0x3  }
0x36: {  	p1 =	seq.s32 s10, $0x1;
	s10 =	sld [smem:$0x3FB6];
	_ =	sdelay $0x3  }
0x37: {  	[smem:$0x3FB6] =	sst s10  }
0x38: {  	s10 =	sld [smem:$0x3FB7]  }
0x39: {  	_ = 	snop;
	(pc) =	sbr.ind lr, $3  }
0x3a: {  	_ = 	snop  }
0x3b: {  	_ = 	snop  }
0x3c: {  	p2 =	seq.s32 s10, $0x1;
	s10 =	sld [smem:$0x3FB6]  }
0x3d: {  	_ =	shalt  }
0x3e: {  	_ =	shalt  }
0x3f: {  	_ =	shalt  }
0x40: {  	_ =	shalt  }
0x41: {  	_ =	shalt  }
0x42: {  	_ =	shalt  }
0x43: {  	_ =	shalt  }
0x44: {  	_ =	shalt  }
0x45: {  	_ =	shalt  }
0x46: {  	_ =	shalt  }
0x47: {  	_ =	shalt  }
0x48: {  	_ =	shalt  }
0x49: {  	_ =	shalt  }
0x4a: {  	_ =	shalt  }
0x4b: {  	_ =	shalt  }
0x4c: {  	_ =	shalt  }
0x4d: {  	_ =	shalt  }
0x4e: {  	_ =	shalt  }
0x4f: {  	_ =	shalt  }
0x50: {  	_ =	shalt  }
0x51: {  	_ =	shalt  }
0x52: {  	_ =	shalt  }
0x53: {  	_ =	shalt  }
0x54: {  	_ =	shalt  }
0x55: {  	_ =	shalt  }
0x56: {  	_ =	shalt  }
0x57: {  	_ =	shalt  }
0x58: {  	_ =	shalt  }
0x59: {  	_ =	shalt  }
0x5a: {  	_ =	shalt  }
0x5b: {  	_ =	shalt  }
0x5c: {  	_ =	shalt  }
0x5d: {  	_ =	shalt  }
0x5e: {  	_ =	shalt  }
0x5f: {  	_ =	shalt  }
0x60: {  	_ =	shalt  }
0x61: {  	_ =	shalt  }
0x62: {  	_ =	shalt  }
0x63: {  	_ =	shalt  }
0x64: {  	_ =	shalt  }
0x65: {  	_ =	shalt  }
0x66: {  	_ =	shalt  }
0x67: {  	_ =	shalt  }
0x68: {  	_ =	shalt  }
0x69: {  	_ =	shalt  }
0x6a: {  	_ =	shalt  }
0x6b: {  	_ =	shalt  }
0x6c: {  	_ =	shalt  }
0x6d: {  	_ =	shalt  }
0x6e: {  	_ =	shalt  }
0x6f: {  	_ =	shalt  }
0x70: {  	_ =	shalt  }
0x71: {  	_ =	shalt  }
0x72: {  	_ =	shalt  }
0x73: {  	_ =	shalt  }
0x74: {  	_ =	shalt  }
0x75: {  	_ =	shalt  }
0x76: {  	_ =	shalt  }
0x77: {  	_ =	shalt  }
0x78: {  	_ =	shalt  }
0x79: {  	_ =	shalt  }
0x7a: {  	_ =	shalt  }
0x7b: {  	_ =	shalt  }
0x7c: {  	_ =	shalt  }
0x7d: {  	_ =	shalt  }
0x7e: {  	_ =	shalt  }
0x7f: {  	_ =	shalt  }
0x80: {  	_ =	shalt  }
0x81: {  	_ =	shalt  }
0x82: {  	_ =	shalt  }
0x83: {  	_ =	shalt  }
0x84: {  	_ =	shalt  }
0x85: {  	_ =	shalt  }
0x86: {  	_ =	shalt  }
0x87: {  	_ =	shalt  }
.Lfunc_end0:
.L_simem_size_0:
called_computation_lowered:
.L_overlay_start_0:
0x88: {  	s2 =	sld [smem:$0x3FD9]  }
0x89: {  	s3 =	sld [smem:$0x3FFE];
	_ =	sdelay $0x1  }
0x8a: {  	s1 =	srdreg.scid  }
0x8b: {  	s0 =	sand.u32 $0x1, s1  }
0x8c: {  	s16 =	sshll.u32 s0, $0xA;
	s2 =	sadd.s32 s3, s2  }
0x8d: {  	s2 =	sadd.s32 s2, s16  }
0x8e: {  	[smem:$0x3FC2] =	sst s2  }
0x8f: {  	_ = 	snop  }
0x90: {  	(tm) =	ssettm $0x1  }
0x91: {  	s17 =	sld [smem:$0x3FFB];
	_ =	sdelay $0x3  }
0x92: {  	_ =	strace s17  }
0x93: {  	s2 =	sld [smem:$0x3FFC];
	_ =	sdelay $0x3  }
0x94: {  	_ =	strace s2  }
0x95: {  	s2 =	sld [smem:$0x3FFD];
	_ =	sdelay $0x3  }
0x96: {  	_ =	strace s2  }
0x97: {  	_ =	strace $0x8FFFFFFF  }
0x98: {  	s18 =	sld [smem:$0x3FDB];
	_ =	sdelay $0x1  }
0x99: {  	s19 =	simm.s32 $_scs_section_size  }
0x9a: {  	s4 =	simm.s32 $_size__tile_overlayer_lowered;
	s5 =	simm.s32 $_tile_overlayer_lowered  }
0x9b: {  	s22 =	simm.s32 $0x1BFF;
	s21 =	sshll.u32 s5, $0x1;
	s2 =	sadd.s32 s19, s18  }
0x9c: {  	s6 =	simm.s32 $0x0;
	s20 =	sshll.u32 s4, $0x1;
	s4 =	sadd.s32 s21, s2  }
0x9d: {  	[timem:s6], [sflag:s22] =	dma.local [hbm:s4], s20  }
0x9e: {  	_ =	swait.ge [sflag:s22], s20  }
0x9f: {  	s3 =	ssub.s32 $0x0, s20;
	[sflag:s22] =	ssyncset.done $0x0  }
0xa0: {  	[sflag:s22] =	ssyncadd.s32 s3;
	_ =	sdelay $0x1  }
0xa1: {  	s23 =	simm.s32 $0x1B8B  }
0xa2: {  	_ =	swait.ge [sflag:s23], $0x1  }
0xa3: {  	[sflag:s23] =	ssyncset.done $0x0  }
0xa4: {  	s25 =	simm.s32 $0x1B8E;
	s24 =	sld [smem:$0x3FFE];
	[sflag:s23] =	ssyncadd.s32 $0xFFFFFFFF  }
0xa5: {  	s26 =	simm.s32 $execute0_lowered;
	[smem:$0x3FD2] =	sst s25  }
0xa6: {  	s4 =	sshll.u32 s26, $0x1;
	_ =	strace $0x80000046;
	[dreg:$0x1] =	wrdreg $0xFFFFFFFF  }
0xa7: {  	s28 =	simm.s32 $_size_execute0_lowered;
	s2 =	sadd.s32 s2, s4;
	[dreg:$0x0] =	wrdreg $0x0  }
0xa8: {  	s4 =	sshll.u32 s28, $0x1;
	[dreg:$0x2] =	wrdreg s2  }
0xa9: {  	[dreg:$0x3] =	wrdreg s4  }
0xaa: {  	[dreg:$0x4] =	wrdreg $0xC0  }
0xab: {  	_ =	task [dreg:s6], $0x5FFFF  }
0xac: {  	[dreg:$0x1] =	wrdreg $0xFFFFFFFF  }
0xad: {  	[dreg:$0x0] =	wrdreg $0x60  }
0xae: {  	[dreg:$0x2] =	wrdreg s24  }
0xaf: {  	[dreg:$0x3] =	wrdreg $0x9  }
0xb0: {  	_ =	task.clear_ibuf [dreg:s6], $0x4FFFF;
	_ =	strace $0x90000046  }
0xb1: {  	s29 =	simm.s32 $0x9;
	_ =	strace $0x80000048  }
0xb2: {  	_ =	swait.ge [sflag:s29], $0x1  }
0xb3: {  	[sflag:s29] =	ssyncadd.s32 $0xFFFFFFFF  }
0xb4: {  	_ =	strace $0x90000048  }
0xb5: {  	_ =	sfence  }
0xb6: {  	s30 =	sld [smem:$0x0];
	_ =	sdelay $0x2  }
0xb7: {  	s31 =	sshll.u32 s1, $0xD;
	s1 =	sshrl.u32 s1, $0x2  }
0xb8: {  	s3 =	sand.u32 $0x4000, s31;
	s1 =	sadd.s32 s1, s30  }
0xb9: {  	s0 =	sor.u32 s3, s0;
	s1 =	sshll.u32 s1, $0x11  }
0xba: {  	s0 =	sor.u32 s1, s0  }
0xbb: {  	s0 =	sadd.s32 $0x8F2B, s0  }
0xbc: {  	[sflag:s0] =	ssyncadd.remote.s32 $0x1  }
0xbd: {  	_ =	sfence.sel $0xFFFF  }
0xbe: {  	[dreg:$0x0] =	wrdreg $0xFFFFFFFF;
	(pc) =	sbr.abs _section_cstart, $3  }
0xbf: {  	[dreg:$0x1] =	wrdreg $0xFFFFFFFF  }
0xc0: {  	_ =	task.clear_ibuf [dreg:s6], $0x2FFFF;
	_ =	strace $0x9FFFFFFF  }
0xc1: {  	(tm) =	ssettm $0x7FFFFFFF  }
tec
execute0_lowered:
.L_overlay_start_1:
0x0: {  	(tag) =	ssettag $0x1  }
0x1: {  	s0 =	srdreg.scid  }
0x2: {  	s4 =	rddreg [dreg:$0x0];
	s1 =	stileid.u32;
	s3 =	sand.u32 $0x1, s0  }
0x3: {  	s2 =	simm.s32 $0x0;
	s8 =	simm.s32 $0x2710;
	s5 =	sshll.u32 s3, $0x4  }
0x4: {  	s9 =	simm.s32 $0x0;
	s0 =	rddreg [dreg:$0x1];
	s5 =	sor.u32 s1, s5  }
0x5: {  	[smem:$0x7FF] =	sst s2;
	s6 =	ssub.s32 $0x2, s3;
	s5 =	smul.u32 $0x4E2, s5  }
0x6: {  	_ =	strace $0x80000047;
	s3 =	sadd.s32 $0xCE00, s4;
	s7 =	sshrl.u32 s6, $0x1  }
0x7: {  	s6 =	ssub.s32 s6, s7;
	s7 =	simm.s32 $0x1;
	s5 =	sadd.s32 s5, s4  }
0x8: {  	v0 =	vimm.f32 $1.000000000e+00;
	s6 =	smax.u32 s6, $0x1;
	s4 =	sadd.s32 $0x3000, s5;
	s5 =	sadd.s32 $0xD400, s5  }
.LBB2_1:
0x9: {  	[tilespmem:s2], [sflag:$0x1] =	stream.linear.gather [hbm4b:s3+s2], $0x2710, $0x38;
	[tilespmem:$0x4E20] =	vst v63  }
0xa: {  	_ =	swait.ge [sflag:s7], $0x2710  }
0xb: {  	[sflag:s7] =	ssyncset.done $0x0  }
0xc: {  	[sflag:s7] =	ssyncadd.s32 $0xFFFFD8F0  }
0xd: {  	[tilespmem:s8], [sflag:$0x1] =	stream.linear.gather [hbm4b:s4+s2], $0x2710, $0x38;
	[tilespmem:$0x4E20] =	vst v63  }
0xe: {  	_ =	swait.ge [sflag:s7], $0x2710  }
0xf: {  	[sflag:s7] =	ssyncset.done $0x0  }
0x10: {  	s11 =	simm.s32 $0x0;
	s10 =	simm.s32 $0x40;
	[sflag:s7] =	ssyncadd.s32 $0xFFFFD8F0  }
.LBB2_2:
0x11: {  	p0 =	sne.s32 s10, $0x9C00;
	v1 =	vld [tilespmem:s11+$0x2710];
	_ =	sdelay $0x3  }
.Ltmp0:
0x12: {  	(pc) =	sbr.rel @p0 .LBB2_2-.Ltmp0, $2  }
0x13: {  	_ =	sdelay $0x2  }
0x14: {  	s11 =	sshra.s32 s10, $0x2;
	s10 =	sadd.s32 $0x40, s10;
	[tilespmem:v1+s2+$0x0] =	vst.idx.add.f32.msk $0xffff, v0  }
0x15: {  	v1 =	vld [tilespmem:s11+$0x2710];
	_ =	sdelay $0x5  }
0x16: {  	s9 =	sadd.s32 $0x1, s9  }
0x17: {  	p0 =	sne.s32 s9, s6  }
.Ltmp1:
0x18: {  	[tilespmem:v1+s2+$0x0] =	vst.idx.add.f32.msk $0xffff, v0;
	(pc) =	sbr.rel @p0 .LBB2_1-.Ltmp1, $4  }
0x19: {  	[hbm4b:s5+s2] =	stream.linear.scatter [tilespmem:s2], [sflag:$0x1], $0x2710, $0x38;
	[tilespmem:$0x4E20] =	vst v63  }
0x1a: {  	_ =	swait.ge [sflag:s7], $0x2710  }
0x1b: {  	[sflag:s7] =	ssyncset.done $0x0  }
0x1c: {  	[sflag:s7] =	ssyncadd.s32 $0xFFFFD8F0  }
0x1d: {  	_ =	sfence.sel $0x180000  }
0x1e: {  	[bflag:$0x0] =	sbarrier.arrive $0xFFFF  }
0x1f: {  	p0 =	sne.s32 s1, $0x0;
	_ =	strace $0x90000047  }
0x20: {  	s0 =	sadd.s32 @!p0 $0x100000, s0;
	[bflag:$0x2] =	sbarrier.arrive $0xFFFF  }
0x21: {  	[sflag:s0] =	ssyncadd.tile.s32 @!p0 $0x1;
	_ =	shalt  }
.Lfunc_end2:
_tile_overlayer_lowered:
.L_overlay_start_2:
0x22: {  	(tag) =	ssettag $0x2  }
0x23: {  	s0 =	rddreg [dreg:$0x0];
	s2 =	stileid.u32  }
0x24: {  	s1 =	rddreg [dreg:$0x1];
	p0 =	sne.s32 s2, $0x0  }
0x25: {  	s3 =	rddreg [dreg:$0x2];
	[bflag:$0x3] =	sbarrier.arrive $0xFFFF;
	s2 =	simm.s32 @!p0 $0x1C01  }
0x26: {  	[timem:s3], [sflag:s2] =	dma.local @!p0 [hbm:s0], s1  }
0x27: {  	s0 =	simm.s32 @!p0 $0x1  }
0x28: {  	_ =	swait.ge @!p0 [sflag:s0], s1  }
0x29: {  	s1 =	ssub.s32 @!p0 $0x0, s1;
	[sflag:s0] =	ssyncset.done @!p0 $0x0  }
0x2a: {  	[sflag:s0] =	ssyncadd.s32 @!p0 s1  }
0x2b: {  	[bflag:$0x3] =	sbarrier.arrive $0xFFFF  }
0x2c: {  	_ =	shalt  }

</sc_bundles>
